<compile_context>
chip_gen: v7x
topology: tpu7x:2x2x1
jax: 0.10.2.dev20260603
libtpu: 0.0.44.dev20260713+nightly
codegen_flags: <defaults>
</compile_context>

<pallas_src>
import functools

import jax
import jax.numpy as jnp
from jax import lax
from jax.experimental import pallas as pl
from jax.experimental.pallas import tpu as pltpu
from jax.experimental.pallas import tpu_sc as plsc

_N = 10000
_E = 320000
_H = 128

_NC = 2
_NS = 16
_NW = _NC * _NS
_C = 80
_CPW = _E // _C // _NW
_BLK = 64
_RPT = 640


def _segsum_body(x_hbm, src_hbm, dst_hbm, zeros_hbm, out_hbm,
                 src_v, dst_v, rows_v, acc, gsem):
    c = lax.axis_index("c")
    s = lax.axis_index("s")
    wid = s * _NC + c

    @pl.when(s < _NS - 1)
    def _():
        pltpu.sync_copy(zeros_hbm.at[pl.ds(s * _RPT, _RPT)],
                        acc.at[pl.ds(s * _RPT, _RPT)])

    @pl.when(s == _NS - 1)
    def _():
        pltpu.sync_copy(zeros_hbm.at[pl.ds(_N - 400, 400)],
                        acc.at[pl.ds(_N - 400, 400)])

    plsc.subcore_barrier()

    def issue_g(j, k):
        pltpu.async_copy(x_hbm.at[src_v.at[j]], rows_v.at[k], gsem.at[k])

    def wait_g(j, k):
        pltpu.make_async_copy(x_hbm.at[src_v.at[j]], rows_v.at[k],
                              gsem.at[k]).wait()

    def scatter(j, k):
        pltpu.sync_copy(rows_v.at[k], acc.at[dst_v.at[j]], add=True)

    def run_block(base, nch):
        pltpu.sync_copy(src_hbm.at[wid, pl.ds(base, nch)],
                        src_v.at[pl.ds(0, nch)])
        pltpu.sync_copy(dst_hbm.at[wid, pl.ds(base, nch)],
                        dst_v.at[pl.ds(0, nch)])
        issue_g(0, 0)

        def body(i, carry):
            j = 2 * i
            issue_g(j + 1, 1)
            wait_g(j, 0)
            scatter(j, 0)
            issue_g(j + 2, 0)
            wait_g(j + 1, 1)
            scatter(j + 1, 1)
            return carry

        pairs = (nch - 2) // 2
        lax.fori_loop(0, pairs, body, 0, unroll=False)
        j = 2 * pairs
        issue_g(j + 1, 1)
        wait_g(j, 0)
        scatter(j, 0)
        if j + 2 < nch:
            issue_g(j + 2, 0)
        wait_g(j + 1, 1)
        scatter(j + 1, 1)
        if j + 2 < nch:
            wait_g(j + 2, 0)
            scatter(j + 2, 0)

    run_block(0, _BLK)
    run_block(_BLK, _CPW - _BLK)

    plsc.subcore_barrier()

    @pl.when(s < _NS - 1)
    def _():
        pltpu.sync_copy(acc.at[pl.ds(s * _RPT, _RPT)],
                        out_hbm.at[c, pl.ds(s * _RPT, _RPT)])

    @pl.when(s == _NS - 1)
    def _():
        pltpu.sync_copy(acc.at[pl.ds(_N - 400, 400)],
                        out_hbm.at[c, pl.ds(_N - 400, 400)])


_segsum = functools.partial(
    pl.kernel,
    out_type=jax.ShapeDtypeStruct((_NC, _N, _H), jnp.float32),
    mesh=plsc.VectorSubcoreMesh(core_axis_name="c", subcore_axis_name="s"),
    scratch_types=[
        pltpu.VMEM((_BLK, _C), jnp.int32),
        pltpu.VMEM((_BLK, _C), jnp.int32),
        pltpu.VMEM((2, _C, _H), jnp.float32),
        pltpu.VMEM_SHARED((_N, _H), jnp.float32),
        pltpu.SemaphoreType.DMA((2,)),
    ],
)(_segsum_body)


def _bn_relu(z, g, b):
    mean = jnp.mean(z, axis=0, keepdims=True)
    d = z - mean
    var = jnp.mean(d * d, axis=0, keepdims=True)
    return jnp.maximum(d * lax.rsqrt(var + 1e-5) * g + b, 0.0)


def _dense1_body(h_ref, p_ref, w_ref, b_ref, eps_ref, ga_ref, ba_ref,
                 gb_ref, bb_ref, o_ref):
    msg = p_ref[0] + p_ref[1]
    hp = (1.0 + eps_ref[0, 0]) * h_ref[...] + msg
    z = jnp.dot(hp, w_ref[...], preferred_element_type=jnp.float32) + b_ref[...]
    u = _bn_relu(z, ga_ref[...], ba_ref[...])
    o_ref[...] = _bn_relu(u, gb_ref[...], bb_ref[...])


def _dense2_body(h_ref, p_ref, w_ref, b_ref, eps_ref, ga_ref, ba_ref,
                 gb_ref, bb_ref, wu_ref, bu_ref, o_ref):
    msg = p_ref[0] + p_ref[1]
    hp = (1.0 + eps_ref[0, 0]) * h_ref[...] + msg
    z = jnp.dot(hp, w_ref[...], preferred_element_type=jnp.float32) + b_ref[...]
    u = _bn_relu(z, ga_ref[...], ba_ref[...])
    v = _bn_relu(u, gb_ref[...], bb_ref[...])
    o_ref[...] = (jnp.dot(v, wu_ref[...], preferred_element_type=jnp.float32)
                  + bu_ref[0, 0])


_dense1 = pl.pallas_call(
    _dense1_body,
    out_shape=jax.ShapeDtypeStruct((_N, _H), jnp.float32),
)

_dense2 = pl.pallas_call(
    _dense2_body,
    out_shape=jax.ShapeDtypeStruct((_N, 1), jnp.float32),
)


def kernel(x, edge_index, W1, b1, W2, b2, eps1, eps2,
           g1a, be1a, g1b, be1b, g2a, be2a, g2b, be2b, Wu, bu):
    src = edge_index[0].astype(jnp.int32).reshape(_NW, _CPW, _C)
    dst = edge_index[1].astype(jnp.int32).reshape(_NW, _CPW, _C)
    zeros = jnp.zeros((_N, _H), jnp.float32)

    row = lambda v: v.reshape(1, _H)
    sca = lambda v: v.reshape(1, 1)

    p1 = _segsum(x, src, dst, zeros)
    h1 = _dense1(x, p1, W1, row(b1), sca(eps1), row(g1a), row(be1a),
                 row(g1b), row(be1b))
    p2 = _segsum(h1, src, dst, zeros)
    scores = _dense2(h1, p2, W2, row(b2), sca(eps2), row(g2a), row(be2a),
                     row(g2b), row(be2b), Wu, sca(bu))
    return scores

# --- scband reference (transcript-rebuilt; emitter-appended) ---
"""Pipeline reference for scband-sub-gi-5944234737799 (READ-ONLY COPY).

The authoritative reference and input builder live on the scoring server;
editing this copy changes nothing except your own understanding.
"""

import jax, jax.numpy as jnp
import numpy as np

N = 10000
E = 320000
D = 128
H = 128


def _batchnorm(h, gamma, beta):
    # torch.nn.BatchNorm1d in training mode: batch statistics, biased variance
    mean = jnp.mean(h, axis=0)
    var = jnp.var(h, axis=0)
    return (h - mean) / jnp.sqrt(var + 1e-5) * gamma + beta


def setup_inputs(seed: int = 0) -> dict:
    key = jax.random.key(seed)
    ks = jax.random.split(key, 8)
    x = jax.random.normal(ks[0], (N, D), dtype=jnp.float32)
    edge_index = jax.random.randint(ks[1], (2, E), 0, N)
    s1 = 1.0 / np.sqrt(D)
    s2 = 1.0 / np.sqrt(H)
    W1 = jax.random.uniform(ks[2], (D, H), minval=-s1, maxval=s1, dtype=jnp.float32)
    b1 = jnp.zeros((H,), dtype=jnp.float32)
    W2 = jax.random.uniform(ks[3], (H, H), minval=-s2, maxval=s2, dtype=jnp.float32)
    b2 = jnp.zeros((H,), dtype=jnp.float32)
    # learnable GIN eps (learn_eps=True, init 0)
    eps1 = jnp.zeros((), dtype=jnp.float32)
    eps2 = jnp.zeros((), dtype=jnp.float32)
    # batchnorm affine params (inner ApplyNodeFunc BN + outer GIN BN, per layer)
    g1a = jnp.ones((H,), dtype=jnp.float32); be1a = jnp.zeros((H,), dtype=jnp.float32)
    g1b = jnp.ones((H,), dtype=jnp.float32); be1b = jnp.zeros((H,), dtype=jnp.float32)
    g2a = jnp.ones((H,), dtype=jnp.float32); be2a = jnp.zeros((H,), dtype=jnp.float32)
    g2b = jnp.ones((H,), dtype=jnp.float32); be2b = jnp.zeros((H,), dtype=jnp.float32)
    # discriminator U_s: Linear(n_hidden, 1)  (model_id == 0 path)
    Wu = jax.random.uniform(ks[4], (H, 1), minval=-s2, maxval=s2, dtype=jnp.float32)
    bu = jnp.zeros((1,), dtype=jnp.float32)
    return {
        "x": x, "edge_index": edge_index,
        "W1": W1, "b1": b1, "W2": W2, "b2": b2,
        "eps1": eps1, "eps2": eps2,
        "g1a": g1a, "be1a": be1a, "g1b": g1b, "be1b": be1b,
        "g2a": g2a, "be2a": be2a, "g2b": g2b, "be2b": be2b,
        "Wu": Wu, "bu": bu,
    }


def reference(x, edge_index, W1, b1, W2, b2, eps1, eps2,
              g1a, be1a, g1b, be1b, g2a, be2a, g2b, be2b, Wu, bu):
    src = edge_index[0]
    dst = edge_index[1]

    def gin_layer(h, W, b, eps, ga, ba, gb, bb):
        # GINConv with 'sum' neighbor pooling: (1+eps)*h + sum_{j in N(i)} h_j
        msg = jax.ops.segment_sum(h[src], dst, num_segments=N)
        h = (1.0 + eps) * h + msg
        # ApplyNodeFunc: MLP (1 linear layer) -> BN -> ReLU
        h = h @ W + b
        h = _batchnorm(h, ga, ba)
        h = jax.nn.relu(h)
        # outer GIN batchnorm + ReLU
        h = _batchnorm(h, gb, bb)
        h = jax.nn.relu(h)
        return h

    # Encoder: GIN with num_layers = n_layers + 1 = 2, num_mlp_layers = 1
    h = gin_layer(x, W1, b1, eps1, g1a, be1a, g1b, be1b)
    h = gin_layer(h, W2, b2, eps2, g2a, be2a, g2b, be2b)
    # SubGDiscriminator model_id == 0: U_s(relu(emb))
    scores = jax.nn.relu(h) @ Wu + bu
    return scores

if __name__ == "__main__":
    import jax
    _d = setup_inputs()
    print(jax.jit(kernel)(*tuple(_d.values())))

</pallas_src>

<mosaic_0001>
#map = affine_map<(d0, d1) -> (0, 0)>
#map1 = affine_map<(d0, d1) -> (0, 0, 0)>
module attributes {stable_mosaic.version = 14 : i64} {
  func.func @_segsum_body(%arg0: i32, %arg1: i32, %arg2: memref<10000x128xf32, #tpu.memory_space<hbm>>, %arg3: memref<32x125x80xi32, #tpu.memory_space<hbm>>, %arg4: memref<32x125x80xi32, #tpu.memory_space<hbm>>, %arg5: memref<10000x128xf32, #tpu.memory_space<hbm>>, %arg6: memref<2x10000x128xf32, #tpu.memory_space<hbm>>, %arg7: memref<64x80xi32, #tpu.memory_space<vmem>>, %arg8: memref<64x80xi32, #tpu.memory_space<vmem>>, %arg9: memref<2x80x128xf32, #tpu.memory_space<vmem>>, %arg10: memref<10000x128xf32, #tpu.memory_space<vmem_shared>>, %arg11: memref<2x!tpu.dma_semaphore, #tpu.memory_space<semaphore_mem>>) attributes {dimension_semantics = [#tpu.dimension_semantics<core_parallel>, #tpu.dimension_semantics<subcore_parallel>], iteration_bounds = array<i64: 2, 16>, scalar_prefetch = 0 : i64, scratch_operands = 5 : i64, tpu.core_type = #tpu.core_type<sc_vector_subcore>, window_params = [{transform_indices = #map}, {transform_indices = #map1}, {transform_indices = #map1}, {transform_indices = #map}, {transform_indices = #map1}]} {
    %mul3A = arith.constant 2 : i32
    %mul3A_0 = arith.muli %arg1, %mul3A : i32
    %add3A = arith.addi %mul3A_0, %arg0 : i32
    %lt3A = arith.constant 15 : i32
    %lt3A_1 = arith.cmpi slt, %arg1, %lt3A : i32
    %convert_element_type3A = arith.extui %lt3A_1 : i1 to i32
    %cond3A = arith.constant 0 : i32
    %cond3A_2 = arith.cmpi ne, %convert_element_type3A, %cond3A : i32
    scf.if %cond3A_2 {
      %mul3A_186 = arith.constant 640 : i32
      %mul3A_187 = arith.muli %arg1, %mul3A_186 : i32
      %mul3A_188 = arith.constant 640 : i32
      %mul3A_189 = arith.muli %arg1, %mul3A_188 : i32
      "tpu.region"() ({
        %run_scoped3A_190 = tpu.sem_alloc : memref<!tpu.dma_semaphore, #tpu.memory_space<semaphore_mem>>
        %dma_start3A_191 = arith.constant 0 : i32
        %dma_start3A_192 = tpu.memref_slice %arg10[%mul3A_189, %dma_start3A_191] : memref<10000x128xf32, #tpu.memory_space<vmem_shared>> -> memref<640x128xf32, #tpu.memory_space<vmem_shared>>
        %dma_start3A_193 = arith.constant 0 : i32
        %dma_start3A_194 = tpu.memref_slice %arg5[%mul3A_187, %dma_start3A_193] : memref<10000x128xf32, #tpu.memory_space<hbm>> -> memref<640x128xf32, #tpu.memory_space<hbm>>
        tpu.enqueue_dma source(%dma_start3A_194 : memref<640x128xf32, #tpu.memory_space<hbm>>) target(%dma_start3A_192 : memref<640x128xf32, #tpu.memory_space<vmem_shared>>) target_semaphore(%run_scoped3A_190 : memref<!tpu.dma_semaphore, #tpu.memory_space<semaphore_mem>>)
        %dma_wait3A_195 = arith.constant 0 : i32
        %dma_wait3A_196 = tpu.memref_slice %arg10[%mul3A_189, %dma_wait3A_195] : memref<10000x128xf32, #tpu.memory_space<vmem_shared>> -> memref<640x128xf32, #tpu.memory_space<vmem_shared>>
        %dma_wait3A_197 = arith.constant 0 : i32
        %dma_wait3A_198 = tpu.memref_slice %arg5[%mul3A_187, %dma_wait3A_197] : memref<10000x128xf32, #tpu.memory_space<hbm>> -> memref<640x128xf32, #tpu.memory_space<hbm>>
        tpu.wait_dma2 semaphore(%run_scoped3A_190 : memref<!tpu.dma_semaphore, #tpu.memory_space<semaphore_mem>>) src(%dma_wait3A_198 : memref<640x128xf32, #tpu.memory_space<hbm>>) dst(%dma_wait3A_196 : memref<640x128xf32, #tpu.memory_space<vmem_shared>>)
        tpu.yield
      }) : () -> ()
    } else {
    }
    %eq3A = arith.constant 15 : i32
    %eq3A_3 = arith.cmpi eq, %arg1, %eq3A : i32
    %convert_element_type3A_4 = arith.extui %eq3A_3 : i1 to i32
    %cond3A_5 = arith.constant 0 : i32
    %cond3A_6 = arith.cmpi ne, %convert_element_type3A_4, %cond3A_5 : i32
    scf.if %cond3A_6 {
      "tpu.region"() ({
        %run_scoped3A_186 = tpu.sem_alloc : memref<!tpu.dma_semaphore, #tpu.memory_space<semaphore_mem>>
        %dma_start3A_187 = arith.constant 9600 : i32
        %dma_start3A_188 = arith.constant 0 : i32
        %dma_start3A_189 = tpu.memref_slice %arg10[%dma_start3A_187, %dma_start3A_188] : memref<10000x128xf32, #tpu.memory_space<vmem_shared>> -> memref<400x128xf32, #tpu.memory_space<vmem_shared>>
        %dma_start3A_190 = arith.constant 9600 : i32
        %dma_start3A_191 = arith.constant 0 : i32
        %dma_start3A_192 = tpu.memref_slice %arg5[%dma_start3A_190, %dma_start3A_191] : memref<10000x128xf32, #tpu.memory_space<hbm>> -> memref<400x128xf32, #tpu.memory_space<hbm>>
        tpu.enqueue_dma source(%dma_start3A_192 : memref<400x128xf32, #tpu.memory_space<hbm>>) target(%dma_start3A_189 : memref<400x128xf32, #tpu.memory_space<vmem_shared>>) target_semaphore(%run_scoped3A_186 : memref<!tpu.dma_semaphore, #tpu.memory_space<semaphore_mem>>)
        %dma_wait3A_193 = arith.constant 9600 : i32
        %dma_wait3A_194 = arith.constant 0 : i32
        %dma_wait3A_195 = tpu.memref_slice %arg10[%dma_wait3A_193, %dma_wait3A_194] : memref<10000x128xf32, #tpu.memory_space<vmem_shared>> -> memref<400x128xf32, #tpu.memory_space<vmem_shared>>
        %dma_wait3A_196 = arith.constant 9600 : i32
        %dma_wait3A_197 = arith.constant 0 : i32
        %dma_wait3A_198 = tpu.memref_slice %arg5[%dma_wait3A_196, %dma_wait3A_197] : memref<10000x128xf32, #tpu.memory_space<hbm>> -> memref<400x128xf32, #tpu.memory_space<hbm>>
        tpu.wait_dma2 semaphore(%run_scoped3A_186 : memref<!tpu.dma_semaphore, #tpu.memory_space<semaphore_mem>>) src(%dma_wait3A_198 : memref<400x128xf32, #tpu.memory_space<hbm>>) dst(%dma_wait3A_195 : memref<400x128xf32, #tpu.memory_space<vmem_shared>>)
        tpu.yield
      }) : () -> ()
    } else {
    }
    %barrier3A = arith.constant 0 : index
    tpu.barrier barrier_id(%barrier3A)
    "tpu.region"() ({
      %run_scoped3A_186 = tpu.sem_alloc : memref<!tpu.dma_semaphore, #tpu.memory_space<semaphore_mem>>
      %dma_start3A_187 = arith.constant 0 : i32
      %dma_start3A_188 = arith.constant 0 : i32
      %dma_start3A_189 = tpu.memref_slice %arg7[%dma_start3A_187, %dma_start3A_188] : memref<64x80xi32, #tpu.memory_space<vmem>> -> memref<64x80xi32, #tpu.memory_space<vmem>>
      %dma_start3A_190 = arith.constant 0 : i32
      %dma_start3A_191 = arith.constant 0 : i32
      %dma_start3A_192 = tpu.memref_slice %arg3[%add3A, %dma_start3A_190, %dma_start3A_191] : memref<32x125x80xi32, #tpu.memory_space<hbm>> -> memref<1x64x80xi32, #tpu.memory_space<hbm>>
      %dma_start3A_193 = tpu.memref_squeeze %dma_start3A_192 : memref<1x64x80xi32, #tpu.memory_space<hbm>> -> memref<64x80xi32, #tpu.memory_space<hbm>>
      %dma_start3A_194 = arith.constant 0 : i32
      %dma_start3A_195 = arith.constant 0 : i32
      %dma_start3A_196 = tpu.memref_slice %arg7[%dma_start3A_194, %dma_start3A_195] : memref<64x80xi32, #tpu.memory_space<vmem>> -> memref<64x80xi32, #tpu.memory_space<vmem>>
      %dma_start3A_197 = arith.constant 0 : i32
      %dma_start3A_198 = arith.constant 0 : i32
      %dma_start3A_199 = tpu.memref_slice %arg3[%add3A, %dma_start3A_197, %dma_start3A_198] : memref<32x125x80xi32, #tpu.memory_space<hbm>> -> memref<1x64x80xi32, #tpu.memory_space<hbm>>
      %dma_start3A_200 = tpu.memref_squeeze %dma_start3A_199 : memref<1x64x80xi32, #tpu.memory_space<hbm>> -> memref<64x80xi32, #tpu.memory_space<hbm>>
      tpu.enqueue_dma source(%dma_start3A_200 : memref<64x80xi32, #tpu.memory_space<hbm>>) target(%dma_start3A_196 : memref<64x80xi32, #tpu.memory_space<vmem>>) target_semaphore(%run_scoped3A_186 : memref<!tpu.dma_semaphore, #tpu.memory_space<semaphore_mem>>)
      %dma_wait3A_201 = arith.constant 0 : i32
      %dma_wait3A_202 = arith.constant 0 : i32
      %dma_wait3A_203 = tpu.memref_slice %arg7[%dma_wait3A_201, %dma_wait3A_202] : memref<64x80xi32, #tpu.memory_space<vmem>> -> memref<64x80xi32, #tpu.memory_space<vmem>>
      %dma_wait3A_204 = arith.constant 0 : i32
      %dma_wait3A_205 = arith.constant 0 : i32
      %dma_wait3A_206 = tpu.memref_slice %arg3[%add3A, %dma_wait3A_204, %dma_wait3A_205] : memref<32x125x80xi32, #tpu.memory_space<hbm>> -> memref<1x64x80xi32, #tpu.memory_space<hbm>>
      %dma_wait3A_207 = tpu.memref_squeeze %dma_wait3A_206 : memref<1x64x80xi32, #tpu.memory_space<hbm>> -> memref<64x80xi32, #tpu.memory_space<hbm>>
      %dma_wait3A_208 = arith.constant 0 : i32
      %dma_wait3A_209 = arith.constant 0 : i32
      %dma_wait3A_210 = tpu.memref_slice %arg7[%dma_wait3A_208, %dma_wait3A_209] : memref<64x80xi32, #tpu.memory_space<vmem>> -> memref<64x80xi32, #tpu.memory_space<vmem>>
      %dma_wait3A_211 = arith.constant 0 : i32
      %dma_wait3A_212 = arith.constant 0 : i32
      %dma_wait3A_213 = tpu.memref_slice %arg3[%add3A, %dma_wait3A_211, %dma_wait3A_212] : memref<32x125x80xi32, #tpu.memory_space<hbm>> -> memref<1x64x80xi32, #tpu.memory_space<hbm>>
      %dma_wait3A_214 = tpu.memref_squeeze %dma_wait3A_213 : memref<1x64x80xi32, #tpu.memory_space<hbm>> -> memref<64x80xi32, #tpu.memory_space<hbm>>
      tpu.wait_dma2 semaphore(%run_scoped3A_186 : memref<!tpu.dma_semaphore, #tpu.memory_space<semaphore_mem>>) src(%dma_wait3A_214 : memref<64x80xi32, #tpu.memory_space<hbm>>) dst(%dma_wait3A_210 : memref<64x80xi32, #tpu.memory_space<vmem>>)
      tpu.yield
    }) : () -> ()
    "tpu.region"() ({
      %run_scoped3A_186 = tpu.sem_alloc : memref<!tpu.dma_semaphore, #tpu.memory_space<semaphore_mem>>
      %dma_start3A_187 = arith.constant 0 : i32
      %dma_start3A_188 = arith.constant 0 : i32
      %dma_start3A_189 = tpu.memref_slice %arg8[%dma_start3A_187, %dma_start3A_188] : memref<64x80xi32, #tpu.memory_space<vmem>> -> memref<64x80xi32, #tpu.memory_space<vmem>>
      %dma_start3A_190 = arith.constant 0 : i32
      %dma_start3A_191 = arith.constant 0 : i32
      %dma_start3A_192 = tpu.memref_slice %arg4[%add3A, %dma_start3A_190, %dma_start3A_191] : memref<32x125x80xi32, #tpu.memory_space<hbm>> -> memref<1x64x80xi32, #tpu.memory_space<hbm>>
      %dma_start3A_193 = tpu.memref_squeeze %dma_start3A_192 : memref<1x64x80xi32, #tpu.memory_space<hbm>> -> memref<64x80xi32, #tpu.memory_space<hbm>>
      %dma_start3A_194 = arith.constant 0 : i32
      %dma_start3A_195 = arith.constant 0 : i32
      %dma_start3A_196 = tpu.memref_slice %arg8[%dma_start3A_194, %dma_start3A_195] : memref<64x80xi32, #tpu.memory_space<vmem>> -> memref<64x80xi32, #tpu.memory_space<vmem>>
      %dma_start3A_197 = arith.constant 0 : i32
      %dma_start3A_198 = arith.constant 0 : i32
      %dma_start3A_199 = tpu.memref_slice %arg4[%add3A, %dma_start3A_197, %dma_start3A_198] : memref<32x125x80xi32, #tpu.memory_space<hbm>> -> memref<1x64x80xi32, #tpu.memory_space<hbm>>
      %dma_start3A_200 = tpu.memref_squeeze %dma_start3A_199 : memref<1x64x80xi32, #tpu.memory_space<hbm>> -> memref<64x80xi32, #tpu.memory_space<hbm>>
      tpu.enqueue_dma source(%dma_start3A_200 : memref<64x80xi32, #tpu.memory_space<hbm>>) target(%dma_start3A_196 : memref<64x80xi32, #tpu.memory_space<vmem>>) target_semaphore(%run_scoped3A_186 : memref<!tpu.dma_semaphore, #tpu.memory_space<semaphore_mem>>)
      %dma_wait3A_201 = arith.constant 0 : i32
      %dma_wait3A_202 = arith.constant 0 : i32
      %dma_wait3A_203 = tpu.memref_slice %arg8[%dma_wait3A_201, %dma_wait3A_202] : memref<64x80xi32, #tpu.memory_space<vmem>> -> memref<64x80xi32, #tpu.memory_space<vmem>>
      %dma_wait3A_204 = arith.constant 0 : i32
      %dma_wait3A_205 = arith.constant 0 : i32
      %dma_wait3A_206 = tpu.memref_slice %arg4[%add3A, %dma_wait3A_204, %dma_wait3A_205] : memref<32x125x80xi32, #tpu.memory_space<hbm>> -> memref<1x64x80xi32, #tpu.memory_space<hbm>>
      %dma_wait3A_207 = tpu.memref_squeeze %dma_wait3A_206 : memref<1x64x80xi32, #tpu.memory_space<hbm>> -> memref<64x80xi32, #tpu.memory_space<hbm>>
      %dma_wait3A_208 = arith.constant 0 : i32
      %dma_wait3A_209 = arith.constant 0 : i32
      %dma_wait3A_210 = tpu.memref_slice %arg8[%dma_wait3A_208, %dma_wait3A_209] : memref<64x80xi32, #tpu.memory_space<vmem>> -> memref<64x80xi32, #tpu.memory_space<vmem>>
      %dma_wait3A_211 = arith.constant 0 : i32
      %dma_wait3A_212 = arith.constant 0 : i32
      %dma_wait3A_213 = tpu.memref_slice %arg4[%add3A, %dma_wait3A_211, %dma_wait3A_212] : memref<32x125x80xi32, #tpu.memory_space<hbm>> -> memref<1x64x80xi32, #tpu.memory_space<hbm>>
      %dma_wait3A_214 = tpu.memref_squeeze %dma_wait3A_213 : memref<1x64x80xi32, #tpu.memory_space<hbm>> -> memref<64x80xi32, #tpu.memory_space<hbm>>
      tpu.wait_dma2 semaphore(%run_scoped3A_186 : memref<!tpu.dma_semaphore, #tpu.memory_space<semaphore_mem>>) src(%dma_wait3A_214 : memref<64x80xi32, #tpu.memory_space<hbm>>) dst(%dma_wait3A_210 : memref<64x80xi32, #tpu.memory_space<vmem>>)
      tpu.yield
    }) : () -> ()
    %dma_start3A = arith.constant 0 : i32
    %dma_start3A_7 = arith.constant 0 : i32
    %dma_start3A_8 = arith.constant 0 : i32
    %dma_start3A_9 = arith.constant 0 : i32
    %dma_start3A_10 = arith.constant 0 : i32
    %dma_start3A_11 = tpu.memref_slice %arg9[%dma_start3A_7, %dma_start3A_9, %dma_start3A_10] : memref<2x80x128xf32, #tpu.memory_space<vmem>> -> memref<1x80x128xf32, #tpu.memory_space<vmem>>
    %dma_start3A_12 = tpu.memref_squeeze %dma_start3A_11 : memref<1x80x128xf32, #tpu.memory_space<vmem>> -> memref<80x128xf32, #tpu.memory_space<vmem>>
    %dma_start3A_13 = arith.constant 0 : i32
    %dma_start3A_14 = tpu.memref_slice %arg7[%dma_start3A, %dma_start3A_13] : memref<64x80xi32, #tpu.memory_space<vmem>> -> memref<1x80xi32, #tpu.memory_space<vmem>>
    %dma_start3A_15 = tpu.memref_squeeze %dma_start3A_14 : memref<1x80xi32, #tpu.memory_space<vmem>> -> memref<80xi32, #tpu.memory_space<vmem>>
    %dma_start3A_16 = arith.constant 0 : i32
    %dma_start3A_17 = arith.constant 0 : i32
    %dma_start3A_18 = tpu.memref_slice %arg2[%dma_start3A_16, %dma_start3A_17] : memref<10000x128xf32, #tpu.memory_space<hbm>> -> memref<10000x128xf32, #tpu.memory_space<hbm>>
    %dma_start3A_19 = tpu.memref_slice %arg11[%dma_start3A_8] : memref<2x!tpu.dma_semaphore, #tpu.memory_space<semaphore_mem>> -> memref<1x!tpu.dma_semaphore, #tpu.memory_space<semaphore_mem>>
    %dma_start3A_20 = tpu.memref_squeeze %dma_start3A_19 : memref<1x!tpu.dma_semaphore, #tpu.memory_space<semaphore_mem>> -> memref<!tpu.dma_semaphore, #tpu.memory_space<semaphore_mem>>
    tpu.enqueue_indirect_dma source(%dma_start3A_18 : memref<10000x128xf32, #tpu.memory_space<hbm>>) target(%dma_start3A_12 : memref<80x128xf32, #tpu.memory_space<vmem>>) offsets(%dma_start3A_15 : memref<80xi32, #tpu.memory_space<vmem>>) semaphore(%dma_start3A_20 : memref<!tpu.dma_semaphore, #tpu.memory_space<semaphore_mem>>)
    %scan3A = arith.constant 0 : i32
    %scan3A_21 = arith.constant 0 : i32
    %scan3A_22 = arith.constant 31 : i32
    %scan3A_23 = arith.addi %scan3A_21, %scan3A_22 : i32
    %scan3A_24 = arith.constant 1 : i32
    scf.for %scan3A_186 = %scan3A_21 to %scan3A_23 step %scan3A_24  : i32 {
      %mul3A_187 = arith.constant 2 : i32
      %mul3A_188 = arith.muli %mul3A_187, %scan3A_186 : i32
      %add3A_189 = arith.constant 1 : i32
      %add3A_190 = arith.addi %mul3A_188, %add3A_189 : i32
      %dma_start3A_191 = arith.constant 1 : i32
      %dma_start3A_192 = arith.constant 1 : i32
      %dma_start3A_193 = arith.constant 0 : i32
      %dma_start3A_194 = arith.constant 0 : i32
      %dma_start3A_195 = tpu.memref_slice %arg9[%dma_start3A_191, %dma_start3A_193, %dma_start3A_194] : memref<2x80x128xf32, #tpu.memory_space<vmem>> -> memref<1x80x128xf32, #tpu.memory_space<vmem>>
      %dma_start3A_196 = tpu.memref_squeeze %dma_start3A_195 : memref<1x80x128xf32, #tpu.memory_space<vmem>> -> memref<80x128xf32, #tpu.memory_space<vmem>>
      %dma_start3A_197 = arith.constant 0 : i32
      %dma_start3A_198 = tpu.memref_slice %arg7[%add3A_190, %dma_start3A_197] : memref<64x80xi32, #tpu.memory_space<vmem>> -> memref<1x80xi32, #tpu.memory_space<vmem>>
      %dma_start3A_199 = tpu.memref_squeeze %dma_start3A_198 : memref<1x80xi32, #tpu.memory_space<vmem>> -> memref<80xi32, #tpu.memory_space<vmem>>
      %dma_start3A_200 = arith.constant 0 : i32
      %dma_start3A_201 = arith.constant 0 : i32
      %dma_start3A_202 = tpu.memref_slice %arg2[%dma_start3A_200, %dma_start3A_201] : memref<10000x128xf32, #tpu.memory_space<hbm>> -> memref<10000x128xf32, #tpu.memory_space<hbm>>
      %dma_start3A_203 = tpu.memref_slice %arg11[%dma_start3A_192] : memref<2x!tpu.dma_semaphore, #tpu.memory_space<semaphore_mem>> -> memref<1x!tpu.dma_semaphore, #tpu.memory_space<semaphore_mem>>
      %dma_start3A_204 = tpu.memref_squeeze %dma_start3A_203 : memref<1x!tpu.dma_semaphore, #tpu.memory_space<semaphore_mem>> -> memref<!tpu.dma_semaphore, #tpu.memory_space<semaphore_mem>>
      tpu.enqueue_indirect_dma source(%dma_start3A_202 : memref<10000x128xf32, #tpu.memory_space<hbm>>) target(%dma_start3A_196 : memref<80x128xf32, #tpu.memory_space<vmem>>) offsets(%dma_start3A_199 : memref<80xi32, #tpu.memory_space<vmem>>) semaphore(%dma_start3A_204 : memref<!tpu.dma_semaphore, #tpu.memory_space<semaphore_mem>>)
      %dma_wait3A_205 = arith.constant 0 : i32
      %dma_wait3A_206 = arith.constant 0 : i32
      %dma_wait3A_207 = arith.constant 0 : i32
      %dma_wait3A_208 = arith.constant 0 : i32
      %dma_wait3A_209 = tpu.memref_slice %arg9[%dma_wait3A_205, %dma_wait3A_207, %dma_wait3A_208] : memref<2x80x128xf32, #tpu.memory_space<vmem>> -> memref<1x80x128xf32, #tpu.memory_space<vmem>>
      %dma_wait3A_210 = tpu.memref_squeeze %dma_wait3A_209 : memref<1x80x128xf32, #tpu.memory_space<vmem>> -> memref<80x128xf32, #tpu.memory_space<vmem>>
      %dma_wait3A_211 = arith.constant 0 : i32
      %dma_wait3A_212 = tpu.memref_slice %arg7[%mul3A_188, %dma_wait3A_211] : memref<64x80xi32, #tpu.memory_space<vmem>> -> memref<1x80xi32, #tpu.memory_space<vmem>>
      %dma_wait3A_213 = tpu.memref_squeeze %dma_wait3A_212 : memref<1x80xi32, #tpu.memory_space<vmem>> -> memref<80xi32, #tpu.memory_space<vmem>>
      %dma_wait3A_214 = arith.constant 0 : i32
      %dma_wait3A_215 = arith.constant 0 : i32
      %dma_wait3A_216 = tpu.memref_slice %arg2[%dma_wait3A_214, %dma_wait3A_215] : memref<10000x128xf32, #tpu.memory_space<hbm>> -> memref<10000x128xf32, #tpu.memory_space<hbm>>
      %dma_wait3A_217 = tpu.memref_slice %arg11[%dma_wait3A_206] : memref<2x!tpu.dma_semaphore, #tpu.memory_space<semaphore_mem>> -> memref<1x!tpu.dma_semaphore, #tpu.memory_space<semaphore_mem>>
      %dma_wait3A_218 = tpu.memref_squeeze %dma_wait3A_217 : memref<1x!tpu.dma_semaphore, #tpu.memory_space<semaphore_mem>> -> memref<!tpu.dma_semaphore, #tpu.memory_space<semaphore_mem>>
      tpu.wait_indirect_dma semaphore(%dma_wait3A_218 : memref<!tpu.dma_semaphore, #tpu.memory_space<semaphore_mem>>) src(%dma_wait3A_216 : memref<10000x128xf32, #tpu.memory_space<hbm>>) dst(%dma_wait3A_210 : memref<80x128xf32, #tpu.memory_space<vmem>>)
      %run_scoped3A_219 = arith.constant 0 : i32
      "tpu.region"() ({
        %run_scoped3A_255 = tpu.sem_alloc : memref<!tpu.dma_semaphore, #tpu.memory_space<semaphore_mem>>
        %dma_start3A_256 = arith.constant 0 : i32
        %dma_start3A_257 = arith.constant 0 : i32
        %dma_start3A_258 = tpu.memref_slice %arg9[%run_scoped3A_219, %dma_start3A_256, %dma_start3A_257] : memref<2x80x128xf32, #tpu.memory_space<vmem>> -> memref<1x80x128xf32, #tpu.memory_space<vmem>>
        %dma_start3A_259 = tpu.memref_squeeze %dma_start3A_258 : memref<1x80x128xf32, #tpu.memory_space<vmem>> -> memref<80x128xf32, #tpu.memory_space<vmem>>
        %dma_start3A_260 = arith.constant 0 : i32
        %dma_start3A_261 = tpu.memref_slice %arg8[%mul3A_188, %dma_start3A_260] : memref<64x80xi32, #tpu.memory_space<vmem>> -> memref<1x80xi32, #tpu.memory_space<vmem>>
        %dma_start3A_262 = tpu.memref_squeeze %dma_start3A_261 : memref<1x80xi32, #tpu.memory_space<vmem>> -> memref<80xi32, #tpu.memory_space<vmem>>
        %dma_start3A_263 = arith.constant 0 : i32
        %dma_start3A_264 = arith.constant 0 : i32
        %dma_start3A_265 = tpu.memref_slice %arg10[%dma_start3A_263, %dma_start3A_264] : memref<10000x128xf32, #tpu.memory_space<vmem_shared>> -> memref<10000x128xf32, #tpu.memory_space<vmem_shared>>
        tpu.enqueue_indirect_dma source(%dma_start3A_259 : memref<80x128xf32, #tpu.memory_space<vmem>>) target(%dma_start3A_265 : memref<10000x128xf32, #tpu.memory_space<vmem_shared>>) offsets(%dma_start3A_262 : memref<80xi32, #tpu.memory_space<vmem>>) semaphore(%run_scoped3A_255 : memref<!tpu.dma_semaphore, #tpu.memory_space<semaphore_mem>>) {add = true}
        %dma_wait3A_266 = arith.constant 0 : i32
        %dma_wait3A_267 = arith.constant 0 : i32
        %dma_wait3A_268 = tpu.memref_slice %arg9[%run_scoped3A_219, %dma_wait3A_266, %dma_wait3A_267] : memref<2x80x128xf32, #tpu.memory_space<vmem>> -> memref<1x80x128xf32, #tpu.memory_space<vmem>>
        %dma_wait3A_269 = tpu.memref_squeeze %dma_wait3A_268 : memref<1x80x128xf32, #tpu.memory_space<vmem>> -> memref<80x128xf32, #tpu.memory_space<vmem>>
        %dma_wait3A_270 = arith.constant 0 : i32
        %dma_wait3A_271 = tpu.memref_slice %arg8[%mul3A_188, %dma_wait3A_270] : memref<64x80xi32, #tpu.memory_space<vmem>> -> memref<1x80xi32, #tpu.memory_space<vmem>>
        %dma_wait3A_272 = tpu.memref_squeeze %dma_wait3A_271 : memref<1x80xi32, #tpu.memory_space<vmem>> -> memref<80xi32, #tpu.memory_space<vmem>>
        %dma_wait3A_273 = arith.constant 0 : i32
        %dma_wait3A_274 = arith.constant 0 : i32
        %dma_wait3A_275 = tpu.memref_slice %arg10[%dma_wait3A_273, %dma_wait3A_274] : memref<10000x128xf32, #tpu.memory_space<vmem_shared>> -> memref<10000x128xf32, #tpu.memory_space<vmem_shared>>
        tpu.wait_indirect_dma semaphore(%run_scoped3A_255 : memref<!tpu.dma_semaphore, #tpu.memory_space<semaphore_mem>>) src(%dma_wait3A_269 : memref<80x128xf32, #tpu.memory_space<vmem>>) dst(%dma_wait3A_275 : memref<10000x128xf32, #tpu.memory_space<vmem_shared>>)
        tpu.yield
      }) : () -> ()
      %add3A_220 = arith.constant 2 : i32
      %add3A_221 = arith.addi %mul3A_188, %add3A_220 : i32
      %dma_start3A_222 = arith.constant 0 : i32
      %dma_start3A_223 = arith.constant 0 : i32
      %dma_start3A_224 = arith.constant 0 : i32
      %dma_start3A_225 = arith.constant 0 : i32
      %dma_start3A_226 = tpu.memref_slice %arg9[%dma_start3A_222, %dma_start3A_224, %dma_start3A_225] : memref<2x80x128xf32, #tpu.memory_space<vmem>> -> memref<1x80x128xf32, #tpu.memory_space<vmem>>
      %dma_start3A_227 = tpu.memref_squeeze %dma_start3A_226 : memref<1x80x128xf32, #tpu.memory_space<vmem>> -> memref<80x128xf32, #tpu.memory_space<vmem>>
      %dma_start3A_228 = arith.constant 0 : i32
      %dma_start3A_229 = tpu.memref_slice %arg7[%add3A_221, %dma_start3A_228] : memref<64x80xi32, #tpu.memory_space<vmem>> -> memref<1x80xi32, #tpu.memory_space<vmem>>
      %dma_start3A_230 = tpu.memref_squeeze %dma_start3A_229 : memref<1x80xi32, #tpu.memory_space<vmem>> -> memref<80xi32, #tpu.memory_space<vmem>>
      %dma_start3A_231 = arith.constant 0 : i32
      %dma_start3A_232 = arith.constant 0 : i32
      %dma_start3A_233 = tpu.memref_slice %arg2[%dma_start3A_231, %dma_start3A_232] : memref<10000x128xf32, #tpu.memory_space<hbm>> -> memref<10000x128xf32, #tpu.memory_space<hbm>>
      %dma_start3A_234 = tpu.memref_slice %arg11[%dma_start3A_223] : memref<2x!tpu.dma_semaphore, #tpu.memory_space<semaphore_mem>> -> memref<1x!tpu.dma_semaphore, #tpu.memory_space<semaphore_mem>>
      %dma_start3A_235 = tpu.memref_squeeze %dma_start3A_234 : memref<1x!tpu.dma_semaphore, #tpu.memory_space<semaphore_mem>> -> memref<!tpu.dma_semaphore, #tpu.memory_space<semaphore_mem>>
      tpu.enqueue_indirect_dma source(%dma_start3A_233 : memref<10000x128xf32, #tpu.memory_space<hbm>>) target(%dma_start3A_227 : memref<80x128xf32, #tpu.memory_space<vmem>>) offsets(%dma_start3A_230 : memref<80xi32, #tpu.memory_space<vmem>>) semaphore(%dma_start3A_235 : memref<!tpu.dma_semaphore, #tpu.memory_space<semaphore_mem>>)
      %add3A_236 = arith.constant 1 : i32
      %add3A_237 = arith.addi %mul3A_188, %add3A_236 : i32
      %dma_wait3A_238 = arith.constant 1 : i32
      %dma_wait3A_239 = arith.constant 1 : i32
      %dma_wait3A_240 = arith.constant 0 : i32
      %dma_wait3A_241 = arith.constant 0 : i32
      %dma_wait3A_242 = tpu.memref_slice %arg9[%dma_wait3A_238, %dma_wait3A_240, %dma_wait3A_241] : memref<2x80x128xf32, #tpu.memory_space<vmem>> -> memref<1x80x128xf32, #tpu.memory_space<vmem>>
      %dma_wait3A_243 = tpu.memref_squeeze %dma_wait3A_242 : memref<1x80x128xf32, #tpu.memory_space<vmem>> -> memref<80x128xf32, #tpu.memory_space<vmem>>
      %dma_wait3A_244 = arith.constant 0 : i32
      %dma_wait3A_245 = tpu.memref_slice %arg7[%add3A_237, %dma_wait3A_244] : memref<64x80xi32, #tpu.memory_space<vmem>> -> memref<1x80xi32, #tpu.memory_space<vmem>>
      %dma_wait3A_246 = tpu.memref_squeeze %dma_wait3A_245 : memref<1x80xi32, #tpu.memory_space<vmem>> -> memref<80xi32, #tpu.memory_space<vmem>>
      %dma_wait3A_247 = arith.constant 0 : i32
      %dma_wait3A_248 = arith.constant 0 : i32
      %dma_wait3A_249 = tpu.memref_slice %arg2[%dma_wait3A_247, %dma_wait3A_248] : memref<10000x128xf32, #tpu.memory_space<hbm>> -> memref<10000x128xf32, #tpu.memory_space<hbm>>
      %dma_wait3A_250 = tpu.memref_slice %arg11[%dma_wait3A_239] : memref<2x!tpu.dma_semaphore, #tpu.memory_space<semaphore_mem>> -> memref<1x!tpu.dma_semaphore, #tpu.memory_space<semaphore_mem>>
      %dma_wait3A_251 = tpu.memref_squeeze %dma_wait3A_250 : memref<1x!tpu.dma_semaphore, #tpu.memory_space<semaphore_mem>> -> memref<!tpu.dma_semaphore, #tpu.memory_space<semaphore_mem>>
      tpu.wait_indirect_dma semaphore(%dma_wait3A_251 : memref<!tpu.dma_semaphore, #tpu.memory_space<semaphore_mem>>) src(%dma_wait3A_249 : memref<10000x128xf32, #tpu.memory_space<hbm>>) dst(%dma_wait3A_243 : memref<80x128xf32, #tpu.memory_space<vmem>>)
      %add3A_252 = arith.constant 1 : i32
      %add3A_253 = arith.addi %mul3A_188, %add3A_252 : i32
      %run_scoped3A_254 = arith.constant 1 : i32
      "tpu.region"() ({
        %run_scoped3A_255 = tpu.sem_alloc : memref<!tpu.dma_semaphore, #tpu.memory_space<semaphore_mem>>
        %dma_start3A_256 = arith.constant 0 : i32
        %dma_start3A_257 = arith.constant 0 : i32
        %dma_start3A_258 = tpu.memref_slice %arg9[%run_scoped3A_254, %dma_start3A_256, %dma_start3A_257] : memref<2x80x128xf32, #tpu.memory_space<vmem>> -> memref<1x80x128xf32, #tpu.memory_space<vmem>>
        %dma_start3A_259 = tpu.memref_squeeze %dma_start3A_258 : memref<1x80x128xf32, #tpu.memory_space<vmem>> -> memref<80x128xf32, #tpu.memory_space<vmem>>
        %dma_start3A_260 = arith.constant 0 : i32
        %dma_start3A_261 = tpu.memref_slice %arg8[%add3A_253, %dma_start3A_260] : memref<64x80xi32, #tpu.memory_space<vmem>> -> memref<1x80xi32, #tpu.memory_space<vmem>>
        %dma_start3A_262 = tpu.memref_squeeze %dma_start3A_261 : memref<1x80xi32, #tpu.memory_space<vmem>> -> memref<80xi32, #tpu.memory_space<vmem>>
        %dma_start3A_263 = arith.constant 0 : i32
        %dma_start3A_264 = arith.constant 0 : i32
        %dma_start3A_265 = tpu.memref_slice %arg10[%dma_start3A_263, %dma_start3A_264] : memref<10000x128xf32, #tpu.memory_space<vmem_shared>> -> memref<10000x128xf32, #tpu.memory_space<vmem_shared>>
        tpu.enqueue_indirect_dma source(%dma_start3A_259 : memref<80x128xf32, #tpu.memory_space<vmem>>) target(%dma_start3A_265 : memref<10000x128xf32, #tpu.memory_space<vmem_shared>>) offsets(%dma_start3A_262 : memref<80xi32, #tpu.memory_space<vmem>>) semaphore(%run_scoped3A_255 : memref<!tpu.dma_semaphore, #tpu.memory_space<semaphore_mem>>) {add = true}
        %dma_wait3A_266 = arith.constant 0 : i32
        %dma_wait3A_267 = arith.constant 0 : i32
        %dma_wait3A_268 = tpu.memref_slice %arg9[%run_scoped3A_254, %dma_wait3A_266, %dma_wait3A_267] : memref<2x80x128xf32, #tpu.memory_space<vmem>> -> memref<1x80x128xf32, #tpu.memory_space<vmem>>
        %dma_wait3A_269 = tpu.memref_squeeze %dma_wait3A_268 : memref<1x80x128xf32, #tpu.memory_space<vmem>> -> memref<80x128xf32, #tpu.memory_space<vmem>>
        %dma_wait3A_270 = arith.constant 0 : i32
        %dma_wait3A_271 = tpu.memref_slice %arg8[%add3A_253, %dma_wait3A_270] : memref<64x80xi32, #tpu.memory_space<vmem>> -> memref<1x80xi32, #tpu.memory_space<vmem>>
        %dma_wait3A_272 = tpu.memref_squeeze %dma_wait3A_271 : memref<1x80xi32, #tpu.memory_space<vmem>> -> memref<80xi32, #tpu.memory_space<vmem>>
        %dma_wait3A_273 = arith.constant 0 : i32
        %dma_wait3A_274 = arith.constant 0 : i32
        %dma_wait3A_275 = tpu.memref_slice %arg10[%dma_wait3A_273, %dma_wait3A_274] : memref<10000x128xf32, #tpu.memory_space<vmem_shared>> -> memref<10000x128xf32, #tpu.memory_space<vmem_shared>>
        tpu.wait_indirect_dma semaphore(%run_scoped3A_255 : memref<!tpu.dma_semaphore, #tpu.memory_space<semaphore_mem>>) src(%dma_wait3A_269 : memref<80x128xf32, #tpu.memory_space<vmem>>) dst(%dma_wait3A_275 : memref<10000x128xf32, #tpu.memory_space<vmem_shared>>)
        tpu.yield
      }) : () -> ()
    }
    %scan3A_25 = arith.constant 31 : i32
    %dma_start3A_26 = arith.constant 63 : i32
    %dma_start3A_27 = arith.constant 1 : i32
    %dma_start3A_28 = arith.constant 1 : i32
    %dma_start3A_29 = arith.constant 0 : i32
    %dma_start3A_30 = arith.constant 0 : i32
    %dma_start3A_31 = tpu.memref_slice %arg9[%dma_start3A_27, %dma_start3A_29, %dma_start3A_30] : memref<2x80x128xf32, #tpu.memory_space<vmem>> -> memref<1x80x128xf32, #tpu.memory_space<vmem>>
    %dma_start3A_32 = tpu.memref_squeeze %dma_start3A_31 : memref<1x80x128xf32, #tpu.memory_space<vmem>> -> memref<80x128xf32, #tpu.memory_space<vmem>>
    %dma_start3A_33 = arith.constant 0 : i32
    %dma_start3A_34 = tpu.memref_slice %arg7[%dma_start3A_26, %dma_start3A_33] : memref<64x80xi32, #tpu.memory_space<vmem>> -> memref<1x80xi32, #tpu.memory_space<vmem>>
    %dma_start3A_35 = tpu.memref_squeeze %dma_start3A_34 : memref<1x80xi32, #tpu.memory_space<vmem>> -> memref<80xi32, #tpu.memory_space<vmem>>
    %dma_start3A_36 = arith.constant 0 : i32
    %dma_start3A_37 = arith.constant 0 : i32
    %dma_start3A_38 = tpu.memref_slice %arg2[%dma_start3A_36, %dma_start3A_37] : memref<10000x128xf32, #tpu.memory_space<hbm>> -> memref<10000x128xf32, #tpu.memory_space<hbm>>
    %dma_start3A_39 = tpu.memref_slice %arg11[%dma_start3A_28] : memref<2x!tpu.dma_semaphore, #tpu.memory_space<semaphore_mem>> -> memref<1x!tpu.dma_semaphore, #tpu.memory_space<semaphore_mem>>
    %dma_start3A_40 = tpu.memref_squeeze %dma_start3A_39 : memref<1x!tpu.dma_semaphore, #tpu.memory_space<semaphore_mem>> -> memref<!tpu.dma_semaphore, #tpu.memory_space<semaphore_mem>>
    tpu.enqueue_indirect_dma source(%dma_start3A_38 : memref<10000x128xf32, #tpu.memory_space<hbm>>) target(%dma_start3A_32 : memref<80x128xf32, #tpu.memory_space<vmem>>) offsets(%dma_start3A_35 : memref<80xi32, #tpu.memory_space<vmem>>) semaphore(%dma_start3A_40 : memref<!tpu.dma_semaphore, #tpu.memory_space<semaphore_mem>>)
    %dma_wait3A = arith.constant 62 : i32
    %dma_wait3A_41 = arith.constant 0 : i32
    %dma_wait3A_42 = arith.constant 0 : i32
    %dma_wait3A_43 = arith.constant 0 : i32
    %dma_wait3A_44 = arith.constant 0 : i32
    %dma_wait3A_45 = tpu.memref_slice %arg9[%dma_wait3A_41, %dma_wait3A_43, %dma_wait3A_44] : memref<2x80x128xf32, #tpu.memory_space<vmem>> -> memref<1x80x128xf32, #tpu.memory_space<vmem>>
    %dma_wait3A_46 = tpu.memref_squeeze %dma_wait3A_45 : memref<1x80x128xf32, #tpu.memory_space<vmem>> -> memref<80x128xf32, #tpu.memory_space<vmem>>
    %dma_wait3A_47 = arith.constant 0 : i32
    %dma_wait3A_48 = tpu.memref_slice %arg7[%dma_wait3A, %dma_wait3A_47] : memref<64x80xi32, #tpu.memory_space<vmem>> -> memref<1x80xi32, #tpu.memory_space<vmem>>
    %dma_wait3A_49 = tpu.memref_squeeze %dma_wait3A_48 : memref<1x80xi32, #tpu.memory_space<vmem>> -> memref<80xi32, #tpu.memory_space<vmem>>
    %dma_wait3A_50 = arith.constant 0 : i32
    %dma_wait3A_51 = arith.constant 0 : i32
    %dma_wait3A_52 = tpu.memref_slice %arg2[%dma_wait3A_50, %dma_wait3A_51] : memref<10000x128xf32, #tpu.memory_space<hbm>> -> memref<10000x128xf32, #tpu.memory_space<hbm>>
    %dma_wait3A_53 = tpu.memref_slice %arg11[%dma_wait3A_42] : memref<2x!tpu.dma_semaphore, #tpu.memory_space<semaphore_mem>> -> memref<1x!tpu.dma_semaphore, #tpu.memory_space<semaphore_mem>>
    %dma_wait3A_54 = tpu.memref_squeeze %dma_wait3A_53 : memref<1x!tpu.dma_semaphore, #tpu.memory_space<semaphore_mem>> -> memref<!tpu.dma_semaphore, #tpu.memory_space<semaphore_mem>>
    tpu.wait_indirect_dma semaphore(%dma_wait3A_54 : memref<!tpu.dma_semaphore, #tpu.memory_space<semaphore_mem>>) src(%dma_wait3A_52 : memref<10000x128xf32, #tpu.memory_space<hbm>>) dst(%dma_wait3A_46 : memref<80x128xf32, #tpu.memory_space<vmem>>)
    %run_scoped3A = arith.constant 0 : i32
    %run_scoped3A_55 = arith.constant 62 : i32
    "tpu.region"() ({
      %run_scoped3A_186 = tpu.sem_alloc : memref<!tpu.dma_semaphore, #tpu.memory_space<semaphore_mem>>
      %dma_start3A_187 = arith.constant 0 : i32
      %dma_start3A_188 = arith.constant 0 : i32
      %dma_start3A_189 = tpu.memref_slice %arg9[%run_scoped3A, %dma_start3A_187, %dma_start3A_188] : memref<2x80x128xf32, #tpu.memory_space<vmem>> -> memref<1x80x128xf32, #tpu.memory_space<vmem>>
      %dma_start3A_190 = tpu.memref_squeeze %dma_start3A_189 : memref<1x80x128xf32, #tpu.memory_space<vmem>> -> memref<80x128xf32, #tpu.memory_space<vmem>>
      %dma_start3A_191 = arith.constant 0 : i32
      %dma_start3A_192 = tpu.memref_slice %arg8[%run_scoped3A_55, %dma_start3A_191] : memref<64x80xi32, #tpu.memory_space<vmem>> -> memref<1x80xi32, #tpu.memory_space<vmem>>
      %dma_start3A_193 = tpu.memref_squeeze %dma_start3A_192 : memref<1x80xi32, #tpu.memory_space<vmem>> -> memref<80xi32, #tpu.memory_space<vmem>>
      %dma_start3A_194 = arith.constant 0 : i32
      %dma_start3A_195 = arith.constant 0 : i32
      %dma_start3A_196 = tpu.memref_slice %arg10[%dma_start3A_194, %dma_start3A_195] : memref<10000x128xf32, #tpu.memory_space<vmem_shared>> -> memref<10000x128xf32, #tpu.memory_space<vmem_shared>>
      tpu.enqueue_indirect_dma source(%dma_start3A_190 : memref<80x128xf32, #tpu.memory_space<vmem>>) target(%dma_start3A_196 : memref<10000x128xf32, #tpu.memory_space<vmem_shared>>) offsets(%dma_start3A_193 : memref<80xi32, #tpu.memory_space<vmem>>) semaphore(%run_scoped3A_186 : memref<!tpu.dma_semaphore, #tpu.memory_space<semaphore_mem>>) {add = true}
      %dma_wait3A_197 = arith.constant 0 : i32
      %dma_wait3A_198 = arith.constant 0 : i32
      %dma_wait3A_199 = tpu.memref_slice %arg9[%run_scoped3A, %dma_wait3A_197, %dma_wait3A_198] : memref<2x80x128xf32, #tpu.memory_space<vmem>> -> memref<1x80x128xf32, #tpu.memory_space<vmem>>
      %dma_wait3A_200 = tpu.memref_squeeze %dma_wait3A_199 : memref<1x80x128xf32, #tpu.memory_space<vmem>> -> memref<80x128xf32, #tpu.memory_space<vmem>>
      %dma_wait3A_201 = arith.constant 0 : i32
      %dma_wait3A_202 = tpu.memref_slice %arg8[%run_scoped3A_55, %dma_wait3A_201] : memref<64x80xi32, #tpu.memory_space<vmem>> -> memref<1x80xi32, #tpu.memory_space<vmem>>
      %dma_wait3A_203 = tpu.memref_squeeze %dma_wait3A_202 : memref<1x80xi32, #tpu.memory_space<vmem>> -> memref<80xi32, #tpu.memory_space<vmem>>
      %dma_wait3A_204 = arith.constant 0 : i32
      %dma_wait3A_205 = arith.constant 0 : i32
      %dma_wait3A_206 = tpu.memref_slice %arg10[%dma_wait3A_204, %dma_wait3A_205] : memref<10000x128xf32, #tpu.memory_space<vmem_shared>> -> memref<10000x128xf32, #tpu.memory_space<vmem_shared>>
      tpu.wait_indirect_dma semaphore(%run_scoped3A_186 : memref<!tpu.dma_semaphore, #tpu.memory_space<semaphore_mem>>) src(%dma_wait3A_200 : memref<80x128xf32, #tpu.memory_space<vmem>>) dst(%dma_wait3A_206 : memref<10000x128xf32, #tpu.memory_space<vmem_shared>>)
      tpu.yield
    }) : () -> ()
    %dma_wait3A_56 = arith.constant 63 : i32
    %dma_wait3A_57 = arith.constant 1 : i32
    %dma_wait3A_58 = arith.constant 1 : i32
    %dma_wait3A_59 = arith.constant 0 : i32
    %dma_wait3A_60 = arith.constant 0 : i32
    %dma_wait3A_61 = tpu.memref_slice %arg9[%dma_wait3A_57, %dma_wait3A_59, %dma_wait3A_60] : memref<2x80x128xf32, #tpu.memory_space<vmem>> -> memref<1x80x128xf32, #tpu.memory_space<vmem>>
    %dma_wait3A_62 = tpu.memref_squeeze %dma_wait3A_61 : memref<1x80x128xf32, #tpu.memory_space<vmem>> -> memref<80x128xf32, #tpu.memory_space<vmem>>
    %dma_wait3A_63 = arith.constant 0 : i32
    %dma_wait3A_64 = tpu.memref_slice %arg7[%dma_wait3A_56, %dma_wait3A_63] : memref<64x80xi32, #tpu.memory_space<vmem>> -> memref<1x80xi32, #tpu.memory_space<vmem>>
    %dma_wait3A_65 = tpu.memref_squeeze %dma_wait3A_64 : memref<1x80xi32, #tpu.memory_space<vmem>> -> memref<80xi32, #tpu.memory_space<vmem>>
    %dma_wait3A_66 = arith.constant 0 : i32
    %dma_wait3A_67 = arith.constant 0 : i32
    %dma_wait3A_68 = tpu.memref_slice %arg2[%dma_wait3A_66, %dma_wait3A_67] : memref<10000x128xf32, #tpu.memory_space<hbm>> -> memref<10000x128xf32, #tpu.memory_space<hbm>>
    %dma_wait3A_69 = tpu.memref_slice %arg11[%dma_wait3A_58] : memref<2x!tpu.dma_semaphore, #tpu.memory_space<semaphore_mem>> -> memref<1x!tpu.dma_semaphore, #tpu.memory_space<semaphore_mem>>
    %dma_wait3A_70 = tpu.memref_squeeze %dma_wait3A_69 : memref<1x!tpu.dma_semaphore, #tpu.memory_space<semaphore_mem>> -> memref<!tpu.dma_semaphore, #tpu.memory_space<semaphore_mem>>
    tpu.wait_indirect_dma semaphore(%dma_wait3A_70 : memref<!tpu.dma_semaphore, #tpu.memory_space<semaphore_mem>>) src(%dma_wait3A_68 : memref<10000x128xf32, #tpu.memory_space<hbm>>) dst(%dma_wait3A_62 : memref<80x128xf32, #tpu.memory_space<vmem>>)
    %run_scoped3A_71 = arith.constant 1 : i32
    %run_scoped3A_72 = arith.constant 63 : i32
    "tpu.region"() ({
      %run_scoped3A_186 = tpu.sem_alloc : memref<!tpu.dma_semaphore, #tpu.memory_space<semaphore_mem>>
      %dma_start3A_187 = arith.constant 0 : i32
      %dma_start3A_188 = arith.constant 0 : i32
      %dma_start3A_189 = tpu.memref_slice %arg9[%run_scoped3A_71, %dma_start3A_187, %dma_start3A_188] : memref<2x80x128xf32, #tpu.memory_space<vmem>> -> memref<1x80x128xf32, #tpu.memory_space<vmem>>
      %dma_start3A_190 = tpu.memref_squeeze %dma_start3A_189 : memref<1x80x128xf32, #tpu.memory_space<vmem>> -> memref<80x128xf32, #tpu.memory_space<vmem>>
      %dma_start3A_191 = arith.constant 0 : i32
      %dma_start3A_192 = tpu.memref_slice %arg8[%run_scoped3A_72, %dma_start3A_191] : memref<64x80xi32, #tpu.memory_space<vmem>> -> memref<1x80xi32, #tpu.memory_space<vmem>>
      %dma_start3A_193 = tpu.memref_squeeze %dma_start3A_192 : memref<1x80xi32, #tpu.memory_space<vmem>> -> memref<80xi32, #tpu.memory_space<vmem>>
      %dma_start3A_194 = arith.constant 0 : i32
      %dma_start3A_195 = arith.constant 0 : i32
      %dma_start3A_196 = tpu.memref_slice %arg10[%dma_start3A_194, %dma_start3A_195] : memref<10000x128xf32, #tpu.memory_space<vmem_shared>> -> memref<10000x128xf32, #tpu.memory_space<vmem_shared>>
      tpu.enqueue_indirect_dma source(%dma_start3A_190 : memref<80x128xf32, #tpu.memory_space<vmem>>) target(%dma_start3A_196 : memref<10000x128xf32, #tpu.memory_space<vmem_shared>>) offsets(%dma_start3A_193 : memref<80xi32, #tpu.memory_space<vmem>>) semaphore(%run_scoped3A_186 : memref<!tpu.dma_semaphore, #tpu.memory_space<semaphore_mem>>) {add = true}
      %dma_wait3A_197 = arith.constant 0 : i32
      %dma_wait3A_198 = arith.constant 0 : i32
      %dma_wait3A_199 = tpu.memref_slice %arg9[%run_scoped3A_71, %dma_wait3A_197, %dma_wait3A_198] : memref<2x80x128xf32, #tpu.memory_space<vmem>> -> memref<1x80x128xf32, #tpu.memory_space<vmem>>
      %dma_wait3A_200 = tpu.memref_squeeze %dma_wait3A_199 : memref<1x80x128xf32, #tpu.memory_space<vmem>> -> memref<80x128xf32, #tpu.memory_space<vmem>>
      %dma_wait3A_201 = arith.constant 0 : i32
      %dma_wait3A_202 = tpu.memref_slice %arg8[%run_scoped3A_72, %dma_wait3A_201] : memref<64x80xi32, #tpu.memory_space<vmem>> -> memref<1x80xi32, #tpu.memory_space<vmem>>
      %dma_wait3A_203 = tpu.memref_squeeze %dma_wait3A_202 : memref<1x80xi32, #tpu.memory_space<vmem>> -> memref<80xi32, #tpu.memory_space<vmem>>
      %dma_wait3A_204 = arith.constant 0 : i32
      %dma_wait3A_205 = arith.constant 0 : i32
      %dma_wait3A_206 = tpu.memref_slice %arg10[%dma_wait3A_204, %dma_wait3A_205] : memref<10000x128xf32, #tpu.memory_space<vmem_shared>> -> memref<10000x128xf32, #tpu.memory_space<vmem_shared>>
      tpu.wait_indirect_dma semaphore(%run_scoped3A_186 : memref<!tpu.dma_semaphore, #tpu.memory_space<semaphore_mem>>) src(%dma_wait3A_200 : memref<80x128xf32, #tpu.memory_space<vmem>>) dst(%dma_wait3A_206 : memref<10000x128xf32, #tpu.memory_space<vmem_shared>>)
      tpu.yield
    }) : () -> ()
    "tpu.region"() ({
      %run_scoped3A_186 = tpu.sem_alloc : memref<!tpu.dma_semaphore, #tpu.memory_space<semaphore_mem>>
      %dma_start3A_187 = arith.constant 0 : i32
      %dma_start3A_188 = arith.constant 0 : i32
      %dma_start3A_189 = tpu.memref_slice %arg7[%dma_start3A_187, %dma_start3A_188] : memref<64x80xi32, #tpu.memory_space<vmem>> -> memref<61x80xi32, #tpu.memory_space<vmem>>
      %dma_start3A_190 = arith.constant 64 : i32
      %dma_start3A_191 = arith.constant 0 : i32
      %dma_start3A_192 = tpu.memref_slice %arg3[%add3A, %dma_start3A_190, %dma_start3A_191] : memref<32x125x80xi32, #tpu.memory_space<hbm>> -> memref<1x61x80xi32, #tpu.memory_space<hbm>>
      %dma_start3A_193 = tpu.memref_squeeze %dma_start3A_192 : memref<1x61x80xi32, #tpu.memory_space<hbm>> -> memref<61x80xi32, #tpu.memory_space<hbm>>
      %dma_start3A_194 = arith.constant 0 : i32
      %dma_start3A_195 = arith.constant 0 : i32
      %dma_start3A_196 = tpu.memref_slice %arg7[%dma_start3A_194, %dma_start3A_195] : memref<64x80xi32, #tpu.memory_space<vmem>> -> memref<61x80xi32, #tpu.memory_space<vmem>>
      %dma_start3A_197 = arith.constant 64 : i32
      %dma_start3A_198 = arith.constant 0 : i32
      %dma_start3A_199 = tpu.memref_slice %arg3[%add3A, %dma_start3A_197, %dma_start3A_198] : memref<32x125x80xi32, #tpu.memory_space<hbm>> -> memref<1x61x80xi32, #tpu.memory_space<hbm>>
      %dma_start3A_200 = tpu.memref_squeeze %dma_start3A_199 : memref<1x61x80xi32, #tpu.memory_space<hbm>> -> memref<61x80xi32, #tpu.memory_space<hbm>>
      tpu.enqueue_dma source(%dma_start3A_200 : memref<61x80xi32, #tpu.memory_space<hbm>>) target(%dma_start3A_196 : memref<61x80xi32, #tpu.memory_space<vmem>>) target_semaphore(%run_scoped3A_186 : memref<!tpu.dma_semaphore, #tpu.memory_space<semaphore_mem>>)
      %dma_wait3A_201 = arith.constant 0 : i32
      %dma_wait3A_202 = arith.constant 0 : i32
      %dma_wait3A_203 = tpu.memref_slice %arg7[%dma_wait3A_201, %dma_wait3A_202] : memref<64x80xi32, #tpu.memory_space<vmem>> -> memref<61x80xi32, #tpu.memory_space<vmem>>
      %dma_wait3A_204 = arith.constant 64 : i32
      %dma_wait3A_205 = arith.constant 0 : i32
      %dma_wait3A_206 = tpu.memref_slice %arg3[%add3A, %dma_wait3A_204, %dma_wait3A_205] : memref<32x125x80xi32, #tpu.memory_space<hbm>> -> memref<1x61x80xi32, #tpu.memory_space<hbm>>
      %dma_wait3A_207 = tpu.memref_squeeze %dma_wait3A_206 : memref<1x61x80xi32, #tpu.memory_space<hbm>> -> memref<61x80xi32, #tpu.memory_space<hbm>>
      %dma_wait3A_208 = arith.constant 0 : i32
      %dma_wait3A_209 = arith.constant 0 : i32
      %dma_wait3A_210 = tpu.memref_slice %arg7[%dma_wait3A_208, %dma_wait3A_209] : memref<64x80xi32, #tpu.memory_space<vmem>> -> memref<61x80xi32, #tpu.memory_space<vmem>>
      %dma_wait3A_211 = arith.constant 64 : i32
      %dma_wait3A_212 = arith.constant 0 : i32
      %dma_wait3A_213 = tpu.memref_slice %arg3[%add3A, %dma_wait3A_211, %dma_wait3A_212] : memref<32x125x80xi32, #tpu.memory_space<hbm>> -> memref<1x61x80xi32, #tpu.memory_space<hbm>>
      %dma_wait3A_214 = tpu.memref_squeeze %dma_wait3A_213 : memref<1x61x80xi32, #tpu.memory_space<hbm>> -> memref<61x80xi32, #tpu.memory_space<hbm>>
      tpu.wait_dma2 semaphore(%run_scoped3A_186 : memref<!tpu.dma_semaphore, #tpu.memory_space<semaphore_mem>>) src(%dma_wait3A_214 : memref<61x80xi32, #tpu.memory_space<hbm>>) dst(%dma_wait3A_210 : memref<61x80xi32, #tpu.memory_space<vmem>>)
      tpu.yield
    }) : () -> ()
    "tpu.region"() ({
      %run_scoped3A_186 = tpu.sem_alloc : memref<!tpu.dma_semaphore, #tpu.memory_space<semaphore_mem>>
      %dma_start3A_187 = arith.constant 0 : i32
      %dma_start3A_188 = arith.constant 0 : i32
      %dma_start3A_189 = tpu.memref_slice %arg8[%dma_start3A_187, %dma_start3A_188] : memref<64x80xi32, #tpu.memory_space<vmem>> -> memref<61x80xi32, #tpu.memory_space<vmem>>
      %dma_start3A_190 = arith.constant 64 : i32
      %dma_start3A_191 = arith.constant 0 : i32
      %dma_start3A_192 = tpu.memref_slice %arg4[%add3A, %dma_start3A_190, %dma_start3A_191] : memref<32x125x80xi32, #tpu.memory_space<hbm>> -> memref<1x61x80xi32, #tpu.memory_space<hbm>>
      %dma_start3A_193 = tpu.memref_squeeze %dma_start3A_192 : memref<1x61x80xi32, #tpu.memory_space<hbm>> -> memref<61x80xi32, #tpu.memory_space<hbm>>
      %dma_start3A_194 = arith.constant 0 : i32
      %dma_start3A_195 = arith.constant 0 : i32
      %dma_start3A_196 = tpu.memref_slice %arg8[%dma_start3A_194, %dma_start3A_195] : memref<64x80xi32, #tpu.memory_space<vmem>> -> memref<61x80xi32, #tpu.memory_space<vmem>>
      %dma_start3A_197 = arith.constant 64 : i32
      %dma_start3A_198 = arith.constant 0 : i32
      %dma_start3A_199 = tpu.memref_slice %arg4[%add3A, %dma_start3A_197, %dma_start3A_198] : memref<32x125x80xi32, #tpu.memory_space<hbm>> -> memref<1x61x80xi32, #tpu.memory_space<hbm>>
      %dma_start3A_200 = tpu.memref_squeeze %dma_start3A_199 : memref<1x61x80xi32, #tpu.memory_space<hbm>> -> memref<61x80xi32, #tpu.memory_space<hbm>>
      tpu.enqueue_dma source(%dma_start3A_200 : memref<61x80xi32, #tpu.memory_space<hbm>>) target(%dma_start3A_196 : memref<61x80xi32, #tpu.memory_space<vmem>>) target_semaphore(%run_scoped3A_186 : memref<!tpu.dma_semaphore, #tpu.memory_space<semaphore_mem>>)
      %dma_wait3A_201 = arith.constant 0 : i32
      %dma_wait3A_202 = arith.constant 0 : i32
      %dma_wait3A_203 = tpu.memref_slice %arg8[%dma_wait3A_201, %dma_wait3A_202] : memref<64x80xi32, #tpu.memory_space<vmem>> -> memref<61x80xi32, #tpu.memory_space<vmem>>
      %dma_wait3A_204 = arith.constant 64 : i32
      %dma_wait3A_205 = arith.constant 0 : i32
      %dma_wait3A_206 = tpu.memref_slice %arg4[%add3A, %dma_wait3A_204, %dma_wait3A_205] : memref<32x125x80xi32, #tpu.memory_space<hbm>> -> memref<1x61x80xi32, #tpu.memory_space<hbm>>
      %dma_wait3A_207 = tpu.memref_squeeze %dma_wait3A_206 : memref<1x61x80xi32, #tpu.memory_space<hbm>> -> memref<61x80xi32, #tpu.memory_space<hbm>>
      %dma_wait3A_208 = arith.constant 0 : i32
      %dma_wait3A_209 = arith.constant 0 : i32
      %dma_wait3A_210 = tpu.memref_slice %arg8[%dma_wait3A_208, %dma_wait3A_209] : memref<64x80xi32, #tpu.memory_space<vmem>> -> memref<61x80xi32, #tpu.memory_space<vmem>>
      %dma_wait3A_211 = arith.constant 64 : i32
      %dma_wait3A_212 = arith.constant 0 : i32
      %dma_wait3A_213 = tpu.memref_slice %arg4[%add3A, %dma_wait3A_211, %dma_wait3A_212] : memref<32x125x80xi32, #tpu.memory_space<hbm>> -> memref<1x61x80xi32, #tpu.memory_space<hbm>>
      %dma_wait3A_214 = tpu.memref_squeeze %dma_wait3A_213 : memref<1x61x80xi32, #tpu.memory_space<hbm>> -> memref<61x80xi32, #tpu.memory_space<hbm>>
      tpu.wait_dma2 semaphore(%run_scoped3A_186 : memref<!tpu.dma_semaphore, #tpu.memory_space<semaphore_mem>>) src(%dma_wait3A_214 : memref<61x80xi32, #tpu.memory_space<hbm>>) dst(%dma_wait3A_210 : memref<61x80xi32, #tpu.memory_space<vmem>>)
      tpu.yield
    }) : () -> ()
    %dma_start3A_73 = arith.constant 0 : i32
    %dma_start3A_74 = arith.constant 0 : i32
    %dma_start3A_75 = arith.constant 0 : i32
    %dma_start3A_76 = arith.constant 0 : i32
    %dma_start3A_77 = arith.constant 0 : i32
    %dma_start3A_78 = tpu.memref_slice %arg9[%dma_start3A_74, %dma_start3A_76, %dma_start3A_77] : memref<2x80x128xf32, #tpu.memory_space<vmem>> -> memref<1x80x128xf32, #tpu.memory_space<vmem>>
    %dma_start3A_79 = tpu.memref_squeeze %dma_start3A_78 : memref<1x80x128xf32, #tpu.memory_space<vmem>> -> memref<80x128xf32, #tpu.memory_space<vmem>>
    %dma_start3A_80 = arith.constant 0 : i32
    %dma_start3A_81 = tpu.memref_slice %arg7[%dma_start3A_73, %dma_start3A_80] : memref<64x80xi32, #tpu.memory_space<vmem>> -> memref<1x80xi32, #tpu.memory_space<vmem>>
    %dma_start3A_82 = tpu.memref_squeeze %dma_start3A_81 : memref<1x80xi32, #tpu.memory_space<vmem>> -> memref<80xi32, #tpu.memory_space<vmem>>
    %dma_start3A_83 = arith.constant 0 : i32
    %dma_start3A_84 = arith.constant 0 : i32
    %dma_start3A_85 = tpu.memref_slice %arg2[%dma_start3A_83, %dma_start3A_84] : memref<10000x128xf32, #tpu.memory_space<hbm>> -> memref<10000x128xf32, #tpu.memory_space<hbm>>
    %dma_start3A_86 = tpu.memref_slice %arg11[%dma_start3A_75] : memref<2x!tpu.dma_semaphore, #tpu.memory_space<semaphore_mem>> -> memref<1x!tpu.dma_semaphore, #tpu.memory_space<semaphore_mem>>
    %dma_start3A_87 = tpu.memref_squeeze %dma_start3A_86 : memref<1x!tpu.dma_semaphore, #tpu.memory_space<semaphore_mem>> -> memref<!tpu.dma_semaphore, #tpu.memory_space<semaphore_mem>>
    tpu.enqueue_indirect_dma source(%dma_start3A_85 : memref<10000x128xf32, #tpu.memory_space<hbm>>) target(%dma_start3A_79 : memref<80x128xf32, #tpu.memory_space<vmem>>) offsets(%dma_start3A_82 : memref<80xi32, #tpu.memory_space<vmem>>) semaphore(%dma_start3A_87 : memref<!tpu.dma_semaphore, #tpu.memory_space<semaphore_mem>>)
    %scan3A_88 = arith.constant 0 : i32
    %scan3A_89 = arith.constant 0 : i32
    %scan3A_90 = arith.constant 29 : i32
    %scan3A_91 = arith.addi %scan3A_89, %scan3A_90 : i32
    %scan3A_92 = arith.constant 1 : i32
    scf.for %scan3A_186 = %scan3A_89 to %scan3A_91 step %scan3A_92  : i32 {
      %mul3A_187 = arith.constant 2 : i32
      %mul3A_188 = arith.muli %mul3A_187, %scan3A_186 : i32
      %add3A_189 = arith.constant 1 : i32
      %add3A_190 = arith.addi %mul3A_188, %add3A_189 : i32
      %dma_start3A_191 = arith.constant 1 : i32
      %dma_start3A_192 = arith.constant 1 : i32
      %dma_start3A_193 = arith.constant 0 : i32
      %dma_start3A_194 = arith.constant 0 : i32
      %dma_start3A_195 = tpu.memref_slice %arg9[%dma_start3A_191, %dma_start3A_193, %dma_start3A_194] : memref<2x80x128xf32, #tpu.memory_space<vmem>> -> memref<1x80x128xf32, #tpu.memory_space<vmem>>
      %dma_start3A_196 = tpu.memref_squeeze %dma_start3A_195 : memref<1x80x128xf32, #tpu.memory_space<vmem>> -> memref<80x128xf32, #tpu.memory_space<vmem>>
      %dma_start3A_197 = arith.constant 0 : i32
      %dma_start3A_198 = tpu.memref_slice %arg7[%add3A_190, %dma_start3A_197] : memref<64x80xi32, #tpu.memory_space<vmem>> -> memref<1x80xi32, #tpu.memory_space<vmem>>
      %dma_start3A_199 = tpu.memref_squeeze %dma_start3A_198 : memref<1x80xi32, #tpu.memory_space<vmem>> -> memref<80xi32, #tpu.memory_space<vmem>>
      %dma_start3A_200 = arith.constant 0 : i32
      %dma_start3A_201 = arith.constant 0 : i32
      %dma_start3A_202 = tpu.memref_slice %arg2[%dma_start3A_200, %dma_start3A_201] : memref<10000x128xf32, #tpu.memory_space<hbm>> -> memref<10000x128xf32, #tpu.memory_space<hbm>>
      %dma_start3A_203 = tpu.memref_slice %arg11[%dma_start3A_192] : memref<2x!tpu.dma_semaphore, #tpu.memory_space<semaphore_mem>> -> memref<1x!tpu.dma_semaphore, #tpu.memory_space<semaphore_mem>>
      %dma_start3A_204 = tpu.memref_squeeze %dma_start3A_203 : memref<1x!tpu.dma_semaphore, #tpu.memory_space<semaphore_mem>> -> memref<!tpu.dma_semaphore, #tpu.memory_space<semaphore_mem>>
      tpu.enqueue_indirect_dma source(%dma_start3A_202 : memref<10000x128xf32, #tpu.memory_space<hbm>>) target(%dma_start3A_196 : memref<80x128xf32, #tpu.memory_space<vmem>>) offsets(%dma_start3A_199 : memref<80xi32, #tpu.memory_space<vmem>>) semaphore(%dma_start3A_204 : memref<!tpu.dma_semaphore, #tpu.memory_space<semaphore_mem>>)
      %dma_wait3A_205 = arith.constant 0 : i32
      %dma_wait3A_206 = arith.constant 0 : i32
      %dma_wait3A_207 = arith.constant 0 : i32
      %dma_wait3A_208 = arith.constant 0 : i32
      %dma_wait3A_209 = tpu.memref_slice %arg9[%dma_wait3A_205, %dma_wait3A_207, %dma_wait3A_208] : memref<2x80x128xf32, #tpu.memory_space<vmem>> -> memref<1x80x128xf32, #tpu.memory_space<vmem>>
      %dma_wait3A_210 = tpu.memref_squeeze %dma_wait3A_209 : memref<1x80x128xf32, #tpu.memory_space<vmem>> -> memref<80x128xf32, #tpu.memory_space<vmem>>
      %dma_wait3A_211 = arith.constant 0 : i32
      %dma_wait3A_212 = tpu.memref_slice %arg7[%mul3A_188, %dma_wait3A_211] : memref<64x80xi32, #tpu.memory_space<vmem>> -> memref<1x80xi32, #tpu.memory_space<vmem>>
      %dma_wait3A_213 = tpu.memref_squeeze %dma_wait3A_212 : memref<1x80xi32, #tpu.memory_space<vmem>> -> memref<80xi32, #tpu.memory_space<vmem>>
      %dma_wait3A_214 = arith.constant 0 : i32
      %dma_wait3A_215 = arith.constant 0 : i32
      %dma_wait3A_216 = tpu.memref_slice %arg2[%dma_wait3A_214, %dma_wait3A_215] : memref<10000x128xf32, #tpu.memory_space<hbm>> -> memref<10000x128xf32, #tpu.memory_space<hbm>>
      %dma_wait3A_217 = tpu.memref_slice %arg11[%dma_wait3A_206] : memref<2x!tpu.dma_semaphore, #tpu.memory_space<semaphore_mem>> -> memref<1x!tpu.dma_semaphore, #tpu.memory_space<semaphore_mem>>
      %dma_wait3A_218 = tpu.memref_squeeze %dma_wait3A_217 : memref<1x!tpu.dma_semaphore, #tpu.memory_space<semaphore_mem>> -> memref<!tpu.dma_semaphore, #tpu.memory_space<semaphore_mem>>
      tpu.wait_indirect_dma semaphore(%dma_wait3A_218 : memref<!tpu.dma_semaphore, #tpu.memory_space<semaphore_mem>>) src(%dma_wait3A_216 : memref<10000x128xf32, #tpu.memory_space<hbm>>) dst(%dma_wait3A_210 : memref<80x128xf32, #tpu.memory_space<vmem>>)
      %run_scoped3A_219 = arith.constant 0 : i32
      "tpu.region"() ({
        %run_scoped3A_255 = tpu.sem_alloc : memref<!tpu.dma_semaphore, #tpu.memory_space<semaphore_mem>>
        %dma_start3A_256 = arith.constant 0 : i32
        %dma_start3A_257 = arith.constant 0 : i32
        %dma_start3A_258 = tpu.memref_slice %arg9[%run_scoped3A_219, %dma_start3A_256, %dma_start3A_257] : memref<2x80x128xf32, #tpu.memory_space<vmem>> -> memref<1x80x128xf32, #tpu.memory_space<vmem>>
        %dma_start3A_259 = tpu.memref_squeeze %dma_start3A_258 : memref<1x80x128xf32, #tpu.memory_space<vmem>> -> memref<80x128xf32, #tpu.memory_space<vmem>>
        %dma_start3A_260 = arith.constant 0 : i32
        %dma_start3A_261 = tpu.memref_slice %arg8[%mul3A_188, %dma_start3A_260] : memref<64x80xi32, #tpu.memory_space<vmem>> -> memref<1x80xi32, #tpu.memory_space<vmem>>
        %dma_start3A_262 = tpu.memref_squeeze %dma_start3A_261 : memref<1x80xi32, #tpu.memory_space<vmem>> -> memref<80xi32, #tpu.memory_space<vmem>>
        %dma_start3A_263 = arith.constant 0 : i32
        %dma_start3A_264 = arith.constant 0 : i32
        %dma_start3A_265 = tpu.memref_slice %arg10[%dma_start3A_263, %dma_start3A_264] : memref<10000x128xf32, #tpu.memory_space<vmem_shared>> -> memref<10000x128xf32, #tpu.memory_space<vmem_shared>>
        tpu.enqueue_indirect_dma source(%dma_start3A_259 : memref<80x128xf32, #tpu.memory_space<vmem>>) target(%dma_start3A_265 : memref<10000x128xf32, #tpu.memory_space<vmem_shared>>) offsets(%dma_start3A_262 : memref<80xi32, #tpu.memory_space<vmem>>) semaphore(%run_scoped3A_255 : memref<!tpu.dma_semaphore, #tpu.memory_space<semaphore_mem>>) {add = true}
        %dma_wait3A_266 = arith.constant 0 : i32
        %dma_wait3A_267 = arith.constant 0 : i32
        %dma_wait3A_268 = tpu.memref_slice %arg9[%run_scoped3A_219, %dma_wait3A_266, %dma_wait3A_267] : memref<2x80x128xf32, #tpu.memory_space<vmem>> -> memref<1x80x128xf32, #tpu.memory_space<vmem>>
        %dma_wait3A_269 = tpu.memref_squeeze %dma_wait3A_268 : memref<1x80x128xf32, #tpu.memory_space<vmem>> -> memref<80x128xf32, #tpu.memory_space<vmem>>
        %dma_wait3A_270 = arith.constant 0 : i32
        %dma_wait3A_271 = tpu.memref_slice %arg8[%mul3A_188, %dma_wait3A_270] : memref<64x80xi32, #tpu.memory_space<vmem>> -> memref<1x80xi32, #tpu.memory_space<vmem>>
        %dma_wait3A_272 = tpu.memref_squeeze %dma_wait3A_271 : memref<1x80xi32, #tpu.memory_space<vmem>> -> memref<80xi32, #tpu.memory_space<vmem>>
        %dma_wait3A_273 = arith.constant 0 : i32
        %dma_wait3A_274 = arith.constant 0 : i32
        %dma_wait3A_275 = tpu.memref_slice %arg10[%dma_wait3A_273, %dma_wait3A_274] : memref<10000x128xf32, #tpu.memory_space<vmem_shared>> -> memref<10000x128xf32, #tpu.memory_space<vmem_shared>>
        tpu.wait_indirect_dma semaphore(%run_scoped3A_255 : memref<!tpu.dma_semaphore, #tpu.memory_space<semaphore_mem>>) src(%dma_wait3A_269 : memref<80x128xf32, #tpu.memory_space<vmem>>) dst(%dma_wait3A_275 : memref<10000x128xf32, #tpu.memory_space<vmem_shared>>)
        tpu.yield
      }) : () -> ()
      %add3A_220 = arith.constant 2 : i32
      %add3A_221 = arith.addi %mul3A_188, %add3A_220 : i32
      %dma_start3A_222 = arith.constant 0 : i32
      %dma_start3A_223 = arith.constant 0 : i32
      %dma_start3A_224 = arith.constant 0 : i32
      %dma_start3A_225 = arith.constant 0 : i32
      %dma_start3A_226 = tpu.memref_slice %arg9[%dma_start3A_222, %dma_start3A_224, %dma_start3A_225] : memref<2x80x128xf32, #tpu.memory_space<vmem>> -> memref<1x80x128xf32, #tpu.memory_space<vmem>>
      %dma_start3A_227 = tpu.memref_squeeze %dma_start3A_226 : memref<1x80x128xf32, #tpu.memory_space<vmem>> -> memref<80x128xf32, #tpu.memory_space<vmem>>
      %dma_start3A_228 = arith.constant 0 : i32
      %dma_start3A_229 = tpu.memref_slice %arg7[%add3A_221, %dma_start3A_228] : memref<64x80xi32, #tpu.memory_space<vmem>> -> memref<1x80xi32, #tpu.memory_space<vmem>>
      %dma_start3A_230 = tpu.memref_squeeze %dma_start3A_229 : memref<1x80xi32, #tpu.memory_space<vmem>> -> memref<80xi32, #tpu.memory_space<vmem>>
      %dma_start3A_231 = arith.constant 0 : i32
      %dma_start3A_232 = arith.constant 0 : i32
      %dma_start3A_233 = tpu.memref_slice %arg2[%dma_start3A_231, %dma_start3A_232] : memref<10000x128xf32, #tpu.memory_space<hbm>> -> memref<10000x128xf32, #tpu.memory_space<hbm>>
      %dma_start3A_234 = tpu.memref_slice %arg11[%dma_start3A_223] : memref<2x!tpu.dma_semaphore, #tpu.memory_space<semaphore_mem>> -> memref<1x!tpu.dma_semaphore, #tpu.memory_space<semaphore_mem>>
      %dma_start3A_235 = tpu.memref_squeeze %dma_start3A_234 : memref<1x!tpu.dma_semaphore, #tpu.memory_space<semaphore_mem>> -> memref<!tpu.dma_semaphore, #tpu.memory_space<semaphore_mem>>
      tpu.enqueue_indirect_dma source(%dma_start3A_233 : memref<10000x128xf32, #tpu.memory_space<hbm>>) target(%dma_start3A_227 : memref<80x128xf32, #tpu.memory_space<vmem>>) offsets(%dma_start3A_230 : memref<80xi32, #tpu.memory_space<vmem>>) semaphore(%dma_start3A_235 : memref<!tpu.dma_semaphore, #tpu.memory_space<semaphore_mem>>)
      %add3A_236 = arith.constant 1 : i32
      %add3A_237 = arith.addi %mul3A_188, %add3A_236 : i32
      %dma_wait3A_238 = arith.constant 1 : i32
      %dma_wait3A_239 = arith.constant 1 : i32
      %dma_wait3A_240 = arith.constant 0 : i32
      %dma_wait3A_241 = arith.constant 0 : i32
      %dma_wait3A_242 = tpu.memref_slice %arg9[%dma_wait3A_238, %dma_wait3A_240, %dma_wait3A_241] : memref<2x80x128xf32, #tpu.memory_space<vmem>> -> memref<1x80x128xf32, #tpu.memory_space<vmem>>
      %dma_wait3A_243 = tpu.memref_squeeze %dma_wait3A_242 : memref<1x80x128xf32, #tpu.memory_space<vmem>> -> memref<80x128xf32, #tpu.memory_space<vmem>>
      %dma_wait3A_244 = arith.constant 0 : i32
      %dma_wait3A_245 = tpu.memref_slice %arg7[%add3A_237, %dma_wait3A_244] : memref<64x80xi32, #tpu.memory_space<vmem>> -> memref<1x80xi32, #tpu.memory_space<vmem>>
      %dma_wait3A_246 = tpu.memref_squeeze %dma_wait3A_245 : memref<1x80xi32, #tpu.memory_space<vmem>> -> memref<80xi32, #tpu.memory_space<vmem>>
      %dma_wait3A_247 = arith.constant 0 : i32
      %dma_wait3A_248 = arith.constant 0 : i32
      %dma_wait3A_249 = tpu.memref_slice %arg2[%dma_wait3A_247, %dma_wait3A_248] : memref<10000x128xf32, #tpu.memory_space<hbm>> -> memref<10000x128xf32, #tpu.memory_space<hbm>>
      %dma_wait3A_250 = tpu.memref_slice %arg11[%dma_wait3A_239] : memref<2x!tpu.dma_semaphore, #tpu.memory_space<semaphore_mem>> -> memref<1x!tpu.dma_semaphore, #tpu.memory_space<semaphore_mem>>
      %dma_wait3A_251 = tpu.memref_squeeze %dma_wait3A_250 : memref<1x!tpu.dma_semaphore, #tpu.memory_space<semaphore_mem>> -> memref<!tpu.dma_semaphore, #tpu.memory_space<semaphore_mem>>
      tpu.wait_indirect_dma semaphore(%dma_wait3A_251 : memref<!tpu.dma_semaphore, #tpu.memory_space<semaphore_mem>>) src(%dma_wait3A_249 : memref<10000x128xf32, #tpu.memory_space<hbm>>) dst(%dma_wait3A_243 : memref<80x128xf32, #tpu.memory_space<vmem>>)
      %add3A_252 = arith.constant 1 : i32
      %add3A_253 = arith.addi %mul3A_188, %add3A_252 : i32
      %run_scoped3A_254 = arith.constant 1 : i32
      "tpu.region"() ({
        %run_scoped3A_255 = tpu.sem_alloc : memref<!tpu.dma_semaphore, #tpu.memory_space<semaphore_mem>>
        %dma_start3A_256 = arith.constant 0 : i32
        %dma_start3A_257 = arith.constant 0 : i32
        %dma_start3A_258 = tpu.memref_slice %arg9[%run_scoped3A_254, %dma_start3A_256, %dma_start3A_257] : memref<2x80x128xf32, #tpu.memory_space<vmem>> -> memref<1x80x128xf32, #tpu.memory_space<vmem>>
        %dma_start3A_259 = tpu.memref_squeeze %dma_start3A_258 : memref<1x80x128xf32, #tpu.memory_space<vmem>> -> memref<80x128xf32, #tpu.memory_space<vmem>>
        %dma_start3A_260 = arith.constant 0 : i32
        %dma_start3A_261 = tpu.memref_slice %arg8[%add3A_253, %dma_start3A_260] : memref<64x80xi32, #tpu.memory_space<vmem>> -> memref<1x80xi32, #tpu.memory_space<vmem>>
        %dma_start3A_262 = tpu.memref_squeeze %dma_start3A_261 : memref<1x80xi32, #tpu.memory_space<vmem>> -> memref<80xi32, #tpu.memory_space<vmem>>
        %dma_start3A_263 = arith.constant 0 : i32
        %dma_start3A_264 = arith.constant 0 : i32
        %dma_start3A_265 = tpu.memref_slice %arg10[%dma_start3A_263, %dma_start3A_264] : memref<10000x128xf32, #tpu.memory_space<vmem_shared>> -> memref<10000x128xf32, #tpu.memory_space<vmem_shared>>
        tpu.enqueue_indirect_dma source(%dma_start3A_259 : memref<80x128xf32, #tpu.memory_space<vmem>>) target(%dma_start3A_265 : memref<10000x128xf32, #tpu.memory_space<vmem_shared>>) offsets(%dma_start3A_262 : memref<80xi32, #tpu.memory_space<vmem>>) semaphore(%run_scoped3A_255 : memref<!tpu.dma_semaphore, #tpu.memory_space<semaphore_mem>>) {add = true}
        %dma_wait3A_266 = arith.constant 0 : i32
        %dma_wait3A_267 = arith.constant 0 : i32
        %dma_wait3A_268 = tpu.memref_slice %arg9[%run_scoped3A_254, %dma_wait3A_266, %dma_wait3A_267] : memref<2x80x128xf32, #tpu.memory_space<vmem>> -> memref<1x80x128xf32, #tpu.memory_space<vmem>>
        %dma_wait3A_269 = tpu.memref_squeeze %dma_wait3A_268 : memref<1x80x128xf32, #tpu.memory_space<vmem>> -> memref<80x128xf32, #tpu.memory_space<vmem>>
        %dma_wait3A_270 = arith.constant 0 : i32
        %dma_wait3A_271 = tpu.memref_slice %arg8[%add3A_253, %dma_wait3A_270] : memref<64x80xi32, #tpu.memory_space<vmem>> -> memref<1x80xi32, #tpu.memory_space<vmem>>
        %dma_wait3A_272 = tpu.memref_squeeze %dma_wait3A_271 : memref<1x80xi32, #tpu.memory_space<vmem>> -> memref<80xi32, #tpu.memory_space<vmem>>
        %dma_wait3A_273 = arith.constant 0 : i32
        %dma_wait3A_274 = arith.constant 0 : i32
        %dma_wait3A_275 = tpu.memref_slice %arg10[%dma_wait3A_273, %dma_wait3A_274] : memref<10000x128xf32, #tpu.memory_space<vmem_shared>> -> memref<10000x128xf32, #tpu.memory_space<vmem_shared>>
        tpu.wait_indirect_dma semaphore(%run_scoped3A_255 : memref<!tpu.dma_semaphore, #tpu.memory_space<semaphore_mem>>) src(%dma_wait3A_269 : memref<80x128xf32, #tpu.memory_space<vmem>>) dst(%dma_wait3A_275 : memref<10000x128xf32, #tpu.memory_space<vmem_shared>>)
        tpu.yield
      }) : () -> ()
    }
    %scan3A_93 = arith.constant 29 : i32
    %dma_start3A_94 = arith.constant 59 : i32
    %dma_start3A_95 = arith.constant 1 : i32
    %dma_start3A_96 = arith.constant 1 : i32
    %dma_start3A_97 = arith.constant 0 : i32
    %dma_start3A_98 = arith.constant 0 : i32
    %dma_start3A_99 = tpu.memref_slice %arg9[%dma_start3A_95, %dma_start3A_97, %dma_start3A_98] : memref<2x80x128xf32, #tpu.memory_space<vmem>> -> memref<1x80x128xf32, #tpu.memory_space<vmem>>
    %dma_start3A_100 = tpu.memref_squeeze %dma_start3A_99 : memref<1x80x128xf32, #tpu.memory_space<vmem>> -> memref<80x128xf32, #tpu.memory_space<vmem>>
    %dma_start3A_101 = arith.constant 0 : i32
    %dma_start3A_102 = tpu.memref_slice %arg7[%dma_start3A_94, %dma_start3A_101] : memref<64x80xi32, #tpu.memory_space<vmem>> -> memref<1x80xi32, #tpu.memory_space<vmem>>
    %dma_start3A_103 = tpu.memref_squeeze %dma_start3A_102 : memref<1x80xi32, #tpu.memory_space<vmem>> -> memref<80xi32, #tpu.memory_space<vmem>>
    %dma_start3A_104 = arith.constant 0 : i32
    %dma_start3A_105 = arith.constant 0 : i32
    %dma_start3A_106 = tpu.memref_slice %arg2[%dma_start3A_104, %dma_start3A_105] : memref<10000x128xf32, #tpu.memory_space<hbm>> -> memref<10000x128xf32, #tpu.memory_space<hbm>>
    %dma_start3A_107 = tpu.memref_slice %arg11[%dma_start3A_96] : memref<2x!tpu.dma_semaphore, #tpu.memory_space<semaphore_mem>> -> memref<1x!tpu.dma_semaphore, #tpu.memory_space<semaphore_mem>>
    %dma_start3A_108 = tpu.memref_squeeze %dma_start3A_107 : memref<1x!tpu.dma_semaphore, #tpu.memory_space<semaphore_mem>> -> memref<!tpu.dma_semaphore, #tpu.memory_space<semaphore_mem>>
    tpu.enqueue_indirect_dma source(%dma_start3A_106 : memref<10000x128xf32, #tpu.memory_space<hbm>>) target(%dma_start3A_100 : memref<80x128xf32, #tpu.memory_space<vmem>>) offsets(%dma_start3A_103 : memref<80xi32, #tpu.memory_space<vmem>>) semaphore(%dma_start3A_108 : memref<!tpu.dma_semaphore, #tpu.memory_space<semaphore_mem>>)
    %dma_wait3A_109 = arith.constant 58 : i32
    %dma_wait3A_110 = arith.constant 0 : i32
    %dma_wait3A_111 = arith.constant 0 : i32
    %dma_wait3A_112 = arith.constant 0 : i32
    %dma_wait3A_113 = arith.constant 0 : i32
    %dma_wait3A_114 = tpu.memref_slice %arg9[%dma_wait3A_110, %dma_wait3A_112, %dma_wait3A_113] : memref<2x80x128xf32, #tpu.memory_space<vmem>> -> memref<1x80x128xf32, #tpu.memory_space<vmem>>
    %dma_wait3A_115 = tpu.memref_squeeze %dma_wait3A_114 : memref<1x80x128xf32, #tpu.memory_space<vmem>> -> memref<80x128xf32, #tpu.memory_space<vmem>>
    %dma_wait3A_116 = arith.constant 0 : i32
    %dma_wait3A_117 = tpu.memref_slice %arg7[%dma_wait3A_109, %dma_wait3A_116] : memref<64x80xi32, #tpu.memory_space<vmem>> -> memref<1x80xi32, #tpu.memory_space<vmem>>
    %dma_wait3A_118 = tpu.memref_squeeze %dma_wait3A_117 : memref<1x80xi32, #tpu.memory_space<vmem>> -> memref<80xi32, #tpu.memory_space<vmem>>
    %dma_wait3A_119 = arith.constant 0 : i32
    %dma_wait3A_120 = arith.constant 0 : i32
    %dma_wait3A_121 = tpu.memref_slice %arg2[%dma_wait3A_119, %dma_wait3A_120] : memref<10000x128xf32, #tpu.memory_space<hbm>> -> memref<10000x128xf32, #tpu.memory_space<hbm>>
    %dma_wait3A_122 = tpu.memref_slice %arg11[%dma_wait3A_111] : memref<2x!tpu.dma_semaphore, #tpu.memory_space<semaphore_mem>> -> memref<1x!tpu.dma_semaphore, #tpu.memory_space<semaphore_mem>>
    %dma_wait3A_123 = tpu.memref_squeeze %dma_wait3A_122 : memref<1x!tpu.dma_semaphore, #tpu.memory_space<semaphore_mem>> -> memref<!tpu.dma_semaphore, #tpu.memory_space<semaphore_mem>>
    tpu.wait_indirect_dma semaphore(%dma_wait3A_123 : memref<!tpu.dma_semaphore, #tpu.memory_space<semaphore_mem>>) src(%dma_wait3A_121 : memref<10000x128xf32, #tpu.memory_space<hbm>>) dst(%dma_wait3A_115 : memref<80x128xf32, #tpu.memory_space<vmem>>)
    %run_scoped3A_124 = arith.constant 0 : i32
    %run_scoped3A_125 = arith.constant 58 : i32
    "tpu.region"() ({
      %run_scoped3A_186 = tpu.sem_alloc : memref<!tpu.dma_semaphore, #tpu.memory_space<semaphore_mem>>
      %dma_start3A_187 = arith.constant 0 : i32
      %dma_start3A_188 = arith.constant 0 : i32
      %dma_start3A_189 = tpu.memref_slice %arg9[%run_scoped3A_124, %dma_start3A_187, %dma_start3A_188] : memref<2x80x128xf32, #tpu.memory_space<vmem>> -> memref<1x80x128xf32, #tpu.memory_space<vmem>>
      %dma_start3A_190 = tpu.memref_squeeze %dma_start3A_189 : memref<1x80x128xf32, #tpu.memory_space<vmem>> -> memref<80x128xf32, #tpu.memory_space<vmem>>
      %dma_start3A_191 = arith.constant 0 : i32
      %dma_start3A_192 = tpu.memref_slice %arg8[%run_scoped3A_125, %dma_start3A_191] : memref<64x80xi32, #tpu.memory_space<vmem>> -> memref<1x80xi32, #tpu.memory_space<vmem>>
      %dma_start3A_193 = tpu.memref_squeeze %dma_start3A_192 : memref<1x80xi32, #tpu.memory_space<vmem>> -> memref<80xi32, #tpu.memory_space<vmem>>
      %dma_start3A_194 = arith.constant 0 : i32
      %dma_start3A_195 = arith.constant 0 : i32
      %dma_start3A_196 = tpu.memref_slice %arg10[%dma_start3A_194, %dma_start3A_195] : memref<10000x128xf32, #tpu.memory_space<vmem_shared>> -> memref<10000x128xf32, #tpu.memory_space<vmem_shared>>
      tpu.enqueue_indirect_dma source(%dma_start3A_190 : memref<80x128xf32, #tpu.memory_space<vmem>>) target(%dma_start3A_196 : memref<10000x128xf32, #tpu.memory_space<vmem_shared>>) offsets(%dma_start3A_193 : memref<80xi32, #tpu.memory_space<vmem>>) semaphore(%run_scoped3A_186 : memref<!tpu.dma_semaphore, #tpu.memory_space<semaphore_mem>>) {add = true}
      %dma_wait3A_197 = arith.constant 0 : i32
      %dma_wait3A_198 = arith.constant 0 : i32
      %dma_wait3A_199 = tpu.memref_slice %arg9[%run_scoped3A_124, %dma_wait3A_197, %dma_wait3A_198] : memref<2x80x128xf32, #tpu.memory_space<vmem>> -> memref<1x80x128xf32, #tpu.memory_space<vmem>>
      %dma_wait3A_200 = tpu.memref_squeeze %dma_wait3A_199 : memref<1x80x128xf32, #tpu.memory_space<vmem>> -> memref<80x128xf32, #tpu.memory_space<vmem>>
      %dma_wait3A_201 = arith.constant 0 : i32
      %dma_wait3A_202 = tpu.memref_slice %arg8[%run_scoped3A_125, %dma_wait3A_201] : memref<64x80xi32, #tpu.memory_space<vmem>> -> memref<1x80xi32, #tpu.memory_space<vmem>>
      %dma_wait3A_203 = tpu.memref_squeeze %dma_wait3A_202 : memref<1x80xi32, #tpu.memory_space<vmem>> -> memref<80xi32, #tpu.memory_space<vmem>>
      %dma_wait3A_204 = arith.constant 0 : i32
      %dma_wait3A_205 = arith.constant 0 : i32
      %dma_wait3A_206 = tpu.memref_slice %arg10[%dma_wait3A_204, %dma_wait3A_205] : memref<10000x128xf32, #tpu.memory_space<vmem_shared>> -> memref<10000x128xf32, #tpu.memory_space<vmem_shared>>
      tpu.wait_indirect_dma semaphore(%run_scoped3A_186 : memref<!tpu.dma_semaphore, #tpu.memory_space<semaphore_mem>>) src(%dma_wait3A_200 : memref<80x128xf32, #tpu.memory_space<vmem>>) dst(%dma_wait3A_206 : memref<10000x128xf32, #tpu.memory_space<vmem_shared>>)
      tpu.yield
    }) : () -> ()
    %dma_start3A_126 = arith.constant 60 : i32
    %dma_start3A_127 = arith.constant 0 : i32
    %dma_start3A_128 = arith.constant 0 : i32
    %dma_start3A_129 = arith.constant 0 : i32
    %dma_start3A_130 = arith.constant 0 : i32
    %dma_start3A_131 = tpu.memref_slice %arg9[%dma_start3A_127, %dma_start3A_129, %dma_start3A_130] : memref<2x80x128xf32, #tpu.memory_space<vmem>> -> memref<1x80x128xf32, #tpu.memory_space<vmem>>
    %dma_start3A_132 = tpu.memref_squeeze %dma_start3A_131 : memref<1x80x128xf32, #tpu.memory_space<vmem>> -> memref<80x128xf32, #tpu.memory_space<vmem>>
    %dma_start3A_133 = arith.constant 0 : i32
    %dma_start3A_134 = tpu.memref_slice %arg7[%dma_start3A_126, %dma_start3A_133] : memref<64x80xi32, #tpu.memory_space<vmem>> -> memref<1x80xi32, #tpu.memory_space<vmem>>
    %dma_start3A_135 = tpu.memref_squeeze %dma_start3A_134 : memref<1x80xi32, #tpu.memory_space<vmem>> -> memref<80xi32, #tpu.memory_space<vmem>>
    %dma_start3A_136 = arith.constant 0 : i32
    %dma_start3A_137 = arith.constant 0 : i32
    %dma_start3A_138 = tpu.memref_slice %arg2[%dma_start3A_136, %dma_start3A_137] : memref<10000x128xf32, #tpu.memory_space<hbm>> -> memref<10000x128xf32, #tpu.memory_space<hbm>>
    %dma_start3A_139 = tpu.memref_slice %arg11[%dma_start3A_128] : memref<2x!tpu.dma_semaphore, #tpu.memory_space<semaphore_mem>> -> memref<1x!tpu.dma_semaphore, #tpu.memory_space<semaphore_mem>>
    %dma_start3A_140 = tpu.memref_squeeze %dma_start3A_139 : memref<1x!tpu.dma_semaphore, #tpu.memory_space<semaphore_mem>> -> memref<!tpu.dma_semaphore, #tpu.memory_space<semaphore_mem>>
    tpu.enqueue_indirect_dma source(%dma_start3A_138 : memref<10000x128xf32, #tpu.memory_space<hbm>>) target(%dma_start3A_132 : memref<80x128xf32, #tpu.memory_space<vmem>>) offsets(%dma_start3A_135 : memref<80xi32, #tpu.memory_space<vmem>>) semaphore(%dma_start3A_140 : memref<!tpu.dma_semaphore, #tpu.memory_space<semaphore_mem>>)
    %dma_wait3A_141 = arith.constant 59 : i32
    %dma_wait3A_142 = arith.constant 1 : i32
    %dma_wait3A_143 = arith.constant 1 : i32
    %dma_wait3A_144 = arith.constant 0 : i32
    %dma_wait3A_145 = arith.constant 0 : i32
    %dma_wait3A_146 = tpu.memref_slice %arg9[%dma_wait3A_142, %dma_wait3A_144, %dma_wait3A_145] : memref<2x80x128xf32, #tpu.memory_space<vmem>> -> memref<1x80x128xf32, #tpu.memory_space<vmem>>
    %dma_wait3A_147 = tpu.memref_squeeze %dma_wait3A_146 : memref<1x80x128xf32, #tpu.memory_space<vmem>> -> memref<80x128xf32, #tpu.memory_space<vmem>>
    %dma_wait3A_148 = arith.constant 0 : i32
    %dma_wait3A_149 = tpu.memref_slice %arg7[%dma_wait3A_141, %dma_wait3A_148] : memref<64x80xi32, #tpu.memory_space<vmem>> -> memref<1x80xi32, #tpu.memory_space<vmem>>
    %dma_wait3A_150 = tpu.memref_squeeze %dma_wait3A_149 : memref<1x80xi32, #tpu.memory_space<vmem>> -> memref<80xi32, #tpu.memory_space<vmem>>
    %dma_wait3A_151 = arith.constant 0 : i32
    %dma_wait3A_152 = arith.constant 0 : i32
    %dma_wait3A_153 = tpu.memref_slice %arg2[%dma_wait3A_151, %dma_wait3A_152] : memref<10000x128xf32, #tpu.memory_space<hbm>> -> memref<10000x128xf32, #tpu.memory_space<hbm>>
    %dma_wait3A_154 = tpu.memref_slice %arg11[%dma_wait3A_143] : memref<2x!tpu.dma_semaphore, #tpu.memory_space<semaphore_mem>> -> memref<1x!tpu.dma_semaphore, #tpu.memory_space<semaphore_mem>>
    %dma_wait3A_155 = tpu.memref_squeeze %dma_wait3A_154 : memref<1x!tpu.dma_semaphore, #tpu.memory_space<semaphore_mem>> -> memref<!tpu.dma_semaphore, #tpu.memory_space<semaphore_mem>>
    tpu.wait_indirect_dma semaphore(%dma_wait3A_155 : memref<!tpu.dma_semaphore, #tpu.memory_space<semaphore_mem>>) src(%dma_wait3A_153 : memref<10000x128xf32, #tpu.memory_space<hbm>>) dst(%dma_wait3A_147 : memref<80x128xf32, #tpu.memory_space<vmem>>)
    %run_scoped3A_156 = arith.constant 1 : i32
    %run_scoped3A_157 = arith.constant 59 : i32
    "tpu.region"() ({
      %run_scoped3A_186 = tpu.sem_alloc : memref<!tpu.dma_semaphore, #tpu.memory_space<semaphore_mem>>
      %dma_start3A_187 = arith.constant 0 : i32
      %dma_start3A_188 = arith.constant 0 : i32
      %dma_start3A_189 = tpu.memref_slice %arg9[%run_scoped3A_156, %dma_start3A_187, %dma_start3A_188] : memref<2x80x128xf32, #tpu.memory_space<vmem>> -> memref<1x80x128xf32, #tpu.memory_space<vmem>>
      %dma_start3A_190 = tpu.memref_squeeze %dma_start3A_189 : memref<1x80x128xf32, #tpu.memory_space<vmem>> -> memref<80x128xf32, #tpu.memory_space<vmem>>
      %dma_start3A_191 = arith.constant 0 : i32
      %dma_start3A_192 = tpu.memref_slice %arg8[%run_scoped3A_157, %dma_start3A_191] : memref<64x80xi32, #tpu.memory_space<vmem>> -> memref<1x80xi32, #tpu.memory_space<vmem>>
      %dma_start3A_193 = tpu.memref_squeeze %dma_start3A_192 : memref<1x80xi32, #tpu.memory_space<vmem>> -> memref<80xi32, #tpu.memory_space<vmem>>
      %dma_start3A_194 = arith.constant 0 : i32
      %dma_start3A_195 = arith.constant 0 : i32
      %dma_start3A_196 = tpu.memref_slice %arg10[%dma_start3A_194, %dma_start3A_195] : memref<10000x128xf32, #tpu.memory_space<vmem_shared>> -> memref<10000x128xf32, #tpu.memory_space<vmem_shared>>
      tpu.enqueue_indirect_dma source(%dma_start3A_190 : memref<80x128xf32, #tpu.memory_space<vmem>>) target(%dma_start3A_196 : memref<10000x128xf32, #tpu.memory_space<vmem_shared>>) offsets(%dma_start3A_193 : memref<80xi32, #tpu.memory_space<vmem>>) semaphore(%run_scoped3A_186 : memref<!tpu.dma_semaphore, #tpu.memory_space<semaphore_mem>>) {add = true}
      %dma_wait3A_197 = arith.constant 0 : i32
      %dma_wait3A_198 = arith.constant 0 : i32
      %dma_wait3A_199 = tpu.memref_slice %arg9[%run_scoped3A_156, %dma_wait3A_197, %dma_wait3A_198] : memref<2x80x128xf32, #tpu.memory_space<vmem>> -> memref<1x80x128xf32, #tpu.memory_space<vmem>>
      %dma_wait3A_200 = tpu.memref_squeeze %dma_wait3A_199 : memref<1x80x128xf32, #tpu.memory_space<vmem>> -> memref<80x128xf32, #tpu.memory_space<vmem>>
      %dma_wait3A_201 = arith.constant 0 : i32
      %dma_wait3A_202 = tpu.memref_slice %arg8[%run_scoped3A_157, %dma_wait3A_201] : memref<64x80xi32, #tpu.memory_space<vmem>> -> memref<1x80xi32, #tpu.memory_space<vmem>>
      %dma_wait3A_203 = tpu.memref_squeeze %dma_wait3A_202 : memref<1x80xi32, #tpu.memory_space<vmem>> -> memref<80xi32, #tpu.memory_space<vmem>>
      %dma_wait3A_204 = arith.constant 0 : i32
      %dma_wait3A_205 = arith.constant 0 : i32
      %dma_wait3A_206 = tpu.memref_slice %arg10[%dma_wait3A_204, %dma_wait3A_205] : memref<10000x128xf32, #tpu.memory_space<vmem_shared>> -> memref<10000x128xf32, #tpu.memory_space<vmem_shared>>
      tpu.wait_indirect_dma semaphore(%run_scoped3A_186 : memref<!tpu.dma_semaphore, #tpu.memory_space<semaphore_mem>>) src(%dma_wait3A_200 : memref<80x128xf32, #tpu.memory_space<vmem>>) dst(%dma_wait3A_206 : memref<10000x128xf32, #tpu.memory_space<vmem_shared>>)
      tpu.yield
    }) : () -> ()
    %dma_wait3A_158 = arith.constant 60 : i32
    %dma_wait3A_159 = arith.constant 0 : i32
    %dma_wait3A_160 = arith.constant 0 : i32
    %dma_wait3A_161 = arith.constant 0 : i32
    %dma_wait3A_162 = arith.constant 0 : i32
    %dma_wait3A_163 = tpu.memref_slice %arg9[%dma_wait3A_159, %dma_wait3A_161, %dma_wait3A_162] : memref<2x80x128xf32, #tpu.memory_space<vmem>> -> memref<1x80x128xf32, #tpu.memory_space<vmem>>
    %dma_wait3A_164 = tpu.memref_squeeze %dma_wait3A_163 : memref<1x80x128xf32, #tpu.memory_space<vmem>> -> memref<80x128xf32, #tpu.memory_space<vmem>>
    %dma_wait3A_165 = arith.constant 0 : i32
    %dma_wait3A_166 = tpu.memref_slice %arg7[%dma_wait3A_158, %dma_wait3A_165] : memref<64x80xi32, #tpu.memory_space<vmem>> -> memref<1x80xi32, #tpu.memory_space<vmem>>
    %dma_wait3A_167 = tpu.memref_squeeze %dma_wait3A_166 : memref<1x80xi32, #tpu.memory_space<vmem>> -> memref<80xi32, #tpu.memory_space<vmem>>
    %dma_wait3A_168 = arith.constant 0 : i32
    %dma_wait3A_169 = arith.constant 0 : i32
    %dma_wait3A_170 = tpu.memref_slice %arg2[%dma_wait3A_168, %dma_wait3A_169] : memref<10000x128xf32, #tpu.memory_space<hbm>> -> memref<10000x128xf32, #tpu.memory_space<hbm>>
    %dma_wait3A_171 = tpu.memref_slice %arg11[%dma_wait3A_160] : memref<2x!tpu.dma_semaphore, #tpu.memory_space<semaphore_mem>> -> memref<1x!tpu.dma_semaphore, #tpu.memory_space<semaphore_mem>>
    %dma_wait3A_172 = tpu.memref_squeeze %dma_wait3A_171 : memref<1x!tpu.dma_semaphore, #tpu.memory_space<semaphore_mem>> -> memref<!tpu.dma_semaphore, #tpu.memory_space<semaphore_mem>>
    tpu.wait_indirect_dma semaphore(%dma_wait3A_172 : memref<!tpu.dma_semaphore, #tpu.memory_space<semaphore_mem>>) src(%dma_wait3A_170 : memref<10000x128xf32, #tpu.memory_space<hbm>>) dst(%dma_wait3A_164 : memref<80x128xf32, #tpu.memory_space<vmem>>)
    %run_scoped3A_173 = arith.constant 0 : i32
    %run_scoped3A_174 = arith.constant 60 : i32
    "tpu.region"() ({
      %run_scoped3A_186 = tpu.sem_alloc : memref<!tpu.dma_semaphore, #tpu.memory_space<semaphore_mem>>
      %dma_start3A_187 = arith.constant 0 : i32
      %dma_start3A_188 = arith.constant 0 : i32
      %dma_start3A_189 = tpu.memref_slice %arg9[%run_scoped3A_173, %dma_start3A_187, %dma_start3A_188] : memref<2x80x128xf32, #tpu.memory_space<vmem>> -> memref<1x80x128xf32, #tpu.memory_space<vmem>>
      %dma_start3A_190 = tpu.memref_squeeze %dma_start3A_189 : memref<1x80x128xf32, #tpu.memory_space<vmem>> -> memref<80x128xf32, #tpu.memory_space<vmem>>
      %dma_start3A_191 = arith.constant 0 : i32
      %dma_start3A_192 = tpu.memref_slice %arg8[%run_scoped3A_174, %dma_start3A_191] : memref<64x80xi32, #tpu.memory_space<vmem>> -> memref<1x80xi32, #tpu.memory_space<vmem>>
      %dma_start3A_193 = tpu.memref_squeeze %dma_start3A_192 : memref<1x80xi32, #tpu.memory_space<vmem>> -> memref<80xi32, #tpu.memory_space<vmem>>
      %dma_start3A_194 = arith.constant 0 : i32
      %dma_start3A_195 = arith.constant 0 : i32
      %dma_start3A_196 = tpu.memref_slice %arg10[%dma_start3A_194, %dma_start3A_195] : memref<10000x128xf32, #tpu.memory_space<vmem_shared>> -> memref<10000x128xf32, #tpu.memory_space<vmem_shared>>
      tpu.enqueue_indirect_dma source(%dma_start3A_190 : memref<80x128xf32, #tpu.memory_space<vmem>>) target(%dma_start3A_196 : memref<10000x128xf32, #tpu.memory_space<vmem_shared>>) offsets(%dma_start3A_193 : memref<80xi32, #tpu.memory_space<vmem>>) semaphore(%run_scoped3A_186 : memref<!tpu.dma_semaphore, #tpu.memory_space<semaphore_mem>>) {add = true}
      %dma_wait3A_197 = arith.constant 0 : i32
      %dma_wait3A_198 = arith.constant 0 : i32
      %dma_wait3A_199 = tpu.memref_slice %arg9[%run_scoped3A_173, %dma_wait3A_197, %dma_wait3A_198] : memref<2x80x128xf32, #tpu.memory_space<vmem>> -> memref<1x80x128xf32, #tpu.memory_space<vmem>>
      %dma_wait3A_200 = tpu.memref_squeeze %dma_wait3A_199 : memref<1x80x128xf32, #tpu.memory_space<vmem>> -> memref<80x128xf32, #tpu.memory_space<vmem>>
      %dma_wait3A_201 = arith.constant 0 : i32
      %dma_wait3A_202 = tpu.memref_slice %arg8[%run_scoped3A_174, %dma_wait3A_201] : memref<64x80xi32, #tpu.memory_space<vmem>> -> memref<1x80xi32, #tpu.memory_space<vmem>>
      %dma_wait3A_203 = tpu.memref_squeeze %dma_wait3A_202 : memref<1x80xi32, #tpu.memory_space<vmem>> -> memref<80xi32, #tpu.memory_space<vmem>>
      %dma_wait3A_204 = arith.constant 0 : i32
      %dma_wait3A_205 = arith.constant 0 : i32
      %dma_wait3A_206 = tpu.memref_slice %arg10[%dma_wait3A_204, %dma_wait3A_205] : memref<10000x128xf32, #tpu.memory_space<vmem_shared>> -> memref<10000x128xf32, #tpu.memory_space<vmem_shared>>
      tpu.wait_indirect_dma semaphore(%run_scoped3A_186 : memref<!tpu.dma_semaphore, #tpu.memory_space<semaphore_mem>>) src(%dma_wait3A_200 : memref<80x128xf32, #tpu.memory_space<vmem>>) dst(%dma_wait3A_206 : memref<10000x128xf32, #tpu.memory_space<vmem_shared>>)
      tpu.yield
    }) : () -> ()
    %barrier3A_175 = arith.constant 0 : index
    tpu.barrier barrier_id(%barrier3A_175)
    %lt3A_176 = arith.constant 15 : i32
    %lt3A_177 = arith.cmpi slt, %arg1, %lt3A_176 : i32
    %convert_element_type3A_178 = arith.extui %lt3A_177 : i1 to i32
    %cond3A_179 = arith.constant 0 : i32
    %cond3A_180 = arith.cmpi ne, %convert_element_type3A_178, %cond3A_179 : i32
    scf.if %cond3A_180 {
      %mul3A_186 = arith.constant 640 : i32
      %mul3A_187 = arith.muli %arg1, %mul3A_186 : i32
      %mul3A_188 = arith.constant 640 : i32
      %mul3A_189 = arith.muli %arg1, %mul3A_188 : i32
      "tpu.region"() ({
        %run_scoped3A_190 = tpu.sem_alloc : memref<!tpu.dma_semaphore, #tpu.memory_space<semaphore_mem>>
        %dma_start3A_191 = arith.constant 0 : i32
        %dma_start3A_192 = tpu.memref_slice %arg6[%arg0, %mul3A_189, %dma_start3A_191] : memref<2x10000x128xf32, #tpu.memory_space<hbm>> -> memref<1x640x128xf32, #tpu.memory_space<hbm>>
        %dma_start3A_193 = tpu.memref_squeeze %dma_start3A_192 : memref<1x640x128xf32, #tpu.memory_space<hbm>> -> memref<640x128xf32, #tpu.memory_space<hbm>>
        %dma_start3A_194 = arith.constant 0 : i32
        %dma_start3A_195 = tpu.memref_slice %arg10[%mul3A_187, %dma_start3A_194] : memref<10000x128xf32, #tpu.memory_space<vmem_shared>> -> memref<640x128xf32, #tpu.memory_space<vmem_shared>>
        tpu.enqueue_dma source(%dma_start3A_195 : memref<640x128xf32, #tpu.memory_space<vmem_shared>>) target(%dma_start3A_193 : memref<640x128xf32, #tpu.memory_space<hbm>>) target_semaphore(%run_scoped3A_190 : memref<!tpu.dma_semaphore, #tpu.memory_space<semaphore_mem>>)
        %dma_wait3A_196 = arith.constant 0 : i32
        %dma_wait3A_197 = tpu.memref_slice %arg6[%arg0, %mul3A_189, %dma_wait3A_196] : memref<2x10000x128xf32, #tpu.memory_space<hbm>> -> memref<1x640x128xf32, #tpu.memory_space<hbm>>
        %dma_wait3A_198 = tpu.memref_squeeze %dma_wait3A_197 : memref<1x640x128xf32, #tpu.memory_space<hbm>> -> memref<640x128xf32, #tpu.memory_space<hbm>>
        %dma_wait3A_199 = arith.constant 0 : i32
        %dma_wait3A_200 = tpu.memref_slice %arg10[%mul3A_187, %dma_wait3A_199] : memref<10000x128xf32, #tpu.memory_space<vmem_shared>> -> memref<640x128xf32, #tpu.memory_space<vmem_shared>>
        tpu.wait_dma2 semaphore(%run_scoped3A_190 : memref<!tpu.dma_semaphore, #tpu.memory_space<semaphore_mem>>) src(%dma_wait3A_200 : memref<640x128xf32, #tpu.memory_space<vmem_shared>>) dst(%dma_wait3A_198 : memref<640x128xf32, #tpu.memory_space<hbm>>)
        tpu.yield
      }) : () -> ()
    } else {
    }
    %eq3A_181 = arith.constant 15 : i32
    %eq3A_182 = arith.cmpi eq, %arg1, %eq3A_181 : i32
    %convert_element_type3A_183 = arith.extui %eq3A_182 : i1 to i32
    %cond3A_184 = arith.constant 0 : i32
    %cond3A_185 = arith.cmpi ne, %convert_element_type3A_183, %cond3A_184 : i32
    scf.if %cond3A_185 {
      "tpu.region"() ({
        %run_scoped3A_186 = tpu.sem_alloc : memref<!tpu.dma_semaphore, #tpu.memory_space<semaphore_mem>>
        %dma_start3A_187 = arith.constant 9600 : i32
        %dma_start3A_188 = arith.constant 0 : i32
        %dma_start3A_189 = tpu.memref_slice %arg6[%arg0, %dma_start3A_187, %dma_start3A_188] : memref<2x10000x128xf32, #tpu.memory_space<hbm>> -> memref<1x400x128xf32, #tpu.memory_space<hbm>>
        %dma_start3A_190 = tpu.memref_squeeze %dma_start3A_189 : memref<1x400x128xf32, #tpu.memory_space<hbm>> -> memref<400x128xf32, #tpu.memory_space<hbm>>
        %dma_start3A_191 = arith.constant 9600 : i32
        %dma_start3A_192 = arith.constant 0 : i32
        %dma_start3A_193 = tpu.memref_slice %arg10[%dma_start3A_191, %dma_start3A_192] : memref<10000x128xf32, #tpu.memory_space<vmem_shared>> -> memref<400x128xf32, #tpu.memory_space<vmem_shared>>
        tpu.enqueue_dma source(%dma_start3A_193 : memref<400x128xf32, #tpu.memory_space<vmem_shared>>) target(%dma_start3A_190 : memref<400x128xf32, #tpu.memory_space<hbm>>) target_semaphore(%run_scoped3A_186 : memref<!tpu.dma_semaphore, #tpu.memory_space<semaphore_mem>>)
        %dma_wait3A_194 = arith.constant 9600 : i32
        %dma_wait3A_195 = arith.constant 0 : i32
        %dma_wait3A_196 = tpu.memref_slice %arg6[%arg0, %dma_wait3A_194, %dma_wait3A_195] : memref<2x10000x128xf32, #tpu.memory_space<hbm>> -> memref<1x400x128xf32, #tpu.memory_space<hbm>>
        %dma_wait3A_197 = tpu.memref_squeeze %dma_wait3A_196 : memref<1x400x128xf32, #tpu.memory_space<hbm>> -> memref<400x128xf32, #tpu.memory_space<hbm>>
        %dma_wait3A_198 = arith.constant 9600 : i32
        %dma_wait3A_199 = arith.constant 0 : i32
        %dma_wait3A_200 = tpu.memref_slice %arg10[%dma_wait3A_198, %dma_wait3A_199] : memref<10000x128xf32, #tpu.memory_space<vmem_shared>> -> memref<400x128xf32, #tpu.memory_space<vmem_shared>>
        tpu.wait_dma2 semaphore(%run_scoped3A_186 : memref<!tpu.dma_semaphore, #tpu.memory_space<semaphore_mem>>) src(%dma_wait3A_200 : memref<400x128xf32, #tpu.memory_space<vmem_shared>>) dst(%dma_wait3A_197 : memref<400x128xf32, #tpu.memory_space<hbm>>)
        tpu.yield
      }) : () -> ()
    } else {
    }
    return
  }
}

#map = affine_map<(d0, d1) -> (0, 0)>
#map1 = affine_map<(d0, d1) -> (0, 0, 0)>
module attributes {stable_mosaic.version = 14 : i64} {
  func.func @_segsum_body(%arg0: i32, %arg1: i32, %arg2: memref<10000x128xf32, #tpu.memory_space<hbm>>, %arg3: memref<32x125x80xi32, #tpu.memory_space<hbm>>, %arg4: memref<32x125x80xi32, #tpu.memory_space<hbm>>, %arg5: memref<10000x128xf32, #tpu.memory_space<hbm>>, %arg6: memref<2x10000x128xf32, #tpu.memory_space<hbm>>, %arg7: memref<64x80xi32, #tpu.memory_space<vmem>>, %arg8: memref<64x80xi32, #tpu.memory_space<vmem>>, %arg9: memref<2x80x128xf32, #tpu.memory_space<vmem>>, %arg10: memref<10000x128xf32, #tpu.memory_space<vmem_shared>>, %arg11: memref<2x!tpu.dma_semaphore, #tpu.memory_space<semaphore_mem>>) attributes {dimension_semantics = [#tpu.dimension_semantics<core_parallel>, #tpu.dimension_semantics<subcore_parallel>], iteration_bounds = array<i64: 2, 16>, scalar_prefetch = 0 : i64, scratch_operands = 5 : i64, tpu.core_type = #tpu.core_type<sc_vector_subcore>, window_params = [{transform_indices = #map}, {transform_indices = #map1}, {transform_indices = #map1}, {transform_indices = #map}, {transform_indices = #map1}]} {
    %mul3A = arith.constant 2 : i32
    %mul3A_0 = arith.muli %arg1, %mul3A : i32
    %add3A = arith.addi %mul3A_0, %arg0 : i32
    %lt3A = arith.constant 15 : i32
    %lt3A_1 = arith.cmpi slt, %arg1, %lt3A : i32
    %convert_element_type3A = arith.extui %lt3A_1 : i1 to i32
    %cond3A = arith.constant 0 : i32
    %cond3A_2 = arith.cmpi ne, %convert_element_type3A, %cond3A : i32
    scf.if %cond3A_2 {
      %mul3A_186 = arith.constant 640 : i32
      %mul3A_187 = arith.muli %arg1, %mul3A_186 : i32
      %mul3A_188 = arith.constant 640 : i32
      %mul3A_189 = arith.muli %arg1, %mul3A_188 : i32
      "tpu.region"() ({
        %run_scoped3A_190 = tpu.sem_alloc : memref<!tpu.dma_semaphore, #tpu.memory_space<semaphore_mem>>
        %dma_start3A_191 = arith.constant 0 : i32
        %dma_start3A_192 = tpu.memref_slice %arg10[%mul3A_189, %dma_start3A_191] : memref<10000x128xf32, #tpu.memory_space<vmem_shared>> -> memref<640x128xf32, #tpu.memory_space<vmem_shared>>
        %dma_start3A_193 = arith.constant 0 : i32
        %dma_start3A_194 = tpu.memref_slice %arg5[%mul3A_187, %dma_start3A_193] : memref<10000x128xf32, #tpu.memory_space<hbm>> -> memref<640x128xf32, #tpu.memory_space<hbm>>
        tpu.enqueue_dma source(%dma_start3A_194 : memref<640x128xf32, #tpu.memory_space<hbm>>) target(%dma_start3A_192 : memref<640x128xf32, #tpu.memory_space<vmem_shared>>) target_semaphore(%run_scoped3A_190 : memref<!tpu.dma_semaphore, #tpu.memory_space<semaphore_mem>>)
        %dma_wait3A_195 = arith.constant 0 : i32
        %dma_wait3A_196 = tpu.memref_slice %arg10[%mul3A_189, %dma_wait3A_195] : memref<10000x128xf32, #tpu.memory_space<vmem_shared>> -> memref<640x128xf32, #tpu.memory_space<vmem_shared>>
        %dma_wait3A_197 = arith.constant 0 : i32
        %dma_wait3A_198 = tpu.memref_slice %arg5[%mul3A_187, %dma_wait3A_197] : memref<10000x128xf32, #tpu.memory_space<hbm>> -> memref<640x128xf32, #tpu.memory_space<hbm>>
        tpu.wait_dma2 semaphore(%run_scoped3A_190 : memref<!tpu.dma_semaphore, #tpu.memory_space<semaphore_mem>>) src(%dma_wait3A_198 : memref<640x128xf32, #tpu.memory_space<hbm>>) dst(%dma_wait3A_196 : memref<640x128xf32, #tpu.memory_space<vmem_shared>>)
        tpu.yield
      }) : () -> ()
    } else {
    }
    %eq3A = arith.constant 15 : i32
    %eq3A_3 = arith.cmpi eq, %arg1, %eq3A : i32
    %convert_element_type3A_4 = arith.extui %eq3A_3 : i1 to i32
    %cond3A_5 = arith.constant 0 : i32
    %cond3A_6 = arith.cmpi ne, %convert_element_type3A_4, %cond3A_5 : i32
    scf.if %cond3A_6 {
      "tpu.region"() ({
        %run_scoped3A_186 = tpu.sem_alloc : memref<!tpu.dma_semaphore, #tpu.memory_space<semaphore_mem>>
        %dma_start3A_187 = arith.constant 9600 : i32
        %dma_start3A_188 = arith.constant 0 : i32
        %dma_start3A_189 = tpu.memref_slice %arg10[%dma_start3A_187, %dma_start3A_188] : memref<10000x128xf32, #tpu.memory_space<vmem_shared>> -> memref<400x128xf32, #tpu.memory_space<vmem_shared>>
        %dma_start3A_190 = arith.constant 9600 : i32
        %dma_start3A_191 = arith.constant 0 : i32
        %dma_start3A_192 = tpu.memref_slice %arg5[%dma_start3A_190, %dma_start3A_191] : memref<10000x128xf32, #tpu.memory_space<hbm>> -> memref<400x128xf32, #tpu.memory_space<hbm>>
        tpu.enqueue_dma source(%dma_start3A_192 : memref<400x128xf32, #tpu.memory_space<hbm>>) target(%dma_start3A_189 : memref<400x128xf32, #tpu.memory_space<vmem_shared>>) target_semaphore(%run_scoped3A_186 : memref<!tpu.dma_semaphore, #tpu.memory_space<semaphore_mem>>)
        %dma_wait3A_193 = arith.constant 9600 : i32
        %dma_wait3A_194 = arith.constant 0 : i32
        %dma_wait3A_195 = tpu.memref_slice %arg10[%dma_wait3A_193, %dma_wait3A_194] : memref<10000x128xf32, #tpu.memory_space<vmem_shared>> -> memref<400x128xf32, #tpu.memory_space<vmem_shared>>
        %dma_wait3A_196 = arith.constant 9600 : i32
        %dma_wait3A_197 = arith.constant 0 : i32
        %dma_wait3A_198 = tpu.memref_slice %arg5[%dma_wait3A_196, %dma_wait3A_197] : memref<10000x128xf32, #tpu.memory_space<hbm>> -> memref<400x128xf32, #tpu.memory_space<hbm>>
        tpu.wait_dma2 semaphore(%run_scoped3A_186 : memref<!tpu.dma_semaphore, #tpu.memory_space<semaphore_mem>>) src(%dma_wait3A_198 : memref<400x128xf32, #tpu.memory_space<hbm>>) dst(%dma_wait3A_195 : memref<400x128xf32, #tpu.memory_space<vmem_shared>>)
        tpu.yield
      }) : () -> ()
    } else {
    }
    %barrier3A = arith.constant 0 : index
    tpu.barrier barrier_id(%barrier3A)
    "tpu.region"() ({
      %run_scoped3A_186 = tpu.sem_alloc : memref<!tpu.dma_semaphore, #tpu.memory_space<semaphore_mem>>
      %dma_start3A_187 = arith.constant 0 : i32
      %dma_start3A_188 = arith.constant 0 : i32
      %dma_start3A_189 = tpu.memref_slice %arg7[%dma_start3A_187, %dma_start3A_188] : memref<64x80xi32, #tpu.memory_space<vmem>> -> memref<64x80xi32, #tpu.memory_space<vmem>>
      %dma_start3A_190 = arith.constant 0 : i32
      %dma_start3A_191 = arith.constant 0 : i32
      %dma_start3A_192 = tpu.memref_slice %arg3[%add3A, %dma_start3A_190, %dma_start3A_191] : memref<32x125x80xi32, #tpu.memory_space<hbm>> -> memref<1x64x80xi32, #tpu.memory_space<hbm>>
      %dma_start3A_193 = tpu.memref_squeeze %dma_start3A_192 : memref<1x64x80xi32, #tpu.memory_space<hbm>> -> memref<64x80xi32, #tpu.memory_space<hbm>>
      %dma_start3A_194 = arith.constant 0 : i32
      %dma_start3A_195 = arith.constant 0 : i32
      %dma_start3A_196 = tpu.memref_slice %arg7[%dma_start3A_194, %dma_start3A_195] : memref<64x80xi32, #tpu.memory_space<vmem>> -> memref<64x80xi32, #tpu.memory_space<vmem>>
      %dma_start3A_197 = arith.constant 0 : i32
      %dma_start3A_198 = arith.constant 0 : i32
      %dma_start3A_199 = tpu.memref_slice %arg3[%add3A, %dma_start3A_197, %dma_start3A_198] : memref<32x125x80xi32, #tpu.memory_space<hbm>> -> memref<1x64x80xi32, #tpu.memory_space<hbm>>
      %dma_start3A_200 = tpu.memref_squeeze %dma_start3A_199 : memref<1x64x80xi32, #tpu.memory_space<hbm>> -> memref<64x80xi32, #tpu.memory_space<hbm>>
      tpu.enqueue_dma source(%dma_start3A_200 : memref<64x80xi32, #tpu.memory_space<hbm>>) target(%dma_start3A_196 : memref<64x80xi32, #tpu.memory_space<vmem>>) target_semaphore(%run_scoped3A_186 : memref<!tpu.dma_semaphore, #tpu.memory_space<semaphore_mem>>)
      %dma_wait3A_201 = arith.constant 0 : i32
      %dma_wait3A_202 = arith.constant 0 : i32
      %dma_wait3A_203 = tpu.memref_slice %arg7[%dma_wait3A_201, %dma_wait3A_202] : memref<64x80xi32, #tpu.memory_space<vmem>> -> memref<64x80xi32, #tpu.memory_space<vmem>>
      %dma_wait3A_204 = arith.constant 0 : i32
      %dma_wait3A_205 = arith.constant 0 : i32
      %dma_wait3A_206 = tpu.memref_slice %arg3[%add3A, %dma_wait3A_204, %dma_wait3A_205] : memref<32x125x80xi32, #tpu.memory_space<hbm>> -> memref<1x64x80xi32, #tpu.memory_space<hbm>>
      %dma_wait3A_207 = tpu.memref_squeeze %dma_wait3A_206 : memref<1x64x80xi32, #tpu.memory_space<hbm>> -> memref<64x80xi32, #tpu.memory_space<hbm>>
      %dma_wait3A_208 = arith.constant 0 : i32
      %dma_wait3A_209 = arith.constant 0 : i32
      %dma_wait3A_210 = tpu.memref_slice %arg7[%dma_wait3A_208, %dma_wait3A_209] : memref<64x80xi32, #tpu.memory_space<vmem>> -> memref<64x80xi32, #tpu.memory_space<vmem>>
      %dma_wait3A_211 = arith.constant 0 : i32
      %dma_wait3A_212 = arith.constant 0 : i32
      %dma_wait3A_213 = tpu.memref_slice %arg3[%add3A, %dma_wait3A_211, %dma_wait3A_212] : memref<32x125x80xi32, #tpu.memory_space<hbm>> -> memref<1x64x80xi32, #tpu.memory_space<hbm>>
      %dma_wait3A_214 = tpu.memref_squeeze %dma_wait3A_213 : memref<1x64x80xi32, #tpu.memory_space<hbm>> -> memref<64x80xi32, #tpu.memory_space<hbm>>
      tpu.wait_dma2 semaphore(%run_scoped3A_186 : memref<!tpu.dma_semaphore, #tpu.memory_space<semaphore_mem>>) src(%dma_wait3A_214 : memref<64x80xi32, #tpu.memory_space<hbm>>) dst(%dma_wait3A_210 : memref<64x80xi32, #tpu.memory_space<vmem>>)
      tpu.yield
    }) : () -> ()
    "tpu.region"() ({
      %run_scoped3A_186 = tpu.sem_alloc : memref<!tpu.dma_semaphore, #tpu.memory_space<semaphore_mem>>
      %dma_start3A_187 = arith.constant 0 : i32
      %dma_start3A_188 = arith.constant 0 : i32
      %dma_start3A_189 = tpu.memref_slice %arg8[%dma_start3A_187, %dma_start3A_188] : memref<64x80xi32, #tpu.memory_space<vmem>> -> memref<64x80xi32, #tpu.memory_space<vmem>>
      %dma_start3A_190 = arith.constant 0 : i32
      %dma_start3A_191 = arith.constant 0 : i32
      %dma_start3A_192 = tpu.memref_slice %arg4[%add3A, %dma_start3A_190, %dma_start3A_191] : memref<32x125x80xi32, #tpu.memory_space<hbm>> -> memref<1x64x80xi32, #tpu.memory_space<hbm>>
      %dma_start3A_193 = tpu.memref_squeeze %dma_start3A_192 : memref<1x64x80xi32, #tpu.memory_space<hbm>> -> memref<64x80xi32, #tpu.memory_space<hbm>>
      %dma_start3A_194 = arith.constant 0 : i32
      %dma_start3A_195 = arith.constant 0 : i32
      %dma_start3A_196 = tpu.memref_slice %arg8[%dma_start3A_194, %dma_start3A_195] : memref<64x80xi32, #tpu.memory_space<vmem>> -> memref<64x80xi32, #tpu.memory_space<vmem>>
      %dma_start3A_197 = arith.constant 0 : i32
      %dma_start3A_198 = arith.constant 0 : i32
      %dma_start3A_199 = tpu.memref_slice %arg4[%add3A, %dma_start3A_197, %dma_start3A_198] : memref<32x125x80xi32, #tpu.memory_space<hbm>> -> memref<1x64x80xi32, #tpu.memory_space<hbm>>
      %dma_start3A_200 = tpu.memref_squeeze %dma_start3A_199 : memref<1x64x80xi32, #tpu.memory_space<hbm>> -> memref<64x80xi32, #tpu.memory_space<hbm>>
      tpu.enqueue_dma source(%dma_start3A_200 : memref<64x80xi32, #tpu.memory_space<hbm>>) target(%dma_start3A_196 : memref<64x80xi32, #tpu.memory_space<vmem>>) target_semaphore(%run_scoped3A_186 : memref<!tpu.dma_semaphore, #tpu.memory_space<semaphore_mem>>)
      %dma_wait3A_201 = arith.constant 0 : i32
      %dma_wait3A_202 = arith.constant 0 : i32
      %dma_wait3A_203 = tpu.memref_slice %arg8[%dma_wait3A_201, %dma_wait3A_202] : memref<64x80xi32, #tpu.memory_space<vmem>> -> memref<64x80xi32, #tpu.memory_space<vmem>>
      %dma_wait3A_204 = arith.constant 0 : i32
      %dma_wait3A_205 = arith.constant 0 : i32
      %dma_wait3A_206 = tpu.memref_slice %arg4[%add3A, %dma_wait3A_204, %dma_wait3A_205] : memref<32x125x80xi32, #tpu.memory_space<hbm>> -> memref<1x64x80xi32, #tpu.memory_space<hbm>>
      %dma_wait3A_207 = tpu.memref_squeeze %dma_wait3A_206 : memref<1x64x80xi32, #tpu.memory_space<hbm>> -> memref<64x80xi32, #tpu.memory_space<hbm>>
      %dma_wait3A_208 = arith.constant 0 : i32
      %dma_wait3A_209 = arith.constant 0 : i32
      %dma_wait3A_210 = tpu.memref_slice %arg8[%dma_wait3A_208, %dma_wait3A_209] : memref<64x80xi32, #tpu.memory_space<vmem>> -> memref<64x80xi32, #tpu.memory_space<vmem>>
      %dma_wait3A_211 = arith.constant 0 : i32
      %dma_wait3A_212 = arith.constant 0 : i32
      %dma_wait3A_213 = tpu.memref_slice %arg4[%add3A, %dma_wait3A_211, %dma_wait3A_212] : memref<32x125x80xi32, #tpu.memory_space<hbm>> -> memref<1x64x80xi32, #tpu.memory_space<hbm>>
      %dma_wait3A_214 = tpu.memref_squeeze %dma_wait3A_213 : memref<1x64x80xi32, #tpu.memory_space<hbm>> -> memref<64x80xi32, #tpu.memory_space<hbm>>
      tpu.wait_dma2 semaphore(%run_scoped3A_186 : memref<!tpu.dma_semaphore, #tpu.memory_space<semaphore_mem>>) src(%dma_wait3A_214 : memref<64x80xi32, #tpu.memory_space<hbm>>) dst(%dma_wait3A_210 : memref<64x80xi32, #tpu.memory_space<vmem>>)
      tpu.yield
    }) : () -> ()
    %dma_start3A = arith.constant 0 : i32
    %dma_start3A_7 = arith.constant 0 : i32
    %dma_start3A_8 = arith.constant 0 : i32
    %dma_start3A_9 = arith.constant 0 : i32
    %dma_start3A_10 = arith.constant 0 : i32
    %dma_start3A_11 = tpu.memref_slice %arg9[%dma_start3A_7, %dma_start3A_9, %dma_start3A_10] : memref<2x80x128xf32, #tpu.memory_space<vmem>> -> memref<1x80x128xf32, #tpu.memory_space<vmem>>
    %dma_start3A_12 = tpu.memref_squeeze %dma_start3A_11 : memref<1x80x128xf32, #tpu.memory_space<vmem>> -> memref<80x128xf32, #tpu.memory_space<vmem>>
    %dma_start3A_13 = arith.constant 0 : i32
    %dma_start3A_14 = tpu.memref_slice %arg7[%dma_start3A, %dma_start3A_13] : memref<64x80xi32, #tpu.memory_space<vmem>> -> memref<1x80xi32, #tpu.memory_space<vmem>>
    %dma_start3A_15 = tpu.memref_squeeze %dma_start3A_14 : memref<1x80xi32, #tpu.memory_space<vmem>> -> memref<80xi32, #tpu.memory_space<vmem>>
    %dma_start3A_16 = arith.constant 0 : i32
    %dma_start3A_17 = arith.constant 0 : i32
    %dma_start3A_18 = tpu.memref_slice %arg2[%dma_start3A_16, %dma_start3A_17] : memref<10000x128xf32, #tpu.memory_space<hbm>> -> memref<10000x128xf32, #tpu.memory_space<hbm>>
    %dma_start3A_19 = tpu.memref_slice %arg11[%dma_start3A_8] : memref<2x!tpu.dma_semaphore, #tpu.memory_space<semaphore_mem>> -> memref<1x!tpu.dma_semaphore, #tpu.memory_space<semaphore_mem>>
    %dma_start3A_20 = tpu.memref_squeeze %dma_start3A_19 : memref<1x!tpu.dma_semaphore, #tpu.memory_space<semaphore_mem>> -> memref<!tpu.dma_semaphore, #tpu.memory_space<semaphore_mem>>
    tpu.enqueue_indirect_dma source(%dma_start3A_18 : memref<10000x128xf32, #tpu.memory_space<hbm>>) target(%dma_start3A_12 : memref<80x128xf32, #tpu.memory_space<vmem>>) offsets(%dma_start3A_15 : memref<80xi32, #tpu.memory_space<vmem>>) semaphore(%dma_start3A_20 : memref<!tpu.dma_semaphore, #tpu.memory_space<semaphore_mem>>)
    %scan3A = arith.constant 0 : i32
    %scan3A_21 = arith.constant 0 : i32
    %scan3A_22 = arith.constant 31 : i32
    %scan3A_23 = arith.addi %scan3A_21, %scan3A_22 : i32
    %scan3A_24 = arith.constant 1 : i32
    scf.for %scan3A_186 = %scan3A_21 to %scan3A_23 step %scan3A_24  : i32 {
      %mul3A_187 = arith.constant 2 : i32
      %mul3A_188 = arith.muli %mul3A_187, %scan3A_186 : i32
      %add3A_189 = arith.constant 1 : i32
      %add3A_190 = arith.addi %mul3A_188, %add3A_189 : i32
      %dma_start3A_191 = arith.constant 1 : i32
      %dma_start3A_192 = arith.constant 1 : i32
      %dma_start3A_193 = arith.constant 0 : i32
      %dma_start3A_194 = arith.constant 0 : i32
      %dma_start3A_195 = tpu.memref_slice %arg9[%dma_start3A_191, %dma_start3A_193, %dma_start3A_194] : memref<2x80x128xf32, #tpu.memory_space<vmem>> -> memref<1x80x128xf32, #tpu.memory_space<vmem>>
      %dma_start3A_196 = tpu.memref_squeeze %dma_start3A_195 : memref<1x80x128xf32, #tpu.memory_space<vmem>> -> memref<80x128xf32, #tpu.memory_space<vmem>>
      %dma_start3A_197 = arith.constant 0 : i32
      %dma_start3A_198 = tpu.memref_slice %arg7[%add3A_190, %dma_start3A_197] : memref<64x80xi32, #tpu.memory_space<vmem>> -> memref<1x80xi32, #tpu.memory_space<vmem>>
      %dma_start3A_199 = tpu.memref_squeeze %dma_start3A_198 : memref<1x80xi32, #tpu.memory_space<vmem>> -> memref<80xi32, #tpu.memory_space<vmem>>
      %dma_start3A_200 = arith.constant 0 : i32
      %dma_start3A_201 = arith.constant 0 : i32
      %dma_start3A_202 = tpu.memref_slice %arg2[%dma_start3A_200, %dma_start3A_201] : memref<10000x128xf32, #tpu.memory_space<hbm>> -> memref<10000x128xf32, #tpu.memory_space<hbm>>
      %dma_start3A_203 = tpu.memref_slice %arg11[%dma_start3A_192] : memref<2x!tpu.dma_semaphore, #tpu.memory_space<semaphore_mem>> -> memref<1x!tpu.dma_semaphore, #tpu.memory_space<semaphore_mem>>
      %dma_start3A_204 = tpu.memref_squeeze %dma_start3A_203 : memref<1x!tpu.dma_semaphore, #tpu.memory_space<semaphore_mem>> -> memref<!tpu.dma_semaphore, #tpu.memory_space<semaphore_mem>>
      tpu.enqueue_indirect_dma source(%dma_start3A_202 : memref<10000x128xf32, #tpu.memory_space<hbm>>) target(%dma_start3A_196 : memref<80x128xf32, #tpu.memory_space<vmem>>) offsets(%dma_start3A_199 : memref<80xi32, #tpu.memory_space<vmem>>) semaphore(%dma_start3A_204 : memref<!tpu.dma_semaphore, #tpu.memory_space<semaphore_mem>>)
      %dma_wait3A_205 = arith.constant 0 : i32
      %dma_wait3A_206 = arith.constant 0 : i32
      %dma_wait3A_207 = arith.constant 0 : i32
      %dma_wait3A_208 = arith.constant 0 : i32
      %dma_wait3A_209 = tpu.memref_slice %arg9[%dma_wait3A_205, %dma_wait3A_207, %dma_wait3A_208] : memref<2x80x128xf32, #tpu.memory_space<vmem>> -> memref<1x80x128xf32, #tpu.memory_space<vmem>>
      %dma_wait3A_210 = tpu.memref_squeeze %dma_wait3A_209 : memref<1x80x128xf32, #tpu.memory_space<vmem>> -> memref<80x128xf32, #tpu.memory_space<vmem>>
      %dma_wait3A_211 = arith.constant 0 : i32
      %dma_wait3A_212 = tpu.memref_slice %arg7[%mul3A_188, %dma_wait3A_211] : memref<64x80xi32, #tpu.memory_space<vmem>> -> memref<1x80xi32, #tpu.memory_space<vmem>>
      %dma_wait3A_213 = tpu.memref_squeeze %dma_wait3A_212 : memref<1x80xi32, #tpu.memory_space<vmem>> -> memref<80xi32, #tpu.memory_space<vmem>>
      %dma_wait3A_214 = arith.constant 0 : i32
      %dma_wait3A_215 = arith.constant 0 : i32
      %dma_wait3A_216 = tpu.memref_slice %arg2[%dma_wait3A_214, %dma_wait3A_215] : memref<10000x128xf32, #tpu.memory_space<hbm>> -> memref<10000x128xf32, #tpu.memory_space<hbm>>
      %dma_wait3A_217 = tpu.memref_slice %arg11[%dma_wait3A_206] : memref<2x!tpu.dma_semaphore, #tpu.memory_space<semaphore_mem>> -> memref<1x!tpu.dma_semaphore, #tpu.memory_space<semaphore_mem>>
      %dma_wait3A_218 = tpu.memref_squeeze %dma_wait3A_217 : memref<1x!tpu.dma_semaphore, #tpu.memory_space<semaphore_mem>> -> memref<!tpu.dma_semaphore, #tpu.memory_space<semaphore_mem>>
      tpu.wait_indirect_dma semaphore(%dma_wait3A_218 : memref<!tpu.dma_semaphore, #tpu.memory_space<semaphore_mem>>) src(%dma_wait3A_216 : memref<10000x128xf32, #tpu.memory_space<hbm>>) dst(%dma_wait3A_210 : memref<80x128xf32, #tpu.memory_space<vmem>>)
      %run_scoped3A_219 = arith.constant 0 : i32
      "tpu.region"() ({
        %run_scoped3A_255 = tpu.sem_alloc : memref<!tpu.dma_semaphore, #tpu.memory_space<semaphore_mem>>
        %dma_start3A_256 = arith.constant 0 : i32
        %dma_start3A_257 = arith.constant 0 : i32
        %dma_start3A_258 = tpu.memref_slice %arg9[%run_scoped3A_219, %dma_start3A_256, %dma_start3A_257] : memref<2x80x128xf32, #tpu.memory_space<vmem>> -> memref<1x80x128xf32, #tpu.memory_space<vmem>>
        %dma_start3A_259 = tpu.memref_squeeze %dma_start3A_258 : memref<1x80x128xf32, #tpu.memory_space<vmem>> -> memref<80x128xf32, #tpu.memory_space<vmem>>
        %dma_start3A_260 = arith.constant 0 : i32
        %dma_start3A_261 = tpu.memref_slice %arg8[%mul3A_188, %dma_start3A_260] : memref<64x80xi32, #tpu.memory_space<vmem>> -> memref<1x80xi32, #tpu.memory_space<vmem>>
        %dma_start3A_262 = tpu.memref_squeeze %dma_start3A_261 : memref<1x80xi32, #tpu.memory_space<vmem>> -> memref<80xi32, #tpu.memory_space<vmem>>
        %dma_start3A_263 = arith.constant 0 : i32
        %dma_start3A_264 = arith.constant 0 : i32
        %dma_start3A_265 = tpu.memref_slice %arg10[%dma_start3A_263, %dma_start3A_264] : memref<10000x128xf32, #tpu.memory_space<vmem_shared>> -> memref<10000x128xf32, #tpu.memory_space<vmem_shared>>
        tpu.enqueue_indirect_dma source(%dma_start3A_259 : memref<80x128xf32, #tpu.memory_space<vmem>>) target(%dma_start3A_265 : memref<10000x128xf32, #tpu.memory_space<vmem_shared>>) offsets(%dma_start3A_262 : memref<80xi32, #tpu.memory_space<vmem>>) semaphore(%run_scoped3A_255 : memref<!tpu.dma_semaphore, #tpu.memory_space<semaphore_mem>>) {add = true}
        %dma_wait3A_266 = arith.constant 0 : i32
        %dma_wait3A_267 = arith.constant 0 : i32
        %dma_wait3A_268 = tpu.memref_slice %arg9[%run_scoped3A_219, %dma_wait3A_266, %dma_wait3A_267] : memref<2x80x128xf32, #tpu.memory_space<vmem>> -> memref<1x80x128xf32, #tpu.memory_space<vmem>>
        %dma_wait3A_269 = tpu.memref_squeeze %dma_wait3A_268 : memref<1x80x128xf32, #tpu.memory_space<vmem>> -> memref<80x128xf32, #tpu.memory_space<vmem>>
        %dma_wait3A_270 = arith.constant 0 : i32
        %dma_wait3A_271 = tpu.memref_slice %arg8[%mul3A_188, %dma_wait3A_270] : memref<64x80xi32, #tpu.memory_space<vmem>> -> memref<1x80xi32, #tpu.memory_space<vmem>>
        %dma_wait3A_272 = tpu.memref_squeeze %dma_wait3A_271 : memref<1x80xi32, #tpu.memory_space<vmem>> -> memref<80xi32, #tpu.memory_space<vmem>>
        %dma_wait3A_273 = arith.constant 0 : i32
        %dma_wait3A_274 = arith.constant 0 : i32
        %dma_wait3A_275 = tpu.memref_slice %arg10[%dma_wait3A_273, %dma_wait3A_274] : memref<10000x128xf32, #tpu.memory_space<vmem_shared>> -> memref<10000x128xf32, #tpu.memory_space<vmem_shared>>
        tpu.wait_indirect_dma semaphore(%run_scoped3A_255 : memref<!tpu.dma_semaphore, #tpu.memory_space<semaphore_mem>>) src(%dma_wait3A_269 : memref<80x128xf32, #tpu.memory_space<vmem>>) dst(%dma_wait3A_275 : memref<10000x128xf32, #tpu.memory_space<vmem_shared>>)
        tpu.yield
      }) : () -> ()
      %add3A_220 = arith.constant 2 : i32
      %add3A_221 = arith.addi %mul3A_188, %add3A_220 : i32
      %dma_start3A_222 = arith.constant 0 : i32
      %dma_start3A_223 = arith.constant 0 : i32
      %dma_start3A_224 = arith.constant 0 : i32
      %dma_start3A_225 = arith.constant 0 : i32
      %dma_start3A_226 = tpu.memref_slice %arg9[%dma_start3A_222, %dma_start3A_224, %dma_start3A_225] : memref<2x80x128xf32, #tpu.memory_space<vmem>> -> memref<1x80x128xf32, #tpu.memory_space<vmem>>
      %dma_start3A_227 = tpu.memref_squeeze %dma_start3A_226 : memref<1x80x128xf32, #tpu.memory_space<vmem>> -> memref<80x128xf32, #tpu.memory_space<vmem>>
      %dma_start3A_228 = arith.constant 0 : i32
      %dma_start3A_229 = tpu.memref_slice %arg7[%add3A_221, %dma_start3A_228] : memref<64x80xi32, #tpu.memory_space<vmem>> -> memref<1x80xi32, #tpu.memory_space<vmem>>
      %dma_start3A_230 = tpu.memref_squeeze %dma_start3A_229 : memref<1x80xi32, #tpu.memory_space<vmem>> -> memref<80xi32, #tpu.memory_space<vmem>>
      %dma_start3A_231 = arith.constant 0 : i32
      %dma_start3A_232 = arith.constant 0 : i32
      %dma_start3A_233 = tpu.memref_slice %arg2[%dma_start3A_231, %dma_start3A_232] : memref<10000x128xf32, #tpu.memory_space<hbm>> -> memref<10000x128xf32, #tpu.memory_space<hbm>>
      %dma_start3A_234 = tpu.memref_slice %arg11[%dma_start3A_223] : memref<2x!tpu.dma_semaphore, #tpu.memory_space<semaphore_mem>> -> memref<1x!tpu.dma_semaphore, #tpu.memory_space<semaphore_mem>>
      %dma_start3A_235 = tpu.memref_squeeze %dma_start3A_234 : memref<1x!tpu.dma_semaphore, #tpu.memory_space<semaphore_mem>> -> memref<!tpu.dma_semaphore, #tpu.memory_space<semaphore_mem>>
      tpu.enqueue_indirect_dma source(%dma_start3A_233 : memref<10000x128xf32, #tpu.memory_space<hbm>>) target(%dma_start3A_227 : memref<80x128xf32, #tpu.memory_space<vmem>>) offsets(%dma_start3A_230 : memref<80xi32, #tpu.memory_space<vmem>>) semaphore(%dma_start3A_235 : memref<!tpu.dma_semaphore, #tpu.memory_space<semaphore_mem>>)
      %add3A_236 = arith.constant 1 : i32
      %add3A_237 = arith.addi %mul3A_188, %add3A_236 : i32
      %dma_wait3A_238 = arith.constant 1 : i32
      %dma_wait3A_239 = arith.constant 1 : i32
      %dma_wait3A_240 = arith.constant 0 : i32
      %dma_wait3A_241 = arith.constant 0 : i32
      %dma_wait3A_242 = tpu.memref_slice %arg9[%dma_wait3A_238, %dma_wait3A_240, %dma_wait3A_241] : memref<2x80x128xf32, #tpu.memory_space<vmem>> -> memref<1x80x128xf32, #tpu.memory_space<vmem>>
      %dma_wait3A_243 = tpu.memref_squeeze %dma_wait3A_242 : memref<1x80x128xf32, #tpu.memory_space<vmem>> -> memref<80x128xf32, #tpu.memory_space<vmem>>
      %dma_wait3A_244 = arith.constant 0 : i32
      %dma_wait3A_245 = tpu.memref_slice %arg7[%add3A_237, %dma_wait3A_244] : memref<64x80xi32, #tpu.memory_space<vmem>> -> memref<1x80xi32, #tpu.memory_space<vmem>>
      %dma_wait3A_246 = tpu.memref_squeeze %dma_wait3A_245 : memref<1x80xi32, #tpu.memory_space<vmem>> -> memref<80xi32, #tpu.memory_space<vmem>>
      %dma_wait3A_247 = arith.constant 0 : i32
      %dma_wait3A_248 = arith.constant 0 : i32
      %dma_wait3A_249 = tpu.memref_slice %arg2[%dma_wait3A_247, %dma_wait3A_248] : memref<10000x128xf32, #tpu.memory_space<hbm>> -> memref<10000x128xf32, #tpu.memory_space<hbm>>
      %dma_wait3A_250 = tpu.memref_slice %arg11[%dma_wait3A_239] : memref<2x!tpu.dma_semaphore, #tpu.memory_space<semaphore_mem>> -> memref<1x!tpu.dma_semaphore, #tpu.memory_space<semaphore_mem>>
      %dma_wait3A_251 = tpu.memref_squeeze %dma_wait3A_250 : memref<1x!tpu.dma_semaphore, #tpu.memory_space<semaphore_mem>> -> memref<!tpu.dma_semaphore, #tpu.memory_space<semaphore_mem>>
      tpu.wait_indirect_dma semaphore(%dma_wait3A_251 : memref<!tpu.dma_semaphore, #tpu.memory_space<semaphore_mem>>) src(%dma_wait3A_249 : memref<10000x128xf32, #tpu.memory_space<hbm>>) dst(%dma_wait3A_243 : memref<80x128xf32, #tpu.memory_space<vmem>>)
      %add3A_252 = arith.constant 1 : i32
      %add3A_253 = arith.addi %mul3A_188, %add3A_252 : i32
      %run_scoped3A_254 = arith.constant 1 : i32
      "tpu.region"() ({
        %run_scoped3A_255 = tpu.sem_alloc : memref<!tpu.dma_semaphore, #tpu.memory_space<semaphore_mem>>
        %dma_start3A_256 = arith.constant 0 : i32
        %dma_start3A_257 = arith.constant 0 : i32
        %dma_start3A_258 = tpu.memref_slice %arg9[%run_scoped3A_254, %dma_start3A_256, %dma_start3A_257] : memref<2x80x128xf32, #tpu.memory_space<vmem>> -> memref<1x80x128xf32, #tpu.memory_space<vmem>>
        %dma_start3A_259 = tpu.memref_squeeze %dma_start3A_258 : memref<1x80x128xf32, #tpu.memory_space<vmem>> -> memref<80x128xf32, #tpu.memory_space<vmem>>
        %dma_start3A_260 = arith.constant 0 : i32
        %dma_start3A_261 = tpu.memref_slice %arg8[%add3A_253, %dma_start3A_260] : memref<64x80xi32, #tpu.memory_space<vmem>> -> memref<1x80xi32, #tpu.memory_space<vmem>>
        %dma_start3A_262 = tpu.memref_squeeze %dma_start3A_261 : memref<1x80xi32, #tpu.memory_space<vmem>> -> memref<80xi32, #tpu.memory_space<vmem>>
        %dma_start3A_263 = arith.constant 0 : i32
        %dma_start3A_264 = arith.constant 0 : i32
        %dma_start3A_265 = tpu.memref_slice %arg10[%dma_start3A_263, %dma_start3A_264] : memref<10000x128xf32, #tpu.memory_space<vmem_shared>> -> memref<10000x128xf32, #tpu.memory_space<vmem_shared>>
        tpu.enqueue_indirect_dma source(%dma_start3A_259 : memref<80x128xf32, #tpu.memory_space<vmem>>) target(%dma_start3A_265 : memref<10000x128xf32, #tpu.memory_space<vmem_shared>>) offsets(%dma_start3A_262 : memref<80xi32, #tpu.memory_space<vmem>>) semaphore(%run_scoped3A_255 : memref<!tpu.dma_semaphore, #tpu.memory_space<semaphore_mem>>) {add = true}
        %dma_wait3A_266 = arith.constant 0 : i32
        %dma_wait3A_267 = arith.constant 0 : i32
        %dma_wait3A_268 = tpu.memref_slice %arg9[%run_scoped3A_254, %dma_wait3A_266, %dma_wait3A_267] : memref<2x80x128xf32, #tpu.memory_space<vmem>> -> memref<1x80x128xf32, #tpu.memory_space<vmem>>
        %dma_wait3A_269 = tpu.memref_squeeze %dma_wait3A_268 : memref<1x80x128xf32, #tpu.memory_space<vmem>> -> memref<80x128xf32, #tpu.memory_space<vmem>>
        %dma_wait3A_270 = arith.constant 0 : i32
        %dma_wait3A_271 = tpu.memref_slice %arg8[%add3A_253, %dma_wait3A_270] : memref<64x80xi32, #tpu.memory_space<vmem>> -> memref<1x80xi32, #tpu.memory_space<vmem>>
        %dma_wait3A_272 = tpu.memref_squeeze %dma_wait3A_271 : memref<1x80xi32, #tpu.memory_space<vmem>> -> memref<80xi32, #tpu.memory_space<vmem>>
        %dma_wait3A_273 = arith.constant 0 : i32
        %dma_wait3A_274 = arith.constant 0 : i32
        %dma_wait3A_275 = tpu.memref_slice %arg10[%dma_wait3A_273, %dma_wait3A_274] : memref<10000x128xf32, #tpu.memory_space<vmem_shared>> -> memref<10000x128xf32, #tpu.memory_space<vmem_shared>>
        tpu.wait_indirect_dma semaphore(%run_scoped3A_255 : memref<!tpu.dma_semaphore, #tpu.memory_space<semaphore_mem>>) src(%dma_wait3A_269 : memref<80x128xf32, #tpu.memory_space<vmem>>) dst(%dma_wait3A_275 : memref<10000x128xf32, #tpu.memory_space<vmem_shared>>)
        tpu.yield
      }) : () -> ()
    }
    %scan3A_25 = arith.constant 31 : i32
    %dma_start3A_26 = arith.constant 63 : i32
    %dma_start3A_27 = arith.constant 1 : i32
    %dma_start3A_28 = arith.constant 1 : i32
    %dma_start3A_29 = arith.constant 0 : i32
    %dma_start3A_30 = arith.constant 0 : i32
    %dma_start3A_31 = tpu.memref_slice %arg9[%dma_start3A_27, %dma_start3A_29, %dma_start3A_30] : memref<2x80x128xf32, #tpu.memory_space<vmem>> -> memref<1x80x128xf32, #tpu.memory_space<vmem>>
    %dma_start3A_32 = tpu.memref_squeeze %dma_start3A_31 : memref<1x80x128xf32, #tpu.memory_space<vmem>> -> memref<80x128xf32, #tpu.memory_space<vmem>>
    %dma_start3A_33 = arith.constant 0 : i32
    %dma_start3A_34 = tpu.memref_slice %arg7[%dma_start3A_26, %dma_start3A_33] : memref<64x80xi32, #tpu.memory_space<vmem>> -> memref<1x80xi32, #tpu.memory_space<vmem>>
    %dma_start3A_35 = tpu.memref_squeeze %dma_start3A_34 : memref<1x80xi32, #tpu.memory_space<vmem>> -> memref<80xi32, #tpu.memory_space<vmem>>
    %dma_start3A_36 = arith.constant 0 : i32
    %dma_start3A_37 = arith.constant 0 : i32
    %dma_start3A_38 = tpu.memref_slice %arg2[%dma_start3A_36, %dma_start3A_37] : memref<10000x128xf32, #tpu.memory_space<hbm>> -> memref<10000x128xf32, #tpu.memory_space<hbm>>
    %dma_start3A_39 = tpu.memref_slice %arg11[%dma_start3A_28] : memref<2x!tpu.dma_semaphore, #tpu.memory_space<semaphore_mem>> -> memref<1x!tpu.dma_semaphore, #tpu.memory_space<semaphore_mem>>
    %dma_start3A_40 = tpu.memref_squeeze %dma_start3A_39 : memref<1x!tpu.dma_semaphore, #tpu.memory_space<semaphore_mem>> -> memref<!tpu.dma_semaphore, #tpu.memory_space<semaphore_mem>>
    tpu.enqueue_indirect_dma source(%dma_start3A_38 : memref<10000x128xf32, #tpu.memory_space<hbm>>) target(%dma_start3A_32 : memref<80x128xf32, #tpu.memory_space<vmem>>) offsets(%dma_start3A_35 : memref<80xi32, #tpu.memory_space<vmem>>) semaphore(%dma_start3A_40 : memref<!tpu.dma_semaphore, #tpu.memory_space<semaphore_mem>>)
    %dma_wait3A = arith.constant 62 : i32
    %dma_wait3A_41 = arith.constant 0 : i32
    %dma_wait3A_42 = arith.constant 0 : i32
    %dma_wait3A_43 = arith.constant 0 : i32
    %dma_wait3A_44 = arith.constant 0 : i32
    %dma_wait3A_45 = tpu.memref_slice %arg9[%dma_wait3A_41, %dma_wait3A_43, %dma_wait3A_44] : memref<2x80x128xf32, #tpu.memory_space<vmem>> -> memref<1x80x128xf32, #tpu.memory_space<vmem>>
    %dma_wait3A_46 = tpu.memref_squeeze %dma_wait3A_45 : memref<1x80x128xf32, #tpu.memory_space<vmem>> -> memref<80x128xf32, #tpu.memory_space<vmem>>
    %dma_wait3A_47 = arith.constant 0 : i32
    %dma_wait3A_48 = tpu.memref_slice %arg7[%dma_wait3A, %dma_wait3A_47] : memref<64x80xi32, #tpu.memory_space<vmem>> -> memref<1x80xi32, #tpu.memory_space<vmem>>
    %dma_wait3A_49 = tpu.memref_squeeze %dma_wait3A_48 : memref<1x80xi32, #tpu.memory_space<vmem>> -> memref<80xi32, #tpu.memory_space<vmem>>
    %dma_wait3A_50 = arith.constant 0 : i32
    %dma_wait3A_51 = arith.constant 0 : i32
    %dma_wait3A_52 = tpu.memref_slice %arg2[%dma_wait3A_50, %dma_wait3A_51] : memref<10000x128xf32, #tpu.memory_space<hbm>> -> memref<10000x128xf32, #tpu.memory_space<hbm>>
    %dma_wait3A_53 = tpu.memref_slice %arg11[%dma_wait3A_42] : memref<2x!tpu.dma_semaphore, #tpu.memory_space<semaphore_mem>> -> memref<1x!tpu.dma_semaphore, #tpu.memory_space<semaphore_mem>>
    %dma_wait3A_54 = tpu.memref_squeeze %dma_wait3A_53 : memref<1x!tpu.dma_semaphore, #tpu.memory_space<semaphore_mem>> -> memref<!tpu.dma_semaphore, #tpu.memory_space<semaphore_mem>>
    tpu.wait_indirect_dma semaphore(%dma_wait3A_54 : memref<!tpu.dma_semaphore, #tpu.memory_space<semaphore_mem>>) src(%dma_wait3A_52 : memref<10000x128xf32, #tpu.memory_space<hbm>>) dst(%dma_wait3A_46 : memref<80x128xf32, #tpu.memory_space<vmem>>)
    %run_scoped3A = arith.constant 0 : i32
    %run_scoped3A_55 = arith.constant 62 : i32
    "tpu.region"() ({
      %run_scoped3A_186 = tpu.sem_alloc : memref<!tpu.dma_semaphore, #tpu.memory_space<semaphore_mem>>
      %dma_start3A_187 = arith.constant 0 : i32
      %dma_start3A_188 = arith.constant 0 : i32
      %dma_start3A_189 = tpu.memref_slice %arg9[%run_scoped3A, %dma_start3A_187, %dma_start3A_188] : memref<2x80x128xf32, #tpu.memory_space<vmem>> -> memref<1x80x128xf32, #tpu.memory_space<vmem>>
      %dma_start3A_190 = tpu.memref_squeeze %dma_start3A_189 : memref<1x80x128xf32, #tpu.memory_space<vmem>> -> memref<80x128xf32, #tpu.memory_space<vmem>>
      %dma_start3A_191 = arith.constant 0 : i32
      %dma_start3A_192 = tpu.memref_slice %arg8[%run_scoped3A_55, %dma_start3A_191] : memref<64x80xi32, #tpu.memory_space<vmem>> -> memref<1x80xi32, #tpu.memory_space<vmem>>
      %dma_start3A_193 = tpu.memref_squeeze %dma_start3A_192 : memref<1x80xi32, #tpu.memory_space<vmem>> -> memref<80xi32, #tpu.memory_space<vmem>>
      %dma_start3A_194 = arith.constant 0 : i32
      %dma_start3A_195 = arith.constant 0 : i32
      %dma_start3A_196 = tpu.memref_slice %arg10[%dma_start3A_194, %dma_start3A_195] : memref<10000x128xf32, #tpu.memory_space<vmem_shared>> -> memref<10000x128xf32, #tpu.memory_space<vmem_shared>>
      tpu.enqueue_indirect_dma source(%dma_start3A_190 : memref<80x128xf32, #tpu.memory_space<vmem>>) target(%dma_start3A_196 : memref<10000x128xf32, #tpu.memory_space<vmem_shared>>) offsets(%dma_start3A_193 : memref<80xi32, #tpu.memory_space<vmem>>) semaphore(%run_scoped3A_186 : memref<!tpu.dma_semaphore, #tpu.memory_space<semaphore_mem>>) {add = true}
      %dma_wait3A_197 = arith.constant 0 : i32
      %dma_wait3A_198 = arith.constant 0 : i32
      %dma_wait3A_199 = tpu.memref_slice %arg9[%run_scoped3A, %dma_wait3A_197, %dma_wait3A_198] : memref<2x80x128xf32, #tpu.memory_space<vmem>> -> memref<1x80x128xf32, #tpu.memory_space<vmem>>
      %dma_wait3A_200 = tpu.memref_squeeze %dma_wait3A_199 : memref<1x80x128xf32, #tpu.memory_space<vmem>> -> memref<80x128xf32, #tpu.memory_space<vmem>>
      %dma_wait3A_201 = arith.constant 0 : i32
      %dma_wait3A_202 = tpu.memref_slice %arg8[%run_scoped3A_55, %dma_wait3A_201] : memref<64x80xi32, #tpu.memory_space<vmem>> -> memref<1x80xi32, #tpu.memory_space<vmem>>
      %dma_wait3A_203 = tpu.memref_squeeze %dma_wait3A_202 : memref<1x80xi32, #tpu.memory_space<vmem>> -> memref<80xi32, #tpu.memory_space<vmem>>
      %dma_wait3A_204 = arith.constant 0 : i32
      %dma_wait3A_205 = arith.constant 0 : i32
      %dma_wait3A_206 = tpu.memref_slice %arg10[%dma_wait3A_204, %dma_wait3A_205] : memref<10000x128xf32, #tpu.memory_space<vmem_shared>> -> memref<10000x128xf32, #tpu.memory_space<vmem_shared>>
      tpu.wait_indirect_dma semaphore(%run_scoped3A_186 : memref<!tpu.dma_semaphore, #tpu.memory_space<semaphore_mem>>) src(%dma_wait3A_200 : memref<80x128xf32, #tpu.memory_space<vmem>>) dst(%dma_wait3A_206 : memref<10000x128xf32, #tpu.memory_space<vmem_shared>>)
      tpu.yield
    }) : () -> ()
    %dma_wait3A_56 = arith.constant 63 : i32
    %dma_wait3A_57 = arith.constant 1 : i32
    %dma_wait3A_58 = arith.constant 1 : i32
    %dma_wait3A_59 = arith.constant 0 : i32
    %dma_wait3A_60 = arith.constant 0 : i32
    %dma_wait3A_61 = tpu.memref_slice %arg9[%dma_wait3A_57, %dma_wait3A_59, %dma_wait3A_60] : memref<2x80x128xf32, #tpu.memory_space<vmem>> -> memref<1x80x128xf32, #tpu.memory_space<vmem>>
    %dma_wait3A_62 = tpu.memref_squeeze %dma_wait3A_61 : memref<1x80x128xf32, #tpu.memory_space<vmem>> -> memref<80x128xf32, #tpu.memory_space<vmem>>
    %dma_wait3A_63 = arith.constant 0 : i32
    %dma_wait3A_64 = tpu.memref_slice %arg7[%dma_wait3A_56, %dma_wait3A_63] : memref<64x80xi32, #tpu.memory_space<vmem>> -> memref<1x80xi32, #tpu.memory_space<vmem>>
    %dma_wait3A_65 = tpu.memref_squeeze %dma_wait3A_64 : memref<1x80xi32, #tpu.memory_space<vmem>> -> memref<80xi32, #tpu.memory_space<vmem>>
    %dma_wait3A_66 = arith.constant 0 : i32
    %dma_wait3A_67 = arith.constant 0 : i32
    %dma_wait3A_68 = tpu.memref_slice %arg2[%dma_wait3A_66, %dma_wait3A_67] : memref<10000x128xf32, #tpu.memory_space<hbm>> -> memref<10000x128xf32, #tpu.memory_space<hbm>>
    %dma_wait3A_69 = tpu.memref_slice %arg11[%dma_wait3A_58] : memref<2x!tpu.dma_semaphore, #tpu.memory_space<semaphore_mem>> -> memref<1x!tpu.dma_semaphore, #tpu.memory_space<semaphore_mem>>
    %dma_wait3A_70 = tpu.memref_squeeze %dma_wait3A_69 : memref<1x!tpu.dma_semaphore, #tpu.memory_space<semaphore_mem>> -> memref<!tpu.dma_semaphore, #tpu.memory_space<semaphore_mem>>
    tpu.wait_indirect_dma semaphore(%dma_wait3A_70 : memref<!tpu.dma_semaphore, #tpu.memory_space<semaphore_mem>>) src(%dma_wait3A_68 : memref<10000x128xf32, #tpu.memory_space<hbm>>) dst(%dma_wait3A_62 : memref<80x128xf32, #tpu.memory_space<vmem>>)
    %run_scoped3A_71 = arith.constant 1 : i32
    %run_scoped3A_72 = arith.constant 63 : i32
    "tpu.region"() ({
      %run_scoped3A_186 = tpu.sem_alloc : memref<!tpu.dma_semaphore, #tpu.memory_space<semaphore_mem>>
      %dma_start3A_187 = arith.constant 0 : i32
      %dma_start3A_188 = arith.constant 0 : i32
      %dma_start3A_189 = tpu.memref_slice %arg9[%run_scoped3A_71, %dma_start3A_187, %dma_start3A_188] : memref<2x80x128xf32, #tpu.memory_space<vmem>> -> memref<1x80x128xf32, #tpu.memory_space<vmem>>
      %dma_start3A_190 = tpu.memref_squeeze %dma_start3A_189 : memref<1x80x128xf32, #tpu.memory_space<vmem>> -> memref<80x128xf32, #tpu.memory_space<vmem>>
      %dma_start3A_191 = arith.constant 0 : i32
      %dma_start3A_192 = tpu.memref_slice %arg8[%run_scoped3A_72, %dma_start3A_191] : memref<64x80xi32, #tpu.memory_space<vmem>> -> memref<1x80xi32, #tpu.memory_space<vmem>>
      %dma_start3A_193 = tpu.memref_squeeze %dma_start3A_192 : memref<1x80xi32, #tpu.memory_space<vmem>> -> memref<80xi32, #tpu.memory_space<vmem>>
      %dma_start3A_194 = arith.constant 0 : i32
      %dma_start3A_195 = arith.constant 0 : i32
      %dma_start3A_196 = tpu.memref_slice %arg10[%dma_start3A_194, %dma_start3A_195] : memref<10000x128xf32, #tpu.memory_space<vmem_shared>> -> memref<10000x128xf32, #tpu.memory_space<vmem_shared>>
      tpu.enqueue_indirect_dma source(%dma_start3A_190 : memref<80x128xf32, #tpu.memory_space<vmem>>) target(%dma_start3A_196 : memref<10000x128xf32, #tpu.memory_space<vmem_shared>>) offsets(%dma_start3A_193 : memref<80xi32, #tpu.memory_space<vmem>>) semaphore(%run_scoped3A_186 : memref<!tpu.dma_semaphore, #tpu.memory_space<semaphore_mem>>) {add = true}
      %dma_wait3A_197 = arith.constant 0 : i32
      %dma_wait3A_198 = arith.constant 0 : i32
      %dma_wait3A_199 = tpu.memref_slice %arg9[%run_scoped3A_71, %dma_wait3A_197, %dma_wait3A_198] : memref<2x80x128xf32, #tpu.memory_space<vmem>> -> memref<1x80x128xf32, #tpu.memory_space<vmem>>
      %dma_wait3A_200 = tpu.memref_squeeze %dma_wait3A_199 : memref<1x80x128xf32, #tpu.memory_space<vmem>> -> memref<80x128xf32, #tpu.memory_space<vmem>>
      %dma_wait3A_201 = arith.constant 0 : i32
      %dma_wait3A_202 = tpu.memref_slice %arg8[%run_scoped3A_72, %dma_wait3A_201] : memref<64x80xi32, #tpu.memory_space<vmem>> -> memref<1x80xi32, #tpu.memory_space<vmem>>
      %dma_wait3A_203 = tpu.memref_squeeze %dma_wait3A_202 : memref<1x80xi32, #tpu.memory_space<vmem>> -> memref<80xi32, #tpu.memory_space<vmem>>
      %dma_wait3A_204 = arith.constant 0 : i32
      %dma_wait3A_205 = arith.constant 0 : i32
      %dma_wait3A_206 = tpu.memref_slice %arg10[%dma_wait3A_204, %dma_wait3A_205] : memref<10000x128xf32, #tpu.memory_space<vmem_shared>> -> memref<10000x128xf32, #tpu.memory_space<vmem_shared>>
      tpu.wait_indirect_dma semaphore(%run_scoped3A_186 : memref<!tpu.dma_semaphore, #tpu.memory_space<semaphore_mem>>) src(%dma_wait3A_200 : memref<80x128xf32, #tpu.memory_space<vmem>>) dst(%dma_wait3A_206 : memref<10000x128xf32, #tpu.memory_space<vmem_shared>>)
      tpu.yield
    }) : () -> ()
    "tpu.region"() ({
      %run_scoped3A_186 = tpu.sem_alloc : memref<!tpu.dma_semaphore, #tpu.memory_space<semaphore_mem>>
      %dma_start3A_187 = arith.constant 0 : i32
      %dma_start3A_188 = arith.constant 0 : i32
      %dma_start3A_189 = tpu.memref_slice %arg7[%dma_start3A_187, %dma_start3A_188] : memref<64x80xi32, #tpu.memory_space<vmem>> -> memref<61x80xi32, #tpu.memory_space<vmem>>
      %dma_start3A_190 = arith.constant 64 : i32
      %dma_start3A_191 = arith.constant 0 : i32
      %dma_start3A_192 = tpu.memref_slice %arg3[%add3A, %dma_start3A_190, %dma_start3A_191] : memref<32x125x80xi32, #tpu.memory_space<hbm>> -> memref<1x61x80xi32, #tpu.memory_space<hbm>>
      %dma_start3A_193 = tpu.memref_squeeze %dma_start3A_192 : memref<1x61x80xi32, #tpu.memory_space<hbm>> -> memref<61x80xi32, #tpu.memory_space<hbm>>
      %dma_start3A_194 = arith.constant 0 : i32
      %dma_start3A_195 = arith.constant 0 : i32
      %dma_start3A_196 = tpu.memref_slice %arg7[%dma_start3A_194, %dma_start3A_195] : memref<64x80xi32, #tpu.memory_space<vmem>> -> memref<61x80xi32, #tpu.memory_space<vmem>>
      %dma_start3A_197 = arith.constant 64 : i32
      %dma_start3A_198 = arith.constant 0 : i32
      %dma_start3A_199 = tpu.memref_slice %arg3[%add3A, %dma_start3A_197, %dma_start3A_198] : memref<32x125x80xi32, #tpu.memory_space<hbm>> -> memref<1x61x80xi32, #tpu.memory_space<hbm>>
      %dma_start3A_200 = tpu.memref_squeeze %dma_start3A_199 : memref<1x61x80xi32, #tpu.memory_space<hbm>> -> memref<61x80xi32, #tpu.memory_space<hbm>>
      tpu.enqueue_dma source(%dma_start3A_200 : memref<61x80xi32, #tpu.memory_space<hbm>>) target(%dma_start3A_196 : memref<61x80xi32, #tpu.memory_space<vmem>>) target_semaphore(%run_scoped3A_186 : memref<!tpu.dma_semaphore, #tpu.memory_space<semaphore_mem>>)
      %dma_wait3A_201 = arith.constant 0 : i32
      %dma_wait3A_202 = arith.constant 0 : i32
      %dma_wait3A_203 = tpu.memref_slice %arg7[%dma_wait3A_201, %dma_wait3A_202] : memref<64x80xi32, #tpu.memory_space<vmem>> -> memref<61x80xi32, #tpu.memory_space<vmem>>
      %dma_wait3A_204 = arith.constant 64 : i32
      %dma_wait3A_205 = arith.constant 0 : i32
      %dma_wait3A_206 = tpu.memref_slice %arg3[%add3A, %dma_wait3A_204, %dma_wait3A_205] : memref<32x125x80xi32, #tpu.memory_space<hbm>> -> memref<1x61x80xi32, #tpu.memory_space<hbm>>
      %dma_wait3A_207 = tpu.memref_squeeze %dma_wait3A_206 : memref<1x61x80xi32, #tpu.memory_space<hbm>> -> memref<61x80xi32, #tpu.memory_space<hbm>>
      %dma_wait3A_208 = arith.constant 0 : i32
      %dma_wait3A_209 = arith.constant 0 : i32
      %dma_wait3A_210 = tpu.memref_slice %arg7[%dma_wait3A_208, %dma_wait3A_209] : memref<64x80xi32, #tpu.memory_space<vmem>> -> memref<61x80xi32, #tpu.memory_space<vmem>>
      %dma_wait3A_211 = arith.constant 64 : i32
      %dma_wait3A_212 = arith.constant 0 : i32
      %dma_wait3A_213 = tpu.memref_slice %arg3[%add3A, %dma_wait3A_211, %dma_wait3A_212] : memref<32x125x80xi32, #tpu.memory_space<hbm>> -> memref<1x61x80xi32, #tpu.memory_space<hbm>>
      %dma_wait3A_214 = tpu.memref_squeeze %dma_wait3A_213 : memref<1x61x80xi32, #tpu.memory_space<hbm>> -> memref<61x80xi32, #tpu.memory_space<hbm>>
      tpu.wait_dma2 semaphore(%run_scoped3A_186 : memref<!tpu.dma_semaphore, #tpu.memory_space<semaphore_mem>>) src(%dma_wait3A_214 : memref<61x80xi32, #tpu.memory_space<hbm>>) dst(%dma_wait3A_210 : memref<61x80xi32, #tpu.memory_space<vmem>>)
      tpu.yield
    }) : () -> ()
    "tpu.region"() ({
      %run_scoped3A_186 = tpu.sem_alloc : memref<!tpu.dma_semaphore, #tpu.memory_space<semaphore_mem>>
      %dma_start3A_187 = arith.constant 0 : i32
      %dma_start3A_188 = arith.constant 0 : i32
      %dma_start3A_189 = tpu.memref_slice %arg8[%dma_start3A_187, %dma_start3A_188] : memref<64x80xi32, #tpu.memory_space<vmem>> -> memref<61x80xi32, #tpu.memory_space<vmem>>
      %dma_start3A_190 = arith.constant 64 : i32
      %dma_start3A_191 = arith.constant 0 : i32
      %dma_start3A_192 = tpu.memref_slice %arg4[%add3A, %dma_start3A_190, %dma_start3A_191] : memref<32x125x80xi32, #tpu.memory_space<hbm>> -> memref<1x61x80xi32, #tpu.memory_space<hbm>>
      %dma_start3A_193 = tpu.memref_squeeze %dma_start3A_192 : memref<1x61x80xi32, #tpu.memory_space<hbm>> -> memref<61x80xi32, #tpu.memory_space<hbm>>
      %dma_start3A_194 = arith.constant 0 : i32
      %dma_start3A_195 = arith.constant 0 : i32
      %dma_start3A_196 = tpu.memref_slice %arg8[%dma_start3A_194, %dma_start3A_195] : memref<64x80xi32, #tpu.memory_space<vmem>> -> memref<61x80xi32, #tpu.memory_space<vmem>>
      %dma_start3A_197 = arith.constant 64 : i32
      %dma_start3A_198 = arith.constant 0 : i32
      %dma_start3A_199 = tpu.memref_slice %arg4[%add3A, %dma_start3A_197, %dma_start3A_198] : memref<32x125x80xi32, #tpu.memory_space<hbm>> -> memref<1x61x80xi32, #tpu.memory_space<hbm>>
      %dma_start3A_200 = tpu.memref_squeeze %dma_start3A_199 : memref<1x61x80xi32, #tpu.memory_space<hbm>> -> memref<61x80xi32, #tpu.memory_space<hbm>>
      tpu.enqueue_dma source(%dma_start3A_200 : memref<61x80xi32, #tpu.memory_space<hbm>>) target(%dma_start3A_196 : memref<61x80xi32, #tpu.memory_space<vmem>>) target_semaphore(%run_scoped3A_186 : memref<!tpu.dma_semaphore, #tpu.memory_space<semaphore_mem>>)
      %dma_wait3A_201 = arith.constant 0 : i32
      %dma_wait3A_202 = arith.constant 0 : i32
      %dma_wait3A_203 = tpu.memref_slice %arg8[%dma_wait3A_201, %dma_wait3A_202] : memref<64x80xi32, #tpu.memory_space<vmem>> -> memref<61x80xi32, #tpu.memory_space<vmem>>
      %dma_wait3A_204 = arith.constant 64 : i32
      %dma_wait3A_205 = arith.constant 0 : i32
      %dma_wait3A_206 = tpu.memref_slice %arg4[%add3A, %dma_wait3A_204, %dma_wait3A_205] : memref<32x125x80xi32, #tpu.memory_space<hbm>> -> memref<1x61x80xi32, #tpu.memory_space<hbm>>
      %dma_wait3A_207 = tpu.memref_squeeze %dma_wait3A_206 : memref<1x61x80xi32, #tpu.memory_space<hbm>> -> memref<61x80xi32, #tpu.memory_space<hbm>>
      %dma_wait3A_208 = arith.constant 0 : i32
      %dma_wait3A_209 = arith.constant 0 : i32
      %dma_wait3A_210 = tpu.memref_slice %arg8[%dma_wait3A_208, %dma_wait3A_209] : memref<64x80xi32, #tpu.memory_space<vmem>> -> memref<61x80xi32, #tpu.memory_space<vmem>>
      %dma_wait3A_211 = arith.constant 64 : i32
      %dma_wait3A_212 = arith.constant 0 : i32
      %dma_wait3A_213 = tpu.memref_slice %arg4[%add3A, %dma_wait3A_211, %dma_wait3A_212] : memref<32x125x80xi32, #tpu.memory_space<hbm>> -> memref<1x61x80xi32, #tpu.memory_space<hbm>>
      %dma_wait3A_214 = tpu.memref_squeeze %dma_wait3A_213 : memref<1x61x80xi32, #tpu.memory_space<hbm>> -> memref<61x80xi32, #tpu.memory_space<hbm>>
      tpu.wait_dma2 semaphore(%run_scoped3A_186 : memref<!tpu.dma_semaphore, #tpu.memory_space<semaphore_mem>>) src(%dma_wait3A_214 : memref<61x80xi32, #tpu.memory_space<hbm>>) dst(%dma_wait3A_210 : memref<61x80xi32, #tpu.memory_space<vmem>>)
      tpu.yield
    }) : () -> ()
    %dma_start3A_73 = arith.constant 0 : i32
    %dma_start3A_74 = arith.constant 0 : i32
    %dma_start3A_75 = arith.constant 0 : i32
    %dma_start3A_76 = arith.constant 0 : i32
    %dma_start3A_77 = arith.constant 0 : i32
    %dma_start3A_78 = tpu.memref_slice %arg9[%dma_start3A_74, %dma_start3A_76, %dma_start3A_77] : memref<2x80x128xf32, #tpu.memory_space<vmem>> -> memref<1x80x128xf32, #tpu.memory_space<vmem>>
    %dma_start3A_79 = tpu.memref_squeeze %dma_start3A_78 : memref<1x80x128xf32, #tpu.memory_space<vmem>> -> memref<80x128xf32, #tpu.memory_space<vmem>>
    %dma_start3A_80 = arith.constant 0 : i32
    %dma_start3A_81 = tpu.memref_slice %arg7[%dma_start3A_73, %dma_start3A_80] : memref<64x80xi32, #tpu.memory_space<vmem>> -> memref<1x80xi32, #tpu.memory_space<vmem>>
    %dma_start3A_82 = tpu.memref_squeeze %dma_start3A_81 : memref<1x80xi32, #tpu.memory_space<vmem>> -> memref<80xi32, #tpu.memory_space<vmem>>
    %dma_start3A_83 = arith.constant 0 : i32
    %dma_start3A_84 = arith.constant 0 : i32
    %dma_start3A_85 = tpu.memref_slice %arg2[%dma_start3A_83, %dma_start3A_84] : memref<10000x128xf32, #tpu.memory_space<hbm>> -> memref<10000x128xf32, #tpu.memory_space<hbm>>
    %dma_start3A_86 = tpu.memref_slice %arg11[%dma_start3A_75] : memref<2x!tpu.dma_semaphore, #tpu.memory_space<semaphore_mem>> -> memref<1x!tpu.dma_semaphore, #tpu.memory_space<semaphore_mem>>
    %dma_start3A_87 = tpu.memref_squeeze %dma_start3A_86 : memref<1x!tpu.dma_semaphore, #tpu.memory_space<semaphore_mem>> -> memref<!tpu.dma_semaphore, #tpu.memory_space<semaphore_mem>>
    tpu.enqueue_indirect_dma source(%dma_start3A_85 : memref<10000x128xf32, #tpu.memory_space<hbm>>) target(%dma_start3A_79 : memref<80x128xf32, #tpu.memory_space<vmem>>) offsets(%dma_start3A_82 : memref<80xi32, #tpu.memory_space<vmem>>) semaphore(%dma_start3A_87 : memref<!tpu.dma_semaphore, #tpu.memory_space<semaphore_mem>>)
    %scan3A_88 = arith.constant 0 : i32
    %scan3A_89 = arith.constant 0 : i32
    %scan3A_90 = arith.constant 29 : i32
    %scan3A_91 = arith.addi %scan3A_89, %scan3A_90 : i32
    %scan3A_92 = arith.constant 1 : i32
    scf.for %scan3A_186 = %scan3A_89 to %scan3A_91 step %scan3A_92  : i32 {
      %mul3A_187 = arith.constant 2 : i32
      %mul3A_188 = arith.muli %mul3A_187, %scan3A_186 : i32
      %add3A_189 = arith.constant 1 : i32
      %add3A_190 = arith.addi %mul3A_188, %add3A_189 : i32
      %dma_start3A_191 = arith.constant 1 : i32
      %dma_start3A_192 = arith.constant 1 : i32
      %dma_start3A_193 = arith.constant 0 : i32
      %dma_start3A_194 = arith.constant 0 : i32
      %dma_start3A_195 = tpu.memref_slice %arg9[%dma_start3A_191, %dma_start3A_193, %dma_start3A_194] : memref<2x80x128xf32, #tpu.memory_space<vmem>> -> memref<1x80x128xf32, #tpu.memory_space<vmem>>
      %dma_start3A_196 = tpu.memref_squeeze %dma_start3A_195 : memref<1x80x128xf32, #tpu.memory_space<vmem>> -> memref<80x128xf32, #tpu.memory_space<vmem>>
      %dma_start3A_197 = arith.constant 0 : i32
      %dma_start3A_198 = tpu.memref_slice %arg7[%add3A_190, %dma_start3A_197] : memref<64x80xi32, #tpu.memory_space<vmem>> -> memref<1x80xi32, #tpu.memory_space<vmem>>
      %dma_start3A_199 = tpu.memref_squeeze %dma_start3A_198 : memref<1x80xi32, #tpu.memory_space<vmem>> -> memref<80xi32, #tpu.memory_space<vmem>>
      %dma_start3A_200 = arith.constant 0 : i32
      %dma_start3A_201 = arith.constant 0 : i32
      %dma_start3A_202 = tpu.memref_slice %arg2[%dma_start3A_200, %dma_start3A_201] : memref<10000x128xf32, #tpu.memory_space<hbm>> -> memref<10000x128xf32, #tpu.memory_space<hbm>>
      %dma_start3A_203 = tpu.memref_slice %arg11[%dma_start3A_192] : memref<2x!tpu.dma_semaphore, #tpu.memory_space<semaphore_mem>> -> memref<1x!tpu.dma_semaphore, #tpu.memory_space<semaphore_mem>>
      %dma_start3A_204 = tpu.memref_squeeze %dma_start3A_203 : memref<1x!tpu.dma_semaphore, #tpu.memory_space<semaphore_mem>> -> memref<!tpu.dma_semaphore, #tpu.memory_space<semaphore_mem>>
      tpu.enqueue_indirect_dma source(%dma_start3A_202 : memref<10000x128xf32, #tpu.memory_space<hbm>>) target(%dma_start3A_196 : memref<80x128xf32, #tpu.memory_space<vmem>>) offsets(%dma_start3A_199 : memref<80xi32, #tpu.memory_space<vmem>>) semaphore(%dma_start3A_204 : memref<!tpu.dma_semaphore, #tpu.memory_space<semaphore_mem>>)
      %dma_wait3A_205 = arith.constant 0 : i32
      %dma_wait3A_206 = arith.constant 0 : i32
      %dma_wait3A_207 = arith.constant 0 : i32
      %dma_wait3A_208 = arith.constant 0 : i32
      %dma_wait3A_209 = tpu.memref_slice %arg9[%dma_wait3A_205, %dma_wait3A_207, %dma_wait3A_208] : memref<2x80x128xf32, #tpu.memory_space<vmem>> -> memref<1x80x128xf32, #tpu.memory_space<vmem>>
      %dma_wait3A_210 = tpu.memref_squeeze %dma_wait3A_209 : memref<1x80x128xf32, #tpu.memory_space<vmem>> -> memref<80x128xf32, #tpu.memory_space<vmem>>
      %dma_wait3A_211 = arith.constant 0 : i32
      %dma_wait3A_212 = tpu.memref_slice %arg7[%mul3A_188, %dma_wait3A_211] : memref<64x80xi32, #tpu.memory_space<vmem>> -> memref<1x80xi32, #tpu.memory_space<vmem>>
      %dma_wait3A_213 = tpu.memref_squeeze %dma_wait3A_212 : memref<1x80xi32, #tpu.memory_space<vmem>> -> memref<80xi32, #tpu.memory_space<vmem>>
      %dma_wait3A_214 = arith.constant 0 : i32
      %dma_wait3A_215 = arith.constant 0 : i32
      %dma_wait3A_216 = tpu.memref_slice %arg2[%dma_wait3A_214, %dma_wait3A_215] : memref<10000x128xf32, #tpu.memory_space<hbm>> -> memref<10000x128xf32, #tpu.memory_space<hbm>>
      %dma_wait3A_217 = tpu.memref_slice %arg11[%dma_wait3A_206] : memref<2x!tpu.dma_semaphore, #tpu.memory_space<semaphore_mem>> -> memref<1x!tpu.dma_semaphore, #tpu.memory_space<semaphore_mem>>
      %dma_wait3A_218 = tpu.memref_squeeze %dma_wait3A_217 : memref<1x!tpu.dma_semaphore, #tpu.memory_space<semaphore_mem>> -> memref<!tpu.dma_semaphore, #tpu.memory_space<semaphore_mem>>
      tpu.wait_indirect_dma semaphore(%dma_wait3A_218 : memref<!tpu.dma_semaphore, #tpu.memory_space<semaphore_mem>>) src(%dma_wait3A_216 : memref<10000x128xf32, #tpu.memory_space<hbm>>) dst(%dma_wait3A_210 : memref<80x128xf32, #tpu.memory_space<vmem>>)
      %run_scoped3A_219 = arith.constant 0 : i32
      "tpu.region"() ({
        %run_scoped3A_255 = tpu.sem_alloc : memref<!tpu.dma_semaphore, #tpu.memory_space<semaphore_mem>>
        %dma_start3A_256 = arith.constant 0 : i32
        %dma_start3A_257 = arith.constant 0 : i32
        %dma_start3A_258 = tpu.memref_slice %arg9[%run_scoped3A_219, %dma_start3A_256, %dma_start3A_257] : memref<2x80x128xf32, #tpu.memory_space<vmem>> -> memref<1x80x128xf32, #tpu.memory_space<vmem>>
        %dma_start3A_259 = tpu.memref_squeeze %dma_start3A_258 : memref<1x80x128xf32, #tpu.memory_space<vmem>> -> memref<80x128xf32, #tpu.memory_space<vmem>>
        %dma_start3A_260 = arith.constant 0 : i32
        %dma_start3A_261 = tpu.memref_slice %arg8[%mul3A_188, %dma_start3A_260] : memref<64x80xi32, #tpu.memory_space<vmem>> -> memref<1x80xi32, #tpu.memory_space<vmem>>
        %dma_start3A_262 = tpu.memref_squeeze %dma_start3A_261 : memref<1x80xi32, #tpu.memory_space<vmem>> -> memref<80xi32, #tpu.memory_space<vmem>>
        %dma_start3A_263 = arith.constant 0 : i32
        %dma_start3A_264 = arith.constant 0 : i32
        %dma_start3A_265 = tpu.memref_slice %arg10[%dma_start3A_263, %dma_start3A_264] : memref<10000x128xf32, #tpu.memory_space<vmem_shared>> -> memref<10000x128xf32, #tpu.memory_space<vmem_shared>>
        tpu.enqueue_indirect_dma source(%dma_start3A_259 : memref<80x128xf32, #tpu.memory_space<vmem>>) target(%dma_start3A_265 : memref<10000x128xf32, #tpu.memory_space<vmem_shared>>) offsets(%dma_start3A_262 : memref<80xi32, #tpu.memory_space<vmem>>) semaphore(%run_scoped3A_255 : memref<!tpu.dma_semaphore, #tpu.memory_space<semaphore_mem>>) {add = true}
        %dma_wait3A_266 = arith.constant 0 : i32
        %dma_wait3A_267 = arith.constant 0 : i32
        %dma_wait3A_268 = tpu.memref_slice %arg9[%run_scoped3A_219, %dma_wait3A_266, %dma_wait3A_267] : memref<2x80x128xf32, #tpu.memory_space<vmem>> -> memref<1x80x128xf32, #tpu.memory_space<vmem>>
        %dma_wait3A_269 = tpu.memref_squeeze %dma_wait3A_268 : memref<1x80x128xf32, #tpu.memory_space<vmem>> -> memref<80x128xf32, #tpu.memory_space<vmem>>
        %dma_wait3A_270 = arith.constant 0 : i32
        %dma_wait3A_271 = tpu.memref_slice %arg8[%mul3A_188, %dma_wait3A_270] : memref<64x80xi32, #tpu.memory_space<vmem>> -> memref<1x80xi32, #tpu.memory_space<vmem>>
        %dma_wait3A_272 = tpu.memref_squeeze %dma_wait3A_271 : memref<1x80xi32, #tpu.memory_space<vmem>> -> memref<80xi32, #tpu.memory_space<vmem>>
        %dma_wait3A_273 = arith.constant 0 : i32
        %dma_wait3A_274 = arith.constant 0 : i32
        %dma_wait3A_275 = tpu.memref_slice %arg10[%dma_wait3A_273, %dma_wait3A_274] : memref<10000x128xf32, #tpu.memory_space<vmem_shared>> -> memref<10000x128xf32, #tpu.memory_space<vmem_shared>>
        tpu.wait_indirect_dma semaphore(%run_scoped3A_255 : memref<!tpu.dma_semaphore, #tpu.memory_space<semaphore_mem>>) src(%dma_wait3A_269 : memref<80x128xf32, #tpu.memory_space<vmem>>) dst(%dma_wait3A_275 : memref<10000x128xf32, #tpu.memory_space<vmem_shared>>)
        tpu.yield
      }) : () -> ()
      %add3A_220 = arith.constant 2 : i32
      %add3A_221 = arith.addi %mul3A_188, %add3A_220 : i32
      %dma_start3A_222 = arith.constant 0 : i32
      %dma_start3A_223 = arith.constant 0 : i32
      %dma_start3A_224 = arith.constant 0 : i32
      %dma_start3A_225 = arith.constant 0 : i32
      %dma_start3A_226 = tpu.memref_slice %arg9[%dma_start3A_222, %dma_start3A_224, %dma_start3A_225] : memref<2x80x128xf32, #tpu.memory_space<vmem>> -> memref<1x80x128xf32, #tpu.memory_space<vmem>>
      %dma_start3A_227 = tpu.memref_squeeze %dma_start3A_226 : memref<1x80x128xf32, #tpu.memory_space<vmem>> -> memref<80x128xf32, #tpu.memory_space<vmem>>
      %dma_start3A_228 = arith.constant 0 : i32
      %dma_start3A_229 = tpu.memref_slice %arg7[%add3A_221, %dma_start3A_228] : memref<64x80xi32, #tpu.memory_space<vmem>> -> memref<1x80xi32, #tpu.memory_space<vmem>>
      %dma_start3A_230 = tpu.memref_squeeze %dma_start3A_229 : memref<1x80xi32, #tpu.memory_space<vmem>> -> memref<80xi32, #tpu.memory_space<vmem>>
      %dma_start3A_231 = arith.constant 0 : i32
      %dma_start3A_232 = arith.constant 0 : i32
      %dma_start3A_233 = tpu.memref_slice %arg2[%dma_start3A_231, %dma_start3A_232] : memref<10000x128xf32, #tpu.memory_space<hbm>> -> memref<10000x128xf32, #tpu.memory_space<hbm>>
      %dma_start3A_234 = tpu.memref_slice %arg11[%dma_start3A_223] : memref<2x!tpu.dma_semaphore, #tpu.memory_space<semaphore_mem>> -> memref<1x!tpu.dma_semaphore, #tpu.memory_space<semaphore_mem>>
      %dma_start3A_235 = tpu.memref_squeeze %dma_start3A_234 : memref<1x!tpu.dma_semaphore, #tpu.memory_space<semaphore_mem>> -> memref<!tpu.dma_semaphore, #tpu.memory_space<semaphore_mem>>
      tpu.enqueue_indirect_dma source(%dma_start3A_233 : memref<10000x128xf32, #tpu.memory_space<hbm>>) target(%dma_start3A_227 : memref<80x128xf32, #tpu.memory_space<vmem>>) offsets(%dma_start3A_230 : memref<80xi32, #tpu.memory_space<vmem>>) semaphore(%dma_start3A_235 : memref<!tpu.dma_semaphore, #tpu.memory_space<semaphore_mem>>)
      %add3A_236 = arith.constant 1 : i32
      %add3A_237 = arith.addi %mul3A_188, %add3A_236 : i32
      %dma_wait3A_238 = arith.constant 1 : i32
      %dma_wait3A_239 = arith.constant 1 : i32
      %dma_wait3A_240 = arith.constant 0 : i32
      %dma_wait3A_241 = arith.constant 0 : i32
      %dma_wait3A_242 = tpu.memref_slice %arg9[%dma_wait3A_238, %dma_wait3A_240, %dma_wait3A_241] : memref<2x80x128xf32, #tpu.memory_space<vmem>> -> memref<1x80x128xf32, #tpu.memory_space<vmem>>
      %dma_wait3A_243 = tpu.memref_squeeze %dma_wait3A_242 : memref<1x80x128xf32, #tpu.memory_space<vmem>> -> memref<80x128xf32, #tpu.memory_space<vmem>>
      %dma_wait3A_244 = arith.constant 0 : i32
      %dma_wait3A_245 = tpu.memref_slice %arg7[%add3A_237, %dma_wait3A_244] : memref<64x80xi32, #tpu.memory_space<vmem>> -> memref<1x80xi32, #tpu.memory_space<vmem>>
      %dma_wait3A_246 = tpu.memref_squeeze %dma_wait3A_245 : memref<1x80xi32, #tpu.memory_space<vmem>> -> memref<80xi32, #tpu.memory_space<vmem>>
      %dma_wait3A_247 = arith.constant 0 : i32
      %dma_wait3A_248 = arith.constant 0 : i32
      %dma_wait3A_249 = tpu.memref_slice %arg2[%dma_wait3A_247, %dma_wait3A_248] : memref<10000x128xf32, #tpu.memory_space<hbm>> -> memref<10000x128xf32, #tpu.memory_space<hbm>>
      %dma_wait3A_250 = tpu.memref_slice %arg11[%dma_wait3A_239] : memref<2x!tpu.dma_semaphore, #tpu.memory_space<semaphore_mem>> -> memref<1x!tpu.dma_semaphore, #tpu.memory_space<semaphore_mem>>
      %dma_wait3A_251 = tpu.memref_squeeze %dma_wait3A_250 : memref<1x!tpu.dma_semaphore, #tpu.memory_space<semaphore_mem>> -> memref<!tpu.dma_semaphore, #tpu.memory_space<semaphore_mem>>
      tpu.wait_indirect_dma semaphore(%dma_wait3A_251 : memref<!tpu.dma_semaphore, #tpu.memory_space<semaphore_mem>>) src(%dma_wait3A_249 : memref<10000x128xf32, #tpu.memory_space<hbm>>) dst(%dma_wait3A_243 : memref<80x128xf32, #tpu.memory_space<vmem>>)
      %add3A_252 = arith.constant 1 : i32
      %add3A_253 = arith.addi %mul3A_188, %add3A_252 : i32
      %run_scoped3A_254 = arith.constant 1 : i32
      "tpu.region"() ({
        %run_scoped3A_255 = tpu.sem_alloc : memref<!tpu.dma_semaphore, #tpu.memory_space<semaphore_mem>>
        %dma_start3A_256 = arith.constant 0 : i32
        %dma_start3A_257 = arith.constant 0 : i32
        %dma_start3A_258 = tpu.memref_slice %arg9[%run_scoped3A_254, %dma_start3A_256, %dma_start3A_257] : memref<2x80x128xf32, #tpu.memory_space<vmem>> -> memref<1x80x128xf32, #tpu.memory_space<vmem>>
        %dma_start3A_259 = tpu.memref_squeeze %dma_start3A_258 : memref<1x80x128xf32, #tpu.memory_space<vmem>> -> memref<80x128xf32, #tpu.memory_space<vmem>>
        %dma_start3A_260 = arith.constant 0 : i32
        %dma_start3A_261 = tpu.memref_slice %arg8[%add3A_253, %dma_start3A_260] : memref<64x80xi32, #tpu.memory_space<vmem>> -> memref<1x80xi32, #tpu.memory_space<vmem>>
        %dma_start3A_262 = tpu.memref_squeeze %dma_start3A_261 : memref<1x80xi32, #tpu.memory_space<vmem>> -> memref<80xi32, #tpu.memory_space<vmem>>
        %dma_start3A_263 = arith.constant 0 : i32
        %dma_start3A_264 = arith.constant 0 : i32
        %dma_start3A_265 = tpu.memref_slice %arg10[%dma_start3A_263, %dma_start3A_264] : memref<10000x128xf32, #tpu.memory_space<vmem_shared>> -> memref<10000x128xf32, #tpu.memory_space<vmem_shared>>
        tpu.enqueue_indirect_dma source(%dma_start3A_259 : memref<80x128xf32, #tpu.memory_space<vmem>>) target(%dma_start3A_265 : memref<10000x128xf32, #tpu.memory_space<vmem_shared>>) offsets(%dma_start3A_262 : memref<80xi32, #tpu.memory_space<vmem>>) semaphore(%run_scoped3A_255 : memref<!tpu.dma_semaphore, #tpu.memory_space<semaphore_mem>>) {add = true}
        %dma_wait3A_266 = arith.constant 0 : i32
        %dma_wait3A_267 = arith.constant 0 : i32
        %dma_wait3A_268 = tpu.memref_slice %arg9[%run_scoped3A_254, %dma_wait3A_266, %dma_wait3A_267] : memref<2x80x128xf32, #tpu.memory_space<vmem>> -> memref<1x80x128xf32, #tpu.memory_space<vmem>>
        %dma_wait3A_269 = tpu.memref_squeeze %dma_wait3A_268 : memref<1x80x128xf32, #tpu.memory_space<vmem>> -> memref<80x128xf32, #tpu.memory_space<vmem>>
        %dma_wait3A_270 = arith.constant 0 : i32
        %dma_wait3A_271 = tpu.memref_slice %arg8[%add3A_253, %dma_wait3A_270] : memref<64x80xi32, #tpu.memory_space<vmem>> -> memref<1x80xi32, #tpu.memory_space<vmem>>
        %dma_wait3A_272 = tpu.memref_squeeze %dma_wait3A_271 : memref<1x80xi32, #tpu.memory_space<vmem>> -> memref<80xi32, #tpu.memory_space<vmem>>
        %dma_wait3A_273 = arith.constant 0 : i32
        %dma_wait3A_274 = arith.constant 0 : i32
        %dma_wait3A_275 = tpu.memref_slice %arg10[%dma_wait3A_273, %dma_wait3A_274] : memref<10000x128xf32, #tpu.memory_space<vmem_shared>> -> memref<10000x128xf32, #tpu.memory_space<vmem_shared>>
        tpu.wait_indirect_dma semaphore(%run_scoped3A_255 : memref<!tpu.dma_semaphore, #tpu.memory_space<semaphore_mem>>) src(%dma_wait3A_269 : memref<80x128xf32, #tpu.memory_space<vmem>>) dst(%dma_wait3A_275 : memref<10000x128xf32, #tpu.memory_space<vmem_shared>>)
        tpu.yield
      }) : () -> ()
    }
    %scan3A_93 = arith.constant 29 : i32
    %dma_start3A_94 = arith.constant 59 : i32
    %dma_start3A_95 = arith.constant 1 : i32
    %dma_start3A_96 = arith.constant 1 : i32
    %dma_start3A_97 = arith.constant 0 : i32
    %dma_start3A_98 = arith.constant 0 : i32
    %dma_start3A_99 = tpu.memref_slice %arg9[%dma_start3A_95, %dma_start3A_97, %dma_start3A_98] : memref<2x80x128xf32, #tpu.memory_space<vmem>> -> memref<1x80x128xf32, #tpu.memory_space<vmem>>
    %dma_start3A_100 = tpu.memref_squeeze %dma_start3A_99 : memref<1x80x128xf32, #tpu.memory_space<vmem>> -> memref<80x128xf32, #tpu.memory_space<vmem>>
    %dma_start3A_101 = arith.constant 0 : i32
    %dma_start3A_102 = tpu.memref_slice %arg7[%dma_start3A_94, %dma_start3A_101] : memref<64x80xi32, #tpu.memory_space<vmem>> -> memref<1x80xi32, #tpu.memory_space<vmem>>
    %dma_start3A_103 = tpu.memref_squeeze %dma_start3A_102 : memref<1x80xi32, #tpu.memory_space<vmem>> -> memref<80xi32, #tpu.memory_space<vmem>>
    %dma_start3A_104 = arith.constant 0 : i32
    %dma_start3A_105 = arith.constant 0 : i32
    %dma_start3A_106 = tpu.memref_slice %arg2[%dma_start3A_104, %dma_start3A_105] : memref<10000x128xf32, #tpu.memory_space<hbm>> -> memref<10000x128xf32, #tpu.memory_space<hbm>>
    %dma_start3A_107 = tpu.memref_slice %arg11[%dma_start3A_96] : memref<2x!tpu.dma_semaphore, #tpu.memory_space<semaphore_mem>> -> memref<1x!tpu.dma_semaphore, #tpu.memory_space<semaphore_mem>>
    %dma_start3A_108 = tpu.memref_squeeze %dma_start3A_107 : memref<1x!tpu.dma_semaphore, #tpu.memory_space<semaphore_mem>> -> memref<!tpu.dma_semaphore, #tpu.memory_space<semaphore_mem>>
    tpu.enqueue_indirect_dma source(%dma_start3A_106 : memref<10000x128xf32, #tpu.memory_space<hbm>>) target(%dma_start3A_100 : memref<80x128xf32, #tpu.memory_space<vmem>>) offsets(%dma_start3A_103 : memref<80xi32, #tpu.memory_space<vmem>>) semaphore(%dma_start3A_108 : memref<!tpu.dma_semaphore, #tpu.memory_space<semaphore_mem>>)
    %dma_wait3A_109 = arith.constant 58 : i32
    %dma_wait3A_110 = arith.constant 0 : i32
    %dma_wait3A_111 = arith.constant 0 : i32
    %dma_wait3A_112 = arith.constant 0 : i32
    %dma_wait3A_113 = arith.constant 0 : i32
    %dma_wait3A_114 = tpu.memref_slice %arg9[%dma_wait3A_110, %dma_wait3A_112, %dma_wait3A_113] : memref<2x80x128xf32, #tpu.memory_space<vmem>> -> memref<1x80x128xf32, #tpu.memory_space<vmem>>
    %dma_wait3A_115 = tpu.memref_squeeze %dma_wait3A_114 : memref<1x80x128xf32, #tpu.memory_space<vmem>> -> memref<80x128xf32, #tpu.memory_space<vmem>>
    %dma_wait3A_116 = arith.constant 0 : i32
    %dma_wait3A_117 = tpu.memref_slice %arg7[%dma_wait3A_109, %dma_wait3A_116] : memref<64x80xi32, #tpu.memory_space<vmem>> -> memref<1x80xi32, #tpu.memory_space<vmem>>
    %dma_wait3A_118 = tpu.memref_squeeze %dma_wait3A_117 : memref<1x80xi32, #tpu.memory_space<vmem>> -> memref<80xi32, #tpu.memory_space<vmem>>
    %dma_wait3A_119 = arith.constant 0 : i32
    %dma_wait3A_120 = arith.constant 0 : i32
    %dma_wait3A_121 = tpu.memref_slice %arg2[%dma_wait3A_119, %dma_wait3A_120] : memref<10000x128xf32, #tpu.memory_space<hbm>> -> memref<10000x128xf32, #tpu.memory_space<hbm>>
    %dma_wait3A_122 = tpu.memref_slice %arg11[%dma_wait3A_111] : memref<2x!tpu.dma_semaphore, #tpu.memory_space<semaphore_mem>> -> memref<1x!tpu.dma_semaphore, #tpu.memory_space<semaphore_mem>>
    %dma_wait3A_123 = tpu.memref_squeeze %dma_wait3A_122 : memref<1x!tpu.dma_semaphore, #tpu.memory_space<semaphore_mem>> -> memref<!tpu.dma_semaphore, #tpu.memory_space<semaphore_mem>>
    tpu.wait_indirect_dma semaphore(%dma_wait3A_123 : memref<!tpu.dma_semaphore, #tpu.memory_space<semaphore_mem>>) src(%dma_wait3A_121 : memref<10000x128xf32, #tpu.memory_space<hbm>>) dst(%dma_wait3A_115 : memref<80x128xf32, #tpu.memory_space<vmem>>)
    %run_scoped3A_124 = arith.constant 0 : i32
    %run_scoped3A_125 = arith.constant 58 : i32
    "tpu.region"() ({
      %run_scoped3A_186 = tpu.sem_alloc : memref<!tpu.dma_semaphore, #tpu.memory_space<semaphore_mem>>
      %dma_start3A_187 = arith.constant 0 : i32
      %dma_start3A_188 = arith.constant 0 : i32
      %dma_start3A_189 = tpu.memref_slice %arg9[%run_scoped3A_124, %dma_start3A_187, %dma_start3A_188] : memref<2x80x128xf32, #tpu.memory_space<vmem>> -> memref<1x80x128xf32, #tpu.memory_space<vmem>>
      %dma_start3A_190 = tpu.memref_squeeze %dma_start3A_189 : memref<1x80x128xf32, #tpu.memory_space<vmem>> -> memref<80x128xf32, #tpu.memory_space<vmem>>
      %dma_start3A_191 = arith.constant 0 : i32
      %dma_start3A_192 = tpu.memref_slice %arg8[%run_scoped3A_125, %dma_start3A_191] : memref<64x80xi32, #tpu.memory_space<vmem>> -> memref<1x80xi32, #tpu.memory_space<vmem>>
      %dma_start3A_193 = tpu.memref_squeeze %dma_start3A_192 : memref<1x80xi32, #tpu.memory_space<vmem>> -> memref<80xi32, #tpu.memory_space<vmem>>
      %dma_start3A_194 = arith.constant 0 : i32
      %dma_start3A_195 = arith.constant 0 : i32
      %dma_start3A_196 = tpu.memref_slice %arg10[%dma_start3A_194, %dma_start3A_195] : memref<10000x128xf32, #tpu.memory_space<vmem_shared>> -> memref<10000x128xf32, #tpu.memory_space<vmem_shared>>
      tpu.enqueue_indirect_dma source(%dma_start3A_190 : memref<80x128xf32, #tpu.memory_space<vmem>>) target(%dma_start3A_196 : memref<10000x128xf32, #tpu.memory_space<vmem_shared>>) offsets(%dma_start3A_193 : memref<80xi32, #tpu.memory_space<vmem>>) semaphore(%run_scoped3A_186 : memref<!tpu.dma_semaphore, #tpu.memory_space<semaphore_mem>>) {add = true}
      %dma_wait3A_197 = arith.constant 0 : i32
      %dma_wait3A_198 = arith.constant 0 : i32
      %dma_wait3A_199 = tpu.memref_slice %arg9[%run_scoped3A_124, %dma_wait3A_197, %dma_wait3A_198] : memref<2x80x128xf32, #tpu.memory_space<vmem>> -> memref<1x80x128xf32, #tpu.memory_space<vmem>>
      %dma_wait3A_200 = tpu.memref_squeeze %dma_wait3A_199 : memref<1x80x128xf32, #tpu.memory_space<vmem>> -> memref<80x128xf32, #tpu.memory_space<vmem>>
      %dma_wait3A_201 = arith.constant 0 : i32
      %dma_wait3A_202 = tpu.memref_slice %arg8[%run_scoped3A_125, %dma_wait3A_201] : memref<64x80xi32, #tpu.memory_space<vmem>> -> memref<1x80xi32, #tpu.memory_space<vmem>>
      %dma_wait3A_203 = tpu.memref_squeeze %dma_wait3A_202 : memref<1x80xi32, #tpu.memory_space<vmem>> -> memref<80xi32, #tpu.memory_space<vmem>>
      %dma_wait3A_204 = arith.constant 0 : i32
      %dma_wait3A_205 = arith.constant 0 : i32
      %dma_wait3A_206 = tpu.memref_slice %arg10[%dma_wait3A_204, %dma_wait3A_205] : memref<10000x128xf32, #tpu.memory_space<vmem_shared>> -> memref<10000x128xf32, #tpu.memory_space<vmem_shared>>
      tpu.wait_indirect_dma semaphore(%run_scoped3A_186 : memref<!tpu.dma_semaphore, #tpu.memory_space<semaphore_mem>>) src(%dma_wait3A_200 : memref<80x128xf32, #tpu.memory_space<vmem>>) dst(%dma_wait3A_206 : memref<10000x128xf32, #tpu.memory_space<vmem_shared>>)
      tpu.yield
    }) : () -> ()
    %dma_start3A_126 = arith.constant 60 : i32
    %dma_start3A_127 = arith.constant 0 : i32
    %dma_start3A_128 = arith.constant 0 : i32
    %dma_start3A_129 = arith.constant 0 : i32
    %dma_start3A_130 = arith.constant 0 : i32
    %dma_start3A_131 = tpu.memref_slice %arg9[%dma_start3A_127, %dma_start3A_129, %dma_start3A_130] : memref<2x80x128xf32, #tpu.memory_space<vmem>> -> memref<1x80x128xf32, #tpu.memory_space<vmem>>
    %dma_start3A_132 = tpu.memref_squeeze %dma_start3A_131 : memref<1x80x128xf32, #tpu.memory_space<vmem>> -> memref<80x128xf32, #tpu.memory_space<vmem>>
    %dma_start3A_133 = arith.constant 0 : i32
    %dma_start3A_134 = tpu.memref_slice %arg7[%dma_start3A_126, %dma_start3A_133] : memref<64x80xi32, #tpu.memory_space<vmem>> -> memref<1x80xi32, #tpu.memory_space<vmem>>
    %dma_start3A_135 = tpu.memref_squeeze %dma_start3A_134 : memref<1x80xi32, #tpu.memory_space<vmem>> -> memref<80xi32, #tpu.memory_space<vmem>>
    %dma_start3A_136 = arith.constant 0 : i32
    %dma_start3A_137 = arith.constant 0 : i32
    %dma_start3A_138 = tpu.memref_slice %arg2[%dma_start3A_136, %dma_start3A_137] : memref<10000x128xf32, #tpu.memory_space<hbm>> -> memref<10000x128xf32, #tpu.memory_space<hbm>>
    %dma_start3A_139 = tpu.memref_slice %arg11[%dma_start3A_128] : memref<2x!tpu.dma_semaphore, #tpu.memory_space<semaphore_mem>> -> memref<1x!tpu.dma_semaphore, #tpu.memory_space<semaphore_mem>>
    %dma_start3A_140 = tpu.memref_squeeze %dma_start3A_139 : memref<1x!tpu.dma_semaphore, #tpu.memory_space<semaphore_mem>> -> memref<!tpu.dma_semaphore, #tpu.memory_space<semaphore_mem>>
    tpu.enqueue_indirect_dma source(%dma_start3A_138 : memref<10000x128xf32, #tpu.memory_space<hbm>>) target(%dma_start3A_132 : memref<80x128xf32, #tpu.memory_space<vmem>>) offsets(%dma_start3A_135 : memref<80xi32, #tpu.memory_space<vmem>>) semaphore(%dma_start3A_140 : memref<!tpu.dma_semaphore, #tpu.memory_space<semaphore_mem>>)
    %dma_wait3A_141 = arith.constant 59 : i32
    %dma_wait3A_142 = arith.constant 1 : i32
    %dma_wait3A_143 = arith.constant 1 : i32
    %dma_wait3A_144 = arith.constant 0 : i32
    %dma_wait3A_145 = arith.constant 0 : i32
    %dma_wait3A_146 = tpu.memref_slice %arg9[%dma_wait3A_142, %dma_wait3A_144, %dma_wait3A_145] : memref<2x80x128xf32, #tpu.memory_space<vmem>> -> memref<1x80x128xf32, #tpu.memory_space<vmem>>
    %dma_wait3A_147 = tpu.memref_squeeze %dma_wait3A_146 : memref<1x80x128xf32, #tpu.memory_space<vmem>> -> memref<80x128xf32, #tpu.memory_space<vmem>>
    %dma_wait3A_148 = arith.constant 0 : i32
    %dma_wait3A_149 = tpu.memref_slice %arg7[%dma_wait3A_141, %dma_wait3A_148] : memref<64x80xi32, #tpu.memory_space<vmem>> -> memref<1x80xi32, #tpu.memory_space<vmem>>
    %dma_wait3A_150 = tpu.memref_squeeze %dma_wait3A_149 : memref<1x80xi32, #tpu.memory_space<vmem>> -> memref<80xi32, #tpu.memory_space<vmem>>
    %dma_wait3A_151 = arith.constant 0 : i32
    %dma_wait3A_152 = arith.constant 0 : i32
    %dma_wait3A_153 = tpu.memref_slice %arg2[%dma_wait3A_151, %dma_wait3A_152] : memref<10000x128xf32, #tpu.memory_space<hbm>> -> memref<10000x128xf32, #tpu.memory_space<hbm>>
    %dma_wait3A_154 = tpu.memref_slice %arg11[%dma_wait3A_143] : memref<2x!tpu.dma_semaphore, #tpu.memory_space<semaphore_mem>> -> memref<1x!tpu.dma_semaphore, #tpu.memory_space<semaphore_mem>>
    %dma_wait3A_155 = tpu.memref_squeeze %dma_wait3A_154 : memref<1x!tpu.dma_semaphore, #tpu.memory_space<semaphore_mem>> -> memref<!tpu.dma_semaphore, #tpu.memory_space<semaphore_mem>>
    tpu.wait_indirect_dma semaphore(%dma_wait3A_155 : memref<!tpu.dma_semaphore, #tpu.memory_space<semaphore_mem>>) src(%dma_wait3A_153 : memref<10000x128xf32, #tpu.memory_space<hbm>>) dst(%dma_wait3A_147 : memref<80x128xf32, #tpu.memory_space<vmem>>)
    %run_scoped3A_156 = arith.constant 1 : i32
    %run_scoped3A_157 = arith.constant 59 : i32
    "tpu.region"() ({
      %run_scoped3A_186 = tpu.sem_alloc : memref<!tpu.dma_semaphore, #tpu.memory_space<semaphore_mem>>
      %dma_start3A_187 = arith.constant 0 : i32
      %dma_start3A_188 = arith.constant 0 : i32
      %dma_start3A_189 = tpu.memref_slice %arg9[%run_scoped3A_156, %dma_start3A_187, %dma_start3A_188] : memref<2x80x128xf32, #tpu.memory_space<vmem>> -> memref<1x80x128xf32, #tpu.memory_space<vmem>>
      %dma_start3A_190 = tpu.memref_squeeze %dma_start3A_189 : memref<1x80x128xf32, #tpu.memory_space<vmem>> -> memref<80x128xf32, #tpu.memory_space<vmem>>
      %dma_start3A_191 = arith.constant 0 : i32
      %dma_start3A_192 = tpu.memref_slice %arg8[%run_scoped3A_157, %dma_start3A_191] : memref<64x80xi32, #tpu.memory_space<vmem>> -> memref<1x80xi32, #tpu.memory_space<vmem>>
      %dma_start3A_193 = tpu.memref_squeeze %dma_start3A_192 : memref<1x80xi32, #tpu.memory_space<vmem>> -> memref<80xi32, #tpu.memory_space<vmem>>
      %dma_start3A_194 = arith.constant 0 : i32
      %dma_start3A_195 = arith.constant 0 : i32
      %dma_start3A_196 = tpu.memref_slice %arg10[%dma_start3A_194, %dma_start3A_195] : memref<10000x128xf32, #tpu.memory_space<vmem_shared>> -> memref<10000x128xf32, #tpu.memory_space<vmem_shared>>
      tpu.enqueue_indirect_dma source(%dma_start3A_190 : memref<80x128xf32, #tpu.memory_space<vmem>>) target(%dma_start3A_196 : memref<10000x128xf32, #tpu.memory_space<vmem_shared>>) offsets(%dma_start3A_193 : memref<80xi32, #tpu.memory_space<vmem>>) semaphore(%run_scoped3A_186 : memref<!tpu.dma_semaphore, #tpu.memory_space<semaphore_mem>>) {add = true}
      %dma_wait3A_197 = arith.constant 0 : i32
      %dma_wait3A_198 = arith.constant 0 : i32
      %dma_wait3A_199 = tpu.memref_slice %arg9[%run_scoped3A_156, %dma_wait3A_197, %dma_wait3A_198] : memref<2x80x128xf32, #tpu.memory_space<vmem>> -> memref<1x80x128xf32, #tpu.memory_space<vmem>>
      %dma_wait3A_200 = tpu.memref_squeeze %dma_wait3A_199 : memref<1x80x128xf32, #tpu.memory_space<vmem>> -> memref<80x128xf32, #tpu.memory_space<vmem>>
      %dma_wait3A_201 = arith.constant 0 : i32
      %dma_wait3A_202 = tpu.memref_slice %arg8[%run_scoped3A_157, %dma_wait3A_201] : memref<64x80xi32, #tpu.memory_space<vmem>> -> memref<1x80xi32, #tpu.memory_space<vmem>>
      %dma_wait3A_203 = tpu.memref_squeeze %dma_wait3A_202 : memref<1x80xi32, #tpu.memory_space<vmem>> -> memref<80xi32, #tpu.memory_space<vmem>>
      %dma_wait3A_204 = arith.constant 0 : i32
      %dma_wait3A_205 = arith.constant 0 : i32
      %dma_wait3A_206 = tpu.memref_slice %arg10[%dma_wait3A_204, %dma_wait3A_205] : memref<10000x128xf32, #tpu.memory_space<vmem_shared>> -> memref<10000x128xf32, #tpu.memory_space<vmem_shared>>
      tpu.wait_indirect_dma semaphore(%run_scoped3A_186 : memref<!tpu.dma_semaphore, #tpu.memory_space<semaphore_mem>>) src(%dma_wait3A_200 : memref<80x128xf32, #tpu.memory_space<vmem>>) dst(%dma_wait3A_206 : memref<10000x128xf32, #tpu.memory_space<vmem_shared>>)
      tpu.yield
    }) : () -> ()
    %dma_wait3A_158 = arith.constant 60 : i32
    %dma_wait3A_159 = arith.constant 0 : i32
    %dma_wait3A_160 = arith.constant 0 : i32
    %dma_wait3A_161 = arith.constant 0 : i32
    %dma_wait3A_162 = arith.constant 0 : i32
    %dma_wait3A_163 = tpu.memref_slice %arg9[%dma_wait3A_159, %dma_wait3A_161, %dma_wait3A_162] : memref<2x80x128xf32, #tpu.memory_space<vmem>> -> memref<1x80x128xf32, #tpu.memory_space<vmem>>
    %dma_wait3A_164 = tpu.memref_squeeze %dma_wait3A_163 : memref<1x80x128xf32, #tpu.memory_space<vmem>> -> memref<80x128xf32, #tpu.memory_space<vmem>>
    %dma_wait3A_165 = arith.constant 0 : i32
    %dma_wait3A_166 = tpu.memref_slice %arg7[%dma_wait3A_158, %dma_wait3A_165] : memref<64x80xi32, #tpu.memory_space<vmem>> -> memref<1x80xi32, #tpu.memory_space<vmem>>
    %dma_wait3A_167 = tpu.memref_squeeze %dma_wait3A_166 : memref<1x80xi32, #tpu.memory_space<vmem>> -> memref<80xi32, #tpu.memory_space<vmem>>
    %dma_wait3A_168 = arith.constant 0 : i32
    %dma_wait3A_169 = arith.constant 0 : i32
    %dma_wait3A_170 = tpu.memref_slice %arg2[%dma_wait3A_168, %dma_wait3A_169] : memref<10000x128xf32, #tpu.memory_space<hbm>> -> memref<10000x128xf32, #tpu.memory_space<hbm>>
    %dma_wait3A_171 = tpu.memref_slice %arg11[%dma_wait3A_160] : memref<2x!tpu.dma_semaphore, #tpu.memory_space<semaphore_mem>> -> memref<1x!tpu.dma_semaphore, #tpu.memory_space<semaphore_mem>>
    %dma_wait3A_172 = tpu.memref_squeeze %dma_wait3A_171 : memref<1x!tpu.dma_semaphore, #tpu.memory_space<semaphore_mem>> -> memref<!tpu.dma_semaphore, #tpu.memory_space<semaphore_mem>>
    tpu.wait_indirect_dma semaphore(%dma_wait3A_172 : memref<!tpu.dma_semaphore, #tpu.memory_space<semaphore_mem>>) src(%dma_wait3A_170 : memref<10000x128xf32, #tpu.memory_space<hbm>>) dst(%dma_wait3A_164 : memref<80x128xf32, #tpu.memory_space<vmem>>)
    %run_scoped3A_173 = arith.constant 0 : i32
    %run_scoped3A_174 = arith.constant 60 : i32
    "tpu.region"() ({
      %run_scoped3A_186 = tpu.sem_alloc : memref<!tpu.dma_semaphore, #tpu.memory_space<semaphore_mem>>
      %dma_start3A_187 = arith.constant 0 : i32
      %dma_start3A_188 = arith.constant 0 : i32
      %dma_start3A_189 = tpu.memref_slice %arg9[%run_scoped3A_173, %dma_start3A_187, %dma_start3A_188] : memref<2x80x128xf32, #tpu.memory_space<vmem>> -> memref<1x80x128xf32, #tpu.memory_space<vmem>>
      %dma_start3A_190 = tpu.memref_squeeze %dma_start3A_189 : memref<1x80x128xf32, #tpu.memory_space<vmem>> -> memref<80x128xf32, #tpu.memory_space<vmem>>
      %dma_start3A_191 = arith.constant 0 : i32
      %dma_start3A_192 = tpu.memref_slice %arg8[%run_scoped3A_174, %dma_start3A_191] : memref<64x80xi32, #tpu.memory_space<vmem>> -> memref<1x80xi32, #tpu.memory_space<vmem>>
      %dma_start3A_193 = tpu.memref_squeeze %dma_start3A_192 : memref<1x80xi32, #tpu.memory_space<vmem>> -> memref<80xi32, #tpu.memory_space<vmem>>
      %dma_start3A_194 = arith.constant 0 : i32
      %dma_start3A_195 = arith.constant 0 : i32
      %dma_start3A_196 = tpu.memref_slice %arg10[%dma_start3A_194, %dma_start3A_195] : memref<10000x128xf32, #tpu.memory_space<vmem_shared>> -> memref<10000x128xf32, #tpu.memory_space<vmem_shared>>
      tpu.enqueue_indirect_dma source(%dma_start3A_190 : memref<80x128xf32, #tpu.memory_space<vmem>>) target(%dma_start3A_196 : memref<10000x128xf32, #tpu.memory_space<vmem_shared>>) offsets(%dma_start3A_193 : memref<80xi32, #tpu.memory_space<vmem>>) semaphore(%run_scoped3A_186 : memref<!tpu.dma_semaphore, #tpu.memory_space<semaphore_mem>>) {add = true}
      %dma_wait3A_197 = arith.constant 0 : i32
      %dma_wait3A_198 = arith.constant 0 : i32
      %dma_wait3A_199 = tpu.memref_slice %arg9[%run_scoped3A_173, %dma_wait3A_197, %dma_wait3A_198] : memref<2x80x128xf32, #tpu.memory_space<vmem>> -> memref<1x80x128xf32, #tpu.memory_space<vmem>>
      %dma_wait3A_200 = tpu.memref_squeeze %dma_wait3A_199 : memref<1x80x128xf32, #tpu.memory_space<vmem>> -> memref<80x128xf32, #tpu.memory_space<vmem>>
      %dma_wait3A_201 = arith.constant 0 : i32
      %dma_wait3A_202 = tpu.memref_slice %arg8[%run_scoped3A_174, %dma_wait3A_201] : memref<64x80xi32, #tpu.memory_space<vmem>> -> memref<1x80xi32, #tpu.memory_space<vmem>>
      %dma_wait3A_203 = tpu.memref_squeeze %dma_wait3A_202 : memref<1x80xi32, #tpu.memory_space<vmem>> -> memref<80xi32, #tpu.memory_space<vmem>>
      %dma_wait3A_204 = arith.constant 0 : i32
      %dma_wait3A_205 = arith.constant 0 : i32
      %dma_wait3A_206 = tpu.memref_slice %arg10[%dma_wait3A_204, %dma_wait3A_205] : memref<10000x128xf32, #tpu.memory_space<vmem_shared>> -> memref<10000x128xf32, #tpu.memory_space<vmem_shared>>
      tpu.wait_indirect_dma semaphore(%run_scoped3A_186 : memref<!tpu.dma_semaphore, #tpu.memory_space<semaphore_mem>>) src(%dma_wait3A_200 : memref<80x128xf32, #tpu.memory_space<vmem>>) dst(%dma_wait3A_206 : memref<10000x128xf32, #tpu.memory_space<vmem_shared>>)
      tpu.yield
    }) : () -> ()
    %barrier3A_175 = arith.constant 0 : index
    tpu.barrier barrier_id(%barrier3A_175)
    %lt3A_176 = arith.constant 15 : i32
    %lt3A_177 = arith.cmpi slt, %arg1, %lt3A_176 : i32
    %convert_element_type3A_178 = arith.extui %lt3A_177 : i1 to i32
    %cond3A_179 = arith.constant 0 : i32
    %cond3A_180 = arith.cmpi ne, %convert_element_type3A_178, %cond3A_179 : i32
    scf.if %cond3A_180 {
      %mul3A_186 = arith.constant 640 : i32
      %mul3A_187 = arith.muli %arg1, %mul3A_186 : i32
      %mul3A_188 = arith.constant 640 : i32
      %mul3A_189 = arith.muli %arg1, %mul3A_188 : i32
      "tpu.region"() ({
        %run_scoped3A_190 = tpu.sem_alloc : memref<!tpu.dma_semaphore, #tpu.memory_space<semaphore_mem>>
        %dma_start3A_191 = arith.constant 0 : i32
        %dma_start3A_192 = tpu.memref_slice %arg6[%arg0, %mul3A_189, %dma_start3A_191] : memref<2x10000x128xf32, #tpu.memory_space<hbm>> -> memref<1x640x128xf32, #tpu.memory_space<hbm>>
        %dma_start3A_193 = tpu.memref_squeeze %dma_start3A_192 : memref<1x640x128xf32, #tpu.memory_space<hbm>> -> memref<640x128xf32, #tpu.memory_space<hbm>>
        %dma_start3A_194 = arith.constant 0 : i32
        %dma_start3A_195 = tpu.memref_slice %arg10[%mul3A_187, %dma_start3A_194] : memref<10000x128xf32, #tpu.memory_space<vmem_shared>> -> memref<640x128xf32, #tpu.memory_space<vmem_shared>>
        tpu.enqueue_dma source(%dma_start3A_195 : memref<640x128xf32, #tpu.memory_space<vmem_shared>>) target(%dma_start3A_193 : memref<640x128xf32, #tpu.memory_space<hbm>>) target_semaphore(%run_scoped3A_190 : memref<!tpu.dma_semaphore, #tpu.memory_space<semaphore_mem>>)
        %dma_wait3A_196 = arith.constant 0 : i32
        %dma_wait3A_197 = tpu.memref_slice %arg6[%arg0, %mul3A_189, %dma_wait3A_196] : memref<2x10000x128xf32, #tpu.memory_space<hbm>> -> memref<1x640x128xf32, #tpu.memory_space<hbm>>
        %dma_wait3A_198 = tpu.memref_squeeze %dma_wait3A_197 : memref<1x640x128xf32, #tpu.memory_space<hbm>> -> memref<640x128xf32, #tpu.memory_space<hbm>>
        %dma_wait3A_199 = arith.constant 0 : i32
        %dma_wait3A_200 = tpu.memref_slice %arg10[%mul3A_187, %dma_wait3A_199] : memref<10000x128xf32, #tpu.memory_space<vmem_shared>> -> memref<640x128xf32, #tpu.memory_space<vmem_shared>>
        tpu.wait_dma2 semaphore(%run_scoped3A_190 : memref<!tpu.dma_semaphore, #tpu.memory_space<semaphore_mem>>) src(%dma_wait3A_200 : memref<640x128xf32, #tpu.memory_space<vmem_shared>>) dst(%dma_wait3A_198 : memref<640x128xf32, #tpu.memory_space<hbm>>)
        tpu.yield
      }) : () -> ()
    } else {
    }
    %eq3A_181 = arith.constant 15 : i32
    %eq3A_182 = arith.cmpi eq, %arg1, %eq3A_181 : i32
    %convert_element_type3A_183 = arith.extui %eq3A_182 : i1 to i32
    %cond3A_184 = arith.constant 0 : i32
    %cond3A_185 = arith.cmpi ne, %convert_element_type3A_183, %cond3A_184 : i32
    scf.if %cond3A_185 {
      "tpu.region"() ({
        %run_scoped3A_186 = tpu.sem_alloc : memref<!tpu.dma_semaphore, #tpu.memory_space<semaphore_mem>>
        %dma_start3A_187 = arith.constant 9600 : i32
        %dma_start3A_188 = arith.constant 0 : i32
        %dma_start3A_189 = tpu.memref_slice %arg6[%arg0, %dma_start3A_187, %dma_start3A_188] : memref<2x10000x128xf32, #tpu.memory_space<hbm>> -> memref<1x400x128xf32, #tpu.memory_space<hbm>>
        %dma_start3A_190 = tpu.memref_squeeze %dma_start3A_189 : memref<1x400x128xf32, #tpu.memory_space<hbm>> -> memref<400x128xf32, #tpu.memory_space<hbm>>
        %dma_start3A_191 = arith.constant 9600 : i32
        %dma_start3A_192 = arith.constant 0 : i32
        %dma_start3A_193 = tpu.memref_slice %arg10[%dma_start3A_191, %dma_start3A_192] : memref<10000x128xf32, #tpu.memory_space<vmem_shared>> -> memref<400x128xf32, #tpu.memory_space<vmem_shared>>
        tpu.enqueue_dma source(%dma_start3A_193 : memref<400x128xf32, #tpu.memory_space<vmem_shared>>) target(%dma_start3A_190 : memref<400x128xf32, #tpu.memory_space<hbm>>) target_semaphore(%run_scoped3A_186 : memref<!tpu.dma_semaphore, #tpu.memory_space<semaphore_mem>>)
        %dma_wait3A_194 = arith.constant 9600 : i32
        %dma_wait3A_195 = arith.constant 0 : i32
        %dma_wait3A_196 = tpu.memref_slice %arg6[%arg0, %dma_wait3A_194, %dma_wait3A_195] : memref<2x10000x128xf32, #tpu.memory_space<hbm>> -> memref<1x400x128xf32, #tpu.memory_space<hbm>>
        %dma_wait3A_197 = tpu.memref_squeeze %dma_wait3A_196 : memref<1x400x128xf32, #tpu.memory_space<hbm>> -> memref<400x128xf32, #tpu.memory_space<hbm>>
        %dma_wait3A_198 = arith.constant 9600 : i32
        %dma_wait3A_199 = arith.constant 0 : i32
        %dma_wait3A_200 = tpu.memref_slice %arg10[%dma_wait3A_198, %dma_wait3A_199] : memref<10000x128xf32, #tpu.memory_space<vmem_shared>> -> memref<400x128xf32, #tpu.memory_space<vmem_shared>>
        tpu.wait_dma2 semaphore(%run_scoped3A_186 : memref<!tpu.dma_semaphore, #tpu.memory_space<semaphore_mem>>) src(%dma_wait3A_200 : memref<400x128xf32, #tpu.memory_space<vmem_shared>>) dst(%dma_wait3A_197 : memref<400x128xf32, #tpu.memory_space<hbm>>)
        tpu.yield
      }) : () -> ()
    } else {
    }
    return
  }
}

module attributes {stable_mosaic.version = 14 : i64} {
  func.func @_dense1_body(%arg0: memref<10000x128xf32, #tpu.memory_space<vmem>>, %arg1: memref<2x10000x128xf32, #tpu.memory_space<vmem>>, %arg2: memref<128x128xf32, #tpu.memory_space<vmem>>, %arg3: memref<1x128xf32, #tpu.memory_space<vmem>>, %arg4: memref<1x1xf32, #tpu.memory_space<vmem>>, %arg5: memref<1x128xf32, #tpu.memory_space<vmem>>, %arg6: memref<1x128xf32, #tpu.memory_space<vmem>>, %arg7: memref<1x128xf32, #tpu.memory_space<vmem>>, %arg8: memref<1x128xf32, #tpu.memory_space<vmem>>, %arg9: memref<10000x128xf32, #tpu.memory_space<vmem>>) attributes {dimension_semantics = [], scalar_prefetch = 0 : i64, scratch_operands = 0 : i64, tpu.core_type = #tpu.core_type<tc>} {
    %get3A = arith.constant 0 : index
    %get3A_0 = arith.constant 0 : index
    %get3A_1 = arith.constant 0 : index
    %get3A_2 = vector.load %arg1[%get3A, %get3A_0, %get3A_1] : memref<2x10000x128xf32, #tpu.memory_space<vmem>>, vector<1x10000x128xf32>
    %get3A_3 = vector.shape_cast %get3A_2 : vector<1x10000x128xf32> to vector<10000x128xf32>
    %get3A_4 = arith.constant 1 : index
    %get3A_5 = arith.constant 0 : index
    %get3A_6 = arith.constant 0 : index
    %get3A_7 = vector.load %arg1[%get3A_4, %get3A_5, %get3A_6] : memref<2x10000x128xf32, #tpu.memory_space<vmem>>, vector<1x10000x128xf32>
    %get3A_8 = vector.shape_cast %get3A_7 : vector<1x10000x128xf32> to vector<10000x128xf32>
    %add3A = arith.addf %get3A_3, %get3A_8 : vector<10000x128xf32>
    %get3A_9 = arith.constant 0 : index
    %get3A_10 = arith.constant 0 : index
    %get3A_11 = vector.load %arg4[%get3A_9, %get3A_10] : memref<1x1xf32, #tpu.memory_space<vmem>>, vector<1x1xf32>
    %get3A_12 = vector.extract %get3A_11[0, 0] : f32 from vector<1x1xf32>
    %add3A_13 = arith.constant 1.000000e+00 : f32
    %add3A_14 = arith.addf %add3A_13, %get3A_12 : f32
    %get3A_15 = arith.constant 0 : index
    %get3A_16 = arith.constant 0 : index
    %get3A_17 = vector.load %arg0[%get3A_15, %get3A_16] : memref<10000x128xf32, #tpu.memory_space<vmem>>, vector<10000x128xf32>
    %mul3A = vector.broadcast %add3A_14 : f32 to vector<10000x128xf32>
    %mul3A_18 = arith.mulf %mul3A, %get3A_17 : vector<10000x128xf32>
    %add3A_19 = arith.addf %mul3A_18, %add3A : vector<10000x128xf32>
    %get3A_20 = arith.constant 0 : index
    %get3A_21 = arith.constant 0 : index
    %get3A_22 = vector.load %arg2[%get3A_20, %get3A_21] : memref<128x128xf32, #tpu.memory_space<vmem>>, vector<128x128xf32>
    %dot_general3A = arith.constant dense<0.000000e+00> : vector<10000x128xf32>
    %dot_general3A_23 = tpu.matmul %add3A_19, %get3A_22, %dot_general3A {dimension_numbers = #tpu.dot_dimension_numbers<[1], [0], [0], [1], [0, 0, 1, 1], [], []>, transpose_lhs_hint = false} : vector<10000x128xf32>, vector<128x128xf32>, vector<10000x128xf32> -> vector<10000x128xf32>
    %get3A_24 = arith.constant 0 : index
    %get3A_25 = arith.constant 0 : index
    %get3A_26 = vector.load %arg3[%get3A_24, %get3A_25] : memref<1x128xf32, #tpu.memory_space<vmem>>, vector<1x128xf32>
    %add3A_27 = vector.broadcast %get3A_26 : vector<1x128xf32> to vector<10000x128xf32>
    %add3A_28 = arith.addf %dot_general3A_23, %add3A_27 : vector<10000x128xf32>
    %get3A_29 = arith.constant 0 : index
    %get3A_30 = arith.constant 0 : index
    %get3A_31 = vector.load %arg5[%get3A_29, %get3A_30] : memref<1x128xf32, #tpu.memory_space<vmem>>, vector<1x128xf32>
    %get3A_32 = arith.constant 0 : index
    %get3A_33 = arith.constant 0 : index
    %get3A_34 = vector.load %arg6[%get3A_32, %get3A_33] : memref<1x128xf32, #tpu.memory_space<vmem>>, vector<1x128xf32>
    %reduce_sum3A = arith.constant dense<0.000000e+00> : vector<128xf32>
    %reduce_sum3A_35 = vector.multi_reduction <add>, %add3A_28, %reduce_sum3A [0] : vector<10000x128xf32> to vector<128xf32>
    %broadcast_in_dim3A = vector.shape_cast %reduce_sum3A_35 : vector<128xf32> to vector<1x128xf32>
    %div3A = arith.constant 1.000000e+04 : f32
    %div3A_36 = vector.broadcast %div3A : f32 to vector<1x128xf32>
    %div3A_37 = arith.divf %broadcast_in_dim3A, %div3A_36 : vector<1x128xf32>
    %sub3A = vector.broadcast %div3A_37 : vector<1x128xf32> to vector<10000x128xf32>
    %sub3A_38 = arith.subf %add3A_28, %sub3A : vector<10000x128xf32>
    %mul3A_39 = arith.mulf %sub3A_38, %sub3A_38 : vector<10000x128xf32>
    %reduce_sum3A_40 = arith.constant dense<0.000000e+00> : vector<128xf32>
    %reduce_sum3A_41 = vector.multi_reduction <add>, %mul3A_39, %reduce_sum3A_40 [0] : vector<10000x128xf32> to vector<128xf32>
    %broadcast_in_dim3A_42 = vector.shape_cast %reduce_sum3A_41 : vector<128xf32> to vector<1x128xf32>
    %div3A_43 = arith.constant 1.000000e+04 : f32
    %div3A_44 = vector.broadcast %div3A_43 : f32 to vector<1x128xf32>
    %div3A_45 = arith.divf %broadcast_in_dim3A_42, %div3A_44 : vector<1x128xf32>
    %add3A_46 = arith.constant 9.99999974E-6 : f32
    %add3A_47 = vector.broadcast %add3A_46 : f32 to vector<1x128xf32>
    %add3A_48 = arith.addf %div3A_45, %add3A_47 : vector<1x128xf32>
    %rsqrt3A = math.rsqrt %add3A_48 : vector<1x128xf32>
    %mul3A_49 = vector.broadcast %rsqrt3A : vector<1x128xf32> to vector<10000x128xf32>
    %mul3A_50 = arith.mulf %sub3A_38, %mul3A_49 : vector<10000x128xf32>
    %mul3A_51 = vector.broadcast %get3A_31 : vector<1x128xf32> to vector<10000x128xf32>
    %mul3A_52 = arith.mulf %mul3A_50, %mul3A_51 : vector<10000x128xf32>
    %add3A_53 = vector.broadcast %get3A_34 : vector<1x128xf32> to vector<10000x128xf32>
    %add3A_54 = arith.addf %mul3A_52, %add3A_53 : vector<10000x128xf32>
    %max3A = arith.constant 0.000000e+00 : f32
    %max3A_55 = vector.broadcast %max3A : f32 to vector<10000x128xf32>
    %max3A_56 = arith.maximumf %add3A_54, %max3A_55 : vector<10000x128xf32>
    %get3A_57 = arith.constant 0 : index
    %get3A_58 = arith.constant 0 : index
    %get3A_59 = vector.load %arg7[%get3A_57, %get3A_58] : memref<1x128xf32, #tpu.memory_space<vmem>>, vector<1x128xf32>
    %get3A_60 = arith.constant 0 : index
    %get3A_61 = arith.constant 0 : index
    %get3A_62 = vector.load %arg8[%get3A_60, %get3A_61] : memref<1x128xf32, #tpu.memory_space<vmem>>, vector<1x128xf32>
    %reduce_sum3A_63 = arith.constant dense<0.000000e+00> : vector<128xf32>
    %reduce_sum3A_64 = vector.multi_reduction <add>, %max3A_56, %reduce_sum3A_63 [0] : vector<10000x128xf32> to vector<128xf32>
    %broadcast_in_dim3A_65 = vector.shape_cast %reduce_sum3A_64 : vector<128xf32> to vector<1x128xf32>
    %div3A_66 = arith.constant 1.000000e+04 : f32
    %div3A_67 = vector.broadcast %div3A_66 : f32 to vector<1x128xf32>
    %div3A_68 = arith.divf %broadcast_in_dim3A_65, %div3A_67 : vector<1x128xf32>
    %sub3A_69 = vector.broadcast %div3A_68 : vector<1x128xf32> to vector<10000x128xf32>
    %sub3A_70 = arith.subf %max3A_56, %sub3A_69 : vector<10000x128xf32>
    %mul3A_71 = arith.mulf %sub3A_70, %sub3A_70 : vector<10000x128xf32>
    %reduce_sum3A_72 = arith.constant dense<0.000000e+00> : vector<128xf32>
    %reduce_sum3A_73 = vector.multi_reduction <add>, %mul3A_71, %reduce_sum3A_72 [0] : vector<10000x128xf32> to vector<128xf32>
    %broadcast_in_dim3A_74 = vector.shape_cast %reduce_sum3A_73 : vector<128xf32> to vector<1x128xf32>
    %div3A_75 = arith.constant 1.000000e+04 : f32
    %div3A_76 = vector.broadcast %div3A_75 : f32 to vector<1x128xf32>
    %div3A_77 = arith.divf %broadcast_in_dim3A_74, %div3A_76 : vector<1x128xf32>
    %add3A_78 = arith.constant 9.99999974E-6 : f32
    %add3A_79 = vector.broadcast %add3A_78 : f32 to vector<1x128xf32>
    %add3A_80 = arith.addf %div3A_77, %add3A_79 : vector<1x128xf32>
    %rsqrt3A_81 = math.rsqrt %add3A_80 : vector<1x128xf32>
    %mul3A_82 = vector.broadcast %rsqrt3A_81 : vector<1x128xf32> to vector<10000x128xf32>
    %mul3A_83 = arith.mulf %sub3A_70, %mul3A_82 : vector<10000x128xf32>
    %mul3A_84 = vector.broadcast %get3A_59 : vector<1x128xf32> to vector<10000x128xf32>
    %mul3A_85 = arith.mulf %mul3A_83, %mul3A_84 : vector<10000x128xf32>
    %add3A_86 = vector.broadcast %get3A_62 : vector<1x128xf32> to vector<10000x128xf32>
    %add3A_87 = arith.addf %mul3A_85, %add3A_86 : vector<10000x128xf32>
    %max3A_88 = arith.constant 0.000000e+00 : f32
    %max3A_89 = vector.broadcast %max3A_88 : f32 to vector<10000x128xf32>
    %max3A_90 = arith.maximumf %add3A_87, %max3A_89 : vector<10000x128xf32>
    %swap3A = arith.constant 0 : index
    %swap3A_91 = arith.constant 0 : index
    %swap3A_92 = vector.load %arg9[%swap3A, %swap3A_91] : memref<10000x128xf32, #tpu.memory_space<vmem>>, vector<10000x128xf32>
    tpu.vector_store %arg9[%swap3A, %swap3A_91], %max3A_90 {strides = array<i32>} : memref<10000x128xf32, #tpu.memory_space<vmem>>, vector<10000x128xf32>,
    return
  }
}

module attributes {stable_mosaic.version = 14 : i64} {
  func.func @_dense2_body(%arg0: memref<10000x128xf32, #tpu.memory_space<vmem>>, %arg1: memref<2x10000x128xf32, #tpu.memory_space<vmem>>, %arg2: memref<128x128xf32, #tpu.memory_space<vmem>>, %arg3: memref<1x128xf32, #tpu.memory_space<vmem>>, %arg4: memref<1x1xf32, #tpu.memory_space<vmem>>, %arg5: memref<1x128xf32, #tpu.memory_space<vmem>>, %arg6: memref<1x128xf32, #tpu.memory_space<vmem>>, %arg7: memref<1x128xf32, #tpu.memory_space<vmem>>, %arg8: memref<1x128xf32, #tpu.memory_space<vmem>>, %arg9: memref<128x1xf32, #tpu.memory_space<vmem>>, %arg10: memref<1x1xf32, #tpu.memory_space<vmem>>, %arg11: memref<10000x1xf32, #tpu.memory_space<vmem>>) attributes {dimension_semantics = [], scalar_prefetch = 0 : i64, scratch_operands = 0 : i64, tpu.core_type = #tpu.core_type<tc>} {
    %get3A = arith.constant 0 : index
    %get3A_0 = arith.constant 0 : index
    %get3A_1 = arith.constant 0 : index
    %get3A_2 = vector.load %arg1[%get3A, %get3A_0, %get3A_1] : memref<2x10000x128xf32, #tpu.memory_space<vmem>>, vector<1x10000x128xf32>
    %get3A_3 = vector.shape_cast %get3A_2 : vector<1x10000x128xf32> to vector<10000x128xf32>
    %get3A_4 = arith.constant 1 : index
    %get3A_5 = arith.constant 0 : index
    %get3A_6 = arith.constant 0 : index
    %get3A_7 = vector.load %arg1[%get3A_4, %get3A_5, %get3A_6] : memref<2x10000x128xf32, #tpu.memory_space<vmem>>, vector<1x10000x128xf32>
    %get3A_8 = vector.shape_cast %get3A_7 : vector<1x10000x128xf32> to vector<10000x128xf32>
    %add3A = arith.addf %get3A_3, %get3A_8 : vector<10000x128xf32>
    %get3A_9 = arith.constant 0 : index
    %get3A_10 = arith.constant 0 : index
    %get3A_11 = vector.load %arg4[%get3A_9, %get3A_10] : memref<1x1xf32, #tpu.memory_space<vmem>>, vector<1x1xf32>
    %get3A_12 = vector.extract %get3A_11[0, 0] : f32 from vector<1x1xf32>
    %add3A_13 = arith.constant 1.000000e+00 : f32
    %add3A_14 = arith.addf %add3A_13, %get3A_12 : f32
    %get3A_15 = arith.constant 0 : index
    %get3A_16 = arith.constant 0 : index
    %get3A_17 = vector.load %arg0[%get3A_15, %get3A_16] : memref<10000x128xf32, #tpu.memory_space<vmem>>, vector<10000x128xf32>
    %mul3A = vector.broadcast %add3A_14 : f32 to vector<10000x128xf32>
    %mul3A_18 = arith.mulf %mul3A, %get3A_17 : vector<10000x128xf32>
    %add3A_19 = arith.addf %mul3A_18, %add3A : vector<10000x128xf32>
    %get3A_20 = arith.constant 0 : index
    %get3A_21 = arith.constant 0 : index
    %get3A_22 = vector.load %arg2[%get3A_20, %get3A_21] : memref<128x128xf32, #tpu.memory_space<vmem>>, vector<128x128xf32>
    %dot_general3A = arith.constant dense<0.000000e+00> : vector<10000x128xf32>
    %dot_general3A_23 = tpu.matmul %add3A_19, %get3A_22, %dot_general3A {dimension_numbers = #tpu.dot_dimension_numbers<[1], [0], [0], [1], [0, 0, 1, 1], [], []>, transpose_lhs_hint = false} : vector<10000x128xf32>, vector<128x128xf32>, vector<10000x128xf32> -> vector<10000x128xf32>
    %get3A_24 = arith.constant 0 : index
    %get3A_25 = arith.constant 0 : index
    %get3A_26 = vector.load %arg3[%get3A_24, %get3A_25] : memref<1x128xf32, #tpu.memory_space<vmem>>, vector<1x128xf32>
    %add3A_27 = vector.broadcast %get3A_26 : vector<1x128xf32> to vector<10000x128xf32>
    %add3A_28 = arith.addf %dot_general3A_23, %add3A_27 : vector<10000x128xf32>
    %get3A_29 = arith.constant 0 : index
    %get3A_30 = arith.constant 0 : index
    %get3A_31 = vector.load %arg5[%get3A_29, %get3A_30] : memref<1x128xf32, #tpu.memory_space<vmem>>, vector<1x128xf32>
    %get3A_32 = arith.constant 0 : index
    %get3A_33 = arith.constant 0 : index
    %get3A_34 = vector.load %arg6[%get3A_32, %get3A_33] : memref<1x128xf32, #tpu.memory_space<vmem>>, vector<1x128xf32>
    %reduce_sum3A = arith.constant dense<0.000000e+00> : vector<128xf32>
    %reduce_sum3A_35 = vector.multi_reduction <add>, %add3A_28, %reduce_sum3A [0] : vector<10000x128xf32> to vector<128xf32>
    %broadcast_in_dim3A = vector.shape_cast %reduce_sum3A_35 : vector<128xf32> to vector<1x128xf32>
    %div3A = arith.constant 1.000000e+04 : f32
    %div3A_36 = vector.broadcast %div3A : f32 to vector<1x128xf32>
    %div3A_37 = arith.divf %broadcast_in_dim3A, %div3A_36 : vector<1x128xf32>
    %sub3A = vector.broadcast %div3A_37 : vector<1x128xf32> to vector<10000x128xf32>
    %sub3A_38 = arith.subf %add3A_28, %sub3A : vector<10000x128xf32>
    %mul3A_39 = arith.mulf %sub3A_38, %sub3A_38 : vector<10000x128xf32>
    %reduce_sum3A_40 = arith.constant dense<0.000000e+00> : vector<128xf32>
    %reduce_sum3A_41 = vector.multi_reduction <add>, %mul3A_39, %reduce_sum3A_40 [0] : vector<10000x128xf32> to vector<128xf32>
    %broadcast_in_dim3A_42 = vector.shape_cast %reduce_sum3A_41 : vector<128xf32> to vector<1x128xf32>
    %div3A_43 = arith.constant 1.000000e+04 : f32
    %div3A_44 = vector.broadcast %div3A_43 : f32 to vector<1x128xf32>
    %div3A_45 = arith.divf %broadcast_in_dim3A_42, %div3A_44 : vector<1x128xf32>
    %add3A_46 = arith.constant 9.99999974E-6 : f32
    %add3A_47 = vector.broadcast %add3A_46 : f32 to vector<1x128xf32>
    %add3A_48 = arith.addf %div3A_45, %add3A_47 : vector<1x128xf32>
    %rsqrt3A = math.rsqrt %add3A_48 : vector<1x128xf32>
    %mul3A_49 = vector.broadcast %rsqrt3A : vector<1x128xf32> to vector<10000x128xf32>
    %mul3A_50 = arith.mulf %sub3A_38, %mul3A_49 : vector<10000x128xf32>
    %mul3A_51 = vector.broadcast %get3A_31 : vector<1x128xf32> to vector<10000x128xf32>
    %mul3A_52 = arith.mulf %mul3A_50, %mul3A_51 : vector<10000x128xf32>
    %add3A_53 = vector.broadcast %get3A_34 : vector<1x128xf32> to vector<10000x128xf32>
    %add3A_54 = arith.addf %mul3A_52, %add3A_53 : vector<10000x128xf32>
    %max3A = arith.constant 0.000000e+00 : f32
    %max3A_55 = vector.broadcast %max3A : f32 to vector<10000x128xf32>
    %max3A_56 = arith.maximumf %add3A_54, %max3A_55 : vector<10000x128xf32>
    %get3A_57 = arith.constant 0 : index
    %get3A_58 = arith.constant 0 : index
    %get3A_59 = vector.load %arg7[%get3A_57, %get3A_58] : memref<1x128xf32, #tpu.memory_space<vmem>>, vector<1x128xf32>
    %get3A_60 = arith.constant 0 : index
    %get3A_61 = arith.constant 0 : index
    %get3A_62 = vector.load %arg8[%get3A_60, %get3A_61] : memref<1x128xf32, #tpu.memory_space<vmem>>, vector<1x128xf32>
    %reduce_sum3A_63 = arith.constant dense<0.000000e+00> : vector<128xf32>
    %reduce_sum3A_64 = vector.multi_reduction <add>, %max3A_56, %reduce_sum3A_63 [0] : vector<10000x128xf32> to vector<128xf32>
    %broadcast_in_dim3A_65 = vector.shape_cast %reduce_sum3A_64 : vector<128xf32> to vector<1x128xf32>
    %div3A_66 = arith.constant 1.000000e+04 : f32
    %div3A_67 = vector.broadcast %div3A_66 : f32 to vector<1x128xf32>
    %div3A_68 = arith.divf %broadcast_in_dim3A_65, %div3A_67 : vector<1x128xf32>
    %sub3A_69 = vector.broadcast %div3A_68 : vector<1x128xf32> to vector<10000x128xf32>
    %sub3A_70 = arith.subf %max3A_56, %sub3A_69 : vector<10000x128xf32>
    %mul3A_71 = arith.mulf %sub3A_70, %sub3A_70 : vector<10000x128xf32>
    %reduce_sum3A_72 = arith.constant dense<0.000000e+00> : vector<128xf32>
    %reduce_sum3A_73 = vector.multi_reduction <add>, %mul3A_71, %reduce_sum3A_72 [0] : vector<10000x128xf32> to vector<128xf32>
    %broadcast_in_dim3A_74 = vector.shape_cast %reduce_sum3A_73 : vector<128xf32> to vector<1x128xf32>
    %div3A_75 = arith.constant 1.000000e+04 : f32
    %div3A_76 = vector.broadcast %div3A_75 : f32 to vector<1x128xf32>
    %div3A_77 = arith.divf %broadcast_in_dim3A_74, %div3A_76 : vector<1x128xf32>
    %add3A_78 = arith.constant 9.99999974E-6 : f32
    %add3A_79 = vector.broadcast %add3A_78 : f32 to vector<1x128xf32>
    %add3A_80 = arith.addf %div3A_77, %add3A_79 : vector<1x128xf32>
    %rsqrt3A_81 = math.rsqrt %add3A_80 : vector<1x128xf32>
    %mul3A_82 = vector.broadcast %rsqrt3A_81 : vector<1x128xf32> to vector<10000x128xf32>
    %mul3A_83 = arith.mulf %sub3A_70, %mul3A_82 : vector<10000x128xf32>
    %mul3A_84 = vector.broadcast %get3A_59 : vector<1x128xf32> to vector<10000x128xf32>
    %mul3A_85 = arith.mulf %mul3A_83, %mul3A_84 : vector<10000x128xf32>
    %add3A_86 = vector.broadcast %get3A_62 : vector<1x128xf32> to vector<10000x128xf32>
    %add3A_87 = arith.addf %mul3A_85, %add3A_86 : vector<10000x128xf32>
    %max3A_88 = arith.constant 0.000000e+00 : f32
    %max3A_89 = vector.broadcast %max3A_88 : f32 to vector<10000x128xf32>
    %max3A_90 = arith.maximumf %add3A_87, %max3A_89 : vector<10000x128xf32>
    %get3A_91 = arith.constant 0 : index
    %get3A_92 = arith.constant 0 : index
    %get3A_93 = vector.load %arg9[%get3A_91, %get3A_92] : memref<128x1xf32, #tpu.memory_space<vmem>>, vector<128x1xf32>
    %dot_general3A_94 = arith.constant dense<0.000000e+00> : vector<10000x1xf32>
    %dot_general3A_95 = tpu.matmul %max3A_90, %get3A_93, %dot_general3A_94 {dimension_numbers = #tpu.dot_dimension_numbers<[1], [0], [0], [1], [0, 0, 1, 1], [], []>, transpose_lhs_hint = false} : vector<10000x128xf32>, vector<128x1xf32>, vector<10000x1xf32> -> vector<10000x1xf32>
    %get3A_96 = arith.constant 0 : index
    %get3A_97 = arith.constant 0 : index
    %get3A_98 = vector.load %arg10[%get3A_96, %get3A_97] : memref<1x1xf32, #tpu.memory_space<vmem>>, vector<1x1xf32>
    %get3A_99 = vector.extract %get3A_98[0, 0] : f32 from vector<1x1xf32>
    %add3A_100 = vector.broadcast %get3A_99 : f32 to vector<10000x1xf32>
    %add3A_101 = arith.addf %dot_general3A_95, %add3A_100 : vector<10000x1xf32>
    %swap3A = arith.constant 0 : index
    %swap3A_102 = arith.constant 0 : index
    %swap3A_103 = vector.load %arg11[%swap3A, %swap3A_102] : memref<10000x1xf32, #tpu.memory_space<vmem>>, vector<10000x1xf32>
    tpu.vector_store %arg11[%swap3A, %swap3A_102], %add3A_101 {strides = array<i32>} : memref<10000x1xf32, #tpu.memory_space<vmem>>, vector<10000x1xf32>,
    return
  }
}

</mosaic_0001>

<sc_bundles>
// kernel: kernel.6.cloned.1.call-start
scs
__scs_entry_jumppad:
0x0: {  	(pc) =	sbr.rel $0x88, $3  }
0x1: {  	(tag) =	ssettag $0x0;
	lr =	simm.s32 $0x1  }
0x2: {  	[smem:$0x3F8F] =	sst lr;
	_ =	strace $0xD0000000  }
0x3: {  	_ = 	snop  }
0x4: {  	_ = 	snop  }
0x5: {  	_ = 	snop  }
0x6: {  	_ = 	snop  }
0x7: {  	_ = 	snop  }
__scs_overlays_trampoline_lowered:
0x8: {  	[smem:$0x3F9E] =	sst s0  }
0x9: {  	[smem:$0x3F9F] =	sst s1  }
0xa: {  	[smem:$0x3FA0] =	sst s2  }
0xb: {  	[smem:$0x3FA1] =	sst s3  }
0xc: {  	[smem:$0x3FA2] =	sst s4  }
0xd: {  	[smem:$0x3FA3] =	sst s5  }
0xe: {  	[smem:$0x3FA4] =	sst s6  }
0xf: {  	[smem:$0x3FA5] =	sst s7  }
0x10: {  	[smem:$0x3FA6] =	sst s8  }
0x11: {  	[smem:$0x3FA7] =	sst s9;
	s0 =	simm.s32 @!p0 $0x0  }
0x12: {  	s1 =	sld [smem:$0x3F8D];
	s0 =	simm.s32 @p0 $0x1  }
0x13: {  	[smem:$0x3FA8] =	sst s0;
	s0 =	simm.s32 @!p1 $0x0  }
0x14: {  	s2 =	sld [smem:$0x3F8C];
	s0 =	simm.s32 @p1 $0x1  }
0x15: {  	[smem:$0x3FA9] =	sst s0;
	s0 =	simm.s32 @!p2 $0x0  }
0x16: {  	s3 =	sld [smem:$0x3FDB];
	s0 =	simm.s32 @p2 $0x1  }
0x17: {  	s4 =	simm.s32 $0x1BF5;
	[smem:$0x3FAB] =	sst s0  }
0x18: {  	s0 =	sld [smem:$0x3F8E];
	_ =	swait.ge [sflag:s4], $0x0  }
0x19: {  	s7 =	sld [smem:$0x3F8F]  }
0x1a: {  	s8 =	sadd.s32 $0xFFFFE003, lr  }
0x1b: {  	s9 =	sadd.s32 $0xFFFFFEF7, lr;
	s5 =	simm.s32 $0xFFFFFFFF;
	p2 =	slt.u32 s8, $0xFFFFF086  }
0x1c: {  	p1 =	slt.u32 s9, $0xF7A;
	s5 =	simm.s32 @!p2 $0x0  }
0x1d: {  	s5 =	simm.s32 @p1 $0x1;
	p0 =	seq.s32 s7, s2  }
0x1e: {  	s7 =	smul.u32 @!p0 $0xF7A, s2;
	p2 =	seq.s32 @!p0 s5, $0x0  }
0x1f: {  	s9 =	smul.u32 $0xF7A, s1;
	s8 =	simm.s32 @!p0 $0x1BF5;
	p2 =	por !p2, p0  }
0x20: {  	[sflag:s8] =	ssyncset.s32 @!p0 $0xFFFFF086;
	s6 =	sadd.s32 @!p0 s3, s7;
	s7 =	simm.s32 @!p0 $0x108  }
0x21: {  	s3 =	sadd.s32 s3, s9;
	s6 =	sadd.s32 @!p0 $0x88, s6;
	s7 =	simm.s32 @p2 $0x1082  }
0x22: {  	[simem:s7], [sflag:s8] =	dma.local @!p0 [hbm:s6], $0xF7A  }
0x23: {  	s9 =	sor.u32 $0xD0000000, s2;
	s6 =	simm.s32 $0x108;
	_ =	swait.ge @!p0 [sflag:s8], $0x0  }
0x24: {  	s3 =	sadd.s32 $0x88, s3;
	s6 =	simm.s32 @!p1 $0x1082;
	[sflag:s4] =	ssyncset.s32 $0xFFFFF086  }
0x25: {  	[simem:s6], [sflag:s4] =	dma.local [hbm:s3], $0xF7A  }
0x26: {  	[smem:$0x3F8F] =	sst s1;
	(tag) =	ssettag s2;
	_ =	strace s9  }
0x27: {  	s1 =	sld [smem:$0x3F9F]  }
0x28: {  	s2 =	sld [smem:$0x3FA0]  }
0x29: {  	s4 =	sld [smem:$0x3FA2]  }
0x2a: {  	p0 =	seq.s32 s5, $0x0;
	s5 =	sld [smem:$0x3FA3]  }
0x2b: {  	s6 =	sld [smem:$0x3FA4]  }
0x2c: {  	s7 =	sld [smem:$0x3FA5]  }
0x2d: {  	s3 =	simm.s32 $0x108;
	s8 =	sld [smem:$0x3FA6]  }
0x2e: {  	s3 =	simm.s32 @!p0 $0x1082;
	s9 =	sld [smem:$0x3FA7]  }
0x2f: {  	lr =	sadd.s32 s0, s3;
	s0 =	sld [smem:$0x3F9E]  }
0x30: {  	s3 =	sld [smem:$0x3FA1]  }
0x31: {  	[smem:$0x3FAA] =	sst s10  }
0x32: {  	s10 =	sld [smem:$0x3FA8];
	_ =	sdelay $0x3  }
0x33: {  	p0 =	seq.s32 s10, $0x1;
	s10 =	sld [smem:$0x3FAA];
	_ =	sdelay $0x3  }
0x34: {  	[smem:$0x3FAA] =	sst s10  }
0x35: {  	s10 =	sld [smem:$0x3FA9];
	_ =	sdelay $0x3  }
0x36: {  	p1 =	seq.s32 s10, $0x1;
	s10 =	sld [smem:$0x3FAA];
	_ =	sdelay $0x3  }
0x37: {  	[smem:$0x3FAA] =	sst s10  }
0x38: {  	s10 =	sld [smem:$0x3FAB]  }
0x39: {  	_ = 	snop;
	(pc) =	sbr.ind lr, $3  }
0x3a: {  	_ = 	snop  }
0x3b: {  	_ = 	snop  }
0x3c: {  	p2 =	seq.s32 s10, $0x1;
	s10 =	sld [smem:$0x3FAA]  }
0x3d: {  	_ =	shalt  }
0x3e: {  	_ =	shalt  }
0x3f: {  	_ =	shalt  }
0x40: {  	_ =	shalt  }
0x41: {  	_ =	shalt  }
0x42: {  	_ =	shalt  }
0x43: {  	_ =	shalt  }
0x44: {  	_ =	shalt  }
0x45: {  	_ =	shalt  }
0x46: {  	_ =	shalt  }
0x47: {  	_ =	shalt  }
0x48: {  	_ =	shalt  }
0x49: {  	_ =	shalt  }
0x4a: {  	_ =	shalt  }
0x4b: {  	_ =	shalt  }
0x4c: {  	_ =	shalt  }
0x4d: {  	_ =	shalt  }
0x4e: {  	_ =	shalt  }
0x4f: {  	_ =	shalt  }
0x50: {  	_ =	shalt  }
0x51: {  	_ =	shalt  }
0x52: {  	_ =	shalt  }
0x53: {  	_ =	shalt  }
0x54: {  	_ =	shalt  }
0x55: {  	_ =	shalt  }
0x56: {  	_ =	shalt  }
0x57: {  	_ =	shalt  }
0x58: {  	_ =	shalt  }
0x59: {  	_ =	shalt  }
0x5a: {  	_ =	shalt  }
0x5b: {  	_ =	shalt  }
0x5c: {  	_ =	shalt  }
0x5d: {  	_ =	shalt  }
0x5e: {  	_ =	shalt  }
0x5f: {  	_ =	shalt  }
0x60: {  	_ =	shalt  }
0x61: {  	_ =	shalt  }
0x62: {  	_ =	shalt  }
0x63: {  	_ =	shalt  }
0x64: {  	_ =	shalt  }
0x65: {  	_ =	shalt  }
0x66: {  	_ =	shalt  }
0x67: {  	_ =	shalt  }
0x68: {  	_ =	shalt  }
0x69: {  	_ =	shalt  }
0x6a: {  	_ =	shalt  }
0x6b: {  	_ =	shalt  }
0x6c: {  	_ =	shalt  }
0x6d: {  	_ =	shalt  }
0x6e: {  	_ =	shalt  }
0x6f: {  	_ =	shalt  }
0x70: {  	_ =	shalt  }
0x71: {  	_ =	shalt  }
0x72: {  	_ =	shalt  }
0x73: {  	_ =	shalt  }
0x74: {  	_ =	shalt  }
0x75: {  	_ =	shalt  }
0x76: {  	_ =	shalt  }
0x77: {  	_ =	shalt  }
0x78: {  	_ =	shalt  }
0x79: {  	_ =	shalt  }
0x7a: {  	_ =	shalt  }
0x7b: {  	_ =	shalt  }
0x7c: {  	_ =	shalt  }
0x7d: {  	_ =	shalt  }
0x7e: {  	_ =	shalt  }
0x7f: {  	_ =	shalt  }
0x80: {  	_ =	shalt  }
0x81: {  	_ =	shalt  }
0x82: {  	_ =	shalt  }
0x83: {  	_ =	shalt  }
0x84: {  	_ =	shalt  }
0x85: {  	_ =	shalt  }
0x86: {  	_ =	shalt  }
0x87: {  	_ =	shalt  }
.Lfunc_end0:
.L_simem_size_0:
called_computation_lowered:
.L_overlay_start_0:
0x88: {  	s2 =	sld [smem:$0x3FD9]  }
0x89: {  	s3 =	sld [smem:$0x3FFE];
	_ =	sdelay $0x1  }
0x8a: {  	s1 =	srdreg.scid  }
0x8b: {  	s0 =	sand.u32 $0x1, s1  }
0x8c: {  	s17 =	sshll.u32 s0, $0xA;
	s2 =	sadd.s32 s3, s2  }
0x8d: {  	s2 =	sadd.s32 s2, s17  }
0x8e: {  	[smem:$0x3FB6] =	sst s2  }
0x8f: {  	_ = 	snop  }
0x90: {  	s2 =	sld [smem:$0x3FC9];
	(tm) =	ssettm $0x1  }
0x91: {  	s18 =	sld [smem:$0x3FFB];
	_ =	sdelay $0x3  }
0x92: {  	_ =	strace s18  }
0x93: {  	s3 =	sld [smem:$0x3FFC];
	_ =	sdelay $0x3  }
0x94: {  	_ =	strace s3  }
0x95: {  	s3 =	sld [smem:$0x3FFD];
	_ =	sdelay $0x3  }
0x96: {  	_ =	strace s3  }
0x97: {  	_ =	strace $0x8FFFFFFF  }
0x98: {  	s19 =	sld [smem:$0x3FDB];
	_ =	sdelay $0x1  }
0x99: {  	s4 =	simm.s32 $_scs_section_size  }
0x9a: {  	s5 =	simm.s32 $_size__tile_overlayer_lowered;
	s6 =	simm.s32 $_tile_overlayer_lowered  }
0x9b: {  	s22 =	simm.s32 $0x1BFF;
	s21 =	sshll.u32 s6, $0x1;
	s3 =	sadd.s32 s4, s19  }
0x9c: {  	s7 =	simm.s32 $0x0;
	s20 =	sshll.u32 s5, $0x1;
	s5 =	sadd.s32 s21, s3  }
0x9d: {  	[timem:s7], [sflag:s22] =	dma.local [hbm:s5], s20  }
0x9e: {  	_ =	swait.ge [sflag:s22], s20  }
0x9f: {  	s4 =	ssub.s32 $0x0, s20;
	[sflag:s22] =	ssyncset.done $0x0  }
0xa0: {  	[sflag:s22] =	ssyncadd.s32 s4;
	_ =	sdelay $0x1  }
0xa1: {  	s23 =	simm.s32 $0x1B8B  }
0xa2: {  	_ =	swait.ge [sflag:s23], $0x1  }
0xa3: {  	[sflag:s23] =	ssyncset.done $0x0  }
0xa4: {  	s25 =	simm.s32 $0x1B8E;
	s24 =	sld [smem:$0x3FFE];
	[sflag:s23] =	ssyncadd.s32 $0xFFFFFFFF  }
0xa5: {  	s26 =	simm.s32 $execute0_lowered;
	[smem:$0x3FD2] =	sst s25  }
0xa6: {  	s5 =	sshll.u32 s26, $0x1;
	_ =	strace $0x80000046;
	[dreg:$0x1] =	wrdreg $0xFFFFFFFF  }
0xa7: {  	s28 =	simm.s32 $_size_execute0_lowered;
	s3 =	sadd.s32 s3, s5;
	[dreg:$0x0] =	wrdreg $0x0  }
0xa8: {  	s5 =	sshll.u32 s28, $0x1;
	[dreg:$0x2] =	wrdreg s3  }
0xa9: {  	[dreg:$0x3] =	wrdreg s5  }
0xaa: {  	[dreg:$0x4] =	wrdreg $0xC0  }
0xab: {  	_ =	task [dreg:s7], $0x5FFFF  }
0xac: {  	[dreg:$0x1] =	wrdreg $0xFFFFFFFF  }
0xad: {  	[dreg:$0x0] =	wrdreg $0x60  }
0xae: {  	[dreg:$0x2] =	wrdreg s2  }
0xaf: {  	[dreg:$0x3] =	wrdreg s24  }
0xb0: {  	[dreg:$0x4] =	wrdreg $0x90000  }
0xb1: {  	[dreg:$0x5] =	wrdreg $0x9  }
0xb2: {  	_ =	task.clear_ibuf [dreg:s7], $0x6FFFF;
	_ =	strace $0x90000046  }
0xb3: {  	s29 =	simm.s32 $0x9;
	_ =	strace $0x80000048  }
0xb4: {  	_ =	swait.ge [sflag:s29], $0x1  }
0xb5: {  	[sflag:s29] =	ssyncadd.s32 $0xFFFFFFFF  }
0xb6: {  	_ =	strace $0x90000048  }
0xb7: {  	_ =	sfence  }
0xb8: {  	s30 =	sld [smem:$0x0];
	_ =	sdelay $0x2  }
0xb9: {  	s31 =	sshll.u32 s1, $0xD;
	s1 =	sshrl.u32 s1, $0x2  }
0xba: {  	s3 =	sand.u32 $0x4000, s31;
	s1 =	sadd.s32 s1, s30  }
0xbb: {  	s0 =	sor.u32 s3, s0;
	s1 =	sshll.u32 s1, $0x11  }
0xbc: {  	s0 =	sor.u32 s1, s0  }
0xbd: {  	s0 =	sadd.s32 $0x8F2B, s0  }
0xbe: {  	[sflag:s0] =	ssyncadd.remote.s32 $0x1  }
0xbf: {  	_ =	sfence.sel $0xFFFF  }
0xc0: {  	[dreg:$0x0] =	wrdreg $0xFFFFFFFF;
	(pc) =	sbr.abs _section_cstart, $3  }
0xc1: {  	[dreg:$0x1] =	wrdreg $0xFFFFFFFF  }
0xc2: {  	_ =	task.clear_ibuf [dreg:s7], $0x2FFFF;
	_ =	strace $0x9FFFFFFF  }
0xc3: {  	(tm) =	ssettm $0x7FFFFFFF  }
tec
execute0_lowered:
.L_overlay_start_1:
0x0: {  	(tag) =	ssettag $0x1  }
0x1: {  	s1 =	rddreg [dreg:$0x0]  }
0x2: {  	s0 =	rddreg [dreg:$0x1]  }
0x3: {  	s3 =	rddreg [dreg:$0x2];
	s4 =	simm.s32 $0x0;
	s15 =	stileid.u32  }
0x4: {  	s2 =	srdreg.scid;
	s17 =	simm.s32 $0x3;
	s18 =	simm.s32 $0x2000  }
0x5: {  	s19 =	simm.s32 $0x50;
	s20 =	simm.s32 $0x4000;
	s21 =	simm.s32 $0x6800  }
0x6: {  	s22 =	simm.s32 $0x1;
	s23 =	simm.s32 $0x2;
	s30 =	simm.s32 $0x1E00  }
0x7: {  	s31 =	simm.s32 $0x3D80;
	[smem:$0x7FF] =	sst s4;
	s5 =	smul.u32 $0x2800, s15  }
0x8: {  	s2 =	sand.u32 $0x1, s2;
	s9 =	sadd.s32 $0x2A00, s0;
	s7 =	smul.u32 $0x50000, s15  }
0x9: {  	s10 =	sadd.s32 $0x12A00, s0;
	s11 =	sadd.s32 $0x49C00, s0;
	s14 =	sadd.s32 $0x12C000, s3  }
0xa: {  	s25 =	sshll.u32 s15, $0xC;
	s12 =	smul.u32 $0x14000, s15;
	p0 =	seq.s32 s15, $0xF  }
0xb: {  	_ =	strace $0x80000047;
	s6 =	ssub.s32 $0x2, s2;
	s26 =	sshll.u32 s2, $0xB  }
0xc: {  	s2 =	smul.u32 $0x138800, s2;
	s14 =	sshrl.u32 @p0 s14, $0x3;
	s5 =	sadd.s32 s5, s0  }
0xd: {  	s8 =	sshrl.u32 s6, $0x1;
	s24 =	sshrl.u32 s7, $0x2;
	s28 =	sor.u32 s26, s25  }
0xe: {  	s13 =	ssub.s32 s6, s8;
	s16 =	sadd.s32 s24, s3;
	s5 =	sadd.s32 $0x22A00, s5  }
0xf: {  	s6 =	sadd.s32 $0x48200, s0;
	s7 =	sadd.s32 s9, s28;
	s8 =	sadd.s32 s10, s28  }
0x10: {  	s0 =	sor.u32 $0x400, s28;
	s12 =	sadd.s32 s12, s2;
	s2 =	sshrl.u32 s2, $0x3  }
0x11: {  	s9 =	sadd.s32 s9, s0;
	s10 =	sadd.s32 s10, s0;
	s29 =	sshrl.u32 s12, $0x3  }
0x12: {  	s2 =	sadd.s32 s11, s2;
	s13 =	smax.u32 s13, $0x1;
	s0 =	sshll.u32 @!p0 s15, $0x6  }
0x13: {  	s16 =	sshrl.u32 @!p0 s16, $0x3;
	s11 =	sadd.s32 s11, s29;
	s12 =	sadd.s32 $0x25800, s2  }
0x14: {  	s15 =	sor.u32 @!p0 $0x1C03, s0;
	s0 =	simm.s32 $0x3E00;
	s2 =	simm.s32 $0x0  }
.LBB2_1:
0x15: {  	s24 =	simm.s32 @p0 $0x1FC3  }
0x16: {  	[spmem:s14], [sflag:s24] =	dma.local @p0 [hbm:s6], $0x1900  }
0x17: {  	s24 =	simm.s32 @p0 $0x3  }
0x18: {  	_ =	swait.ge @p0 [sflag:s24], $0x1900  }
0x19: {  	[sflag:s24] =	ssyncset.done @p0 $0x0  }
0x1a: {  	[sflag:s24] =	ssyncadd.s32 @p0 $0xFFFFE700;
	s24 =	simm.s32 @!p0 $0x3  }
0x1b: {  	[spmem:s16], [sflag:s15] =	dma.local @!p0 [hbm:s5], $0x2800  }
0x1c: {  	_ =	swait.ge @!p0 [sflag:s24], $0x2800  }
0x1d: {  	[sflag:s24] =	ssyncset.done @!p0 $0x0  }
0x1e: {  	[sflag:s24] =	ssyncadd.s32 @!p0 $0xFFFFD800  }
0x1f: {  	[bflag:$0x0] =	sbarrier.arrive $0xFFFF  }
0x20: {  	[tilespmem:s4], [sflag:$0x3] =	stream.linear.gather [hbm4b:s7+s4], $0x2000, $0x38;
	[tilespmem:$0x1C880] =	vst v63  }
0x21: {  	_ =	swait.ge [sflag:s17], $0x2000  }
0x22: {  	[sflag:s17] =	ssyncset.done $0x0  }
0x23: {  	[sflag:s17] =	ssyncadd.s32 $0xFFFFE000  }
0x24: {  	[tilespmem:s18], [sflag:$0x3] =	stream.linear.gather [hbm4b:s8+s4], $0x2000, $0x38;
	[tilespmem:$0x1C880] =	vst v63  }
0x25: {  	_ =	swait.ge [sflag:s17], $0x2000  }
0x26: {  	[sflag:s17] =	ssyncset.done $0x0  }
0x27: {  	[sflag:s17] =	ssyncadd.s32 $0xFFFFE000  }
0x28: {  	[tilespmem:s20], [sflag:$0x1] =	stream.indirect.gather [hbm4b:s1+s19], $0x80, s4, s19, $0xb8;
	[tilespmem:$0x1C880] =	vst v63  }
0x29: {  	s25 =	simm.s32 $0x80  }
0x2a: {  	[tilespmem:s21], [sflag:$0x2] =	stream.indirect.gather [hbm4b:s1+s19], $0x80, s25, s19, $0xb8;
	[tilespmem:$0x1C880] =	vst v63  }
0x2b: {  	_ =	swait.ge [sflag:s22], $0x2800  }
0x2c: {  	[sflag:s22] =	ssyncset.done $0x0  }
0x2d: {  	s26 =	simm.s32 $0x2000;
	[sflag:s22] =	ssyncadd.s32 $0xFFFFD800  }
0x2e: {  	[spmem:s3] =	stream.indirect.scatter.add.f32 [tilespmem:s20], [sflag:$0x3], $0x80, s26, s19, $0xb8;
	[tilespmem:$0x1C880] =	vst v63  }
0x2f: {  	_ =	swait.ge [sflag:s17], $0x2800  }
0x30: {  	[sflag:s17] =	ssyncset.done $0x0  }
0x31: {  	s28 =	simm.s32 $0x100;
	[sflag:s17] =	ssyncadd.s32 $0xFFFFD800  }
0x32: {  	[tilespmem:s20], [sflag:$0x1] =	stream.indirect.gather [hbm4b:s1+s19], $0x80, s28, s19, $0xb8;
	[tilespmem:$0x1C880] =	vst v63  }
0x33: {  	_ =	swait.ge [sflag:s23], $0x2800  }
0x34: {  	[sflag:s23] =	ssyncset.done $0x0  }
0x35: {  	s29 =	simm.s32 $0x2080;
	[sflag:s23] =	ssyncadd.s32 $0xFFFFD800  }
0x36: {  	[spmem:s3] =	stream.indirect.scatter.add.f32 [tilespmem:s21], [sflag:$0x3], $0x80, s29, s19, $0xb8;
	[tilespmem:$0x1C880] =	vst v63  }
0x37: {  	_ =	swait.ge [sflag:s17], $0x2800  }
0x38: {  	s24 =	simm.s32 $0x100;
	s25 =	simm.s32 $0x800;
	[sflag:s17] =	ssyncset.done $0x0  }
.LBB2_2:
0x39: {  	s26 =	sadd.s32 $0x80, s24  }
0x3a: {  	[sflag:s17] =	ssyncadd.s32 $0xFFFFD800;
	s28 =	smov.u32 s25;
	s29 =	sadd.s32 $0x400, s25  }
0x3b: {  	[tilespmem:s21], [sflag:$0x2] =	stream.indirect.gather [hbm4b:s1+s19], $0x80, s26, s19, $0xb8;
	[tilespmem:$0x1C880] =	vst v63  }
0x3c: {  	p1 =	sne.s32 s25, $0x7800;
	_ =	swait.ge [sflag:s22], $0x2800  }
0x3d: {  	[sflag:s22] =	ssyncset.done $0x0  }
0x3e: {  	s25 =	sadd.s32 $0x2000, s24;
	[sflag:s22] =	ssyncadd.s32 $0xFFFFD800  }
0x3f: {  	[spmem:s3] =	stream.indirect.scatter.add.f32 [tilespmem:s20], [sflag:$0x3], $0x80, s25, s19, $0xb8;
	[tilespmem:$0x1C880] =	vst v63  }
0x40: {  	_ =	swait.ge [sflag:s17], $0x2800  }
0x41: {  	[sflag:s17] =	ssyncset.done $0x0  }
0x42: {  	s25 =	sadd.s32 $0x100, s24;
	[sflag:s17] =	ssyncadd.s32 $0xFFFFD800  }
0x43: {  	[tilespmem:s20], [sflag:$0x1] =	stream.indirect.gather [hbm4b:s1+s19], $0x80, s25, s19, $0xb8;
	[tilespmem:$0x1C880] =	vst v63  }
0x44: {  	_ =	swait.ge [sflag:s23], $0x2800  }
.Ltmp0:
0x45: {  	[sflag:s23] =	ssyncset.done $0x0;
	(pc) =	sbr.rel @p1 .LBB2_2-.Ltmp0, $4  }
0x46: {  	s24 =	sadd.s32 $0x2080, s24;
	[sflag:s23] =	ssyncadd.s32 $0xFFFFD800  }
0x47: {  	[spmem:s3] =	stream.indirect.scatter.add.f32 [tilespmem:s21], [sflag:$0x3], $0x80, s24, s19, $0xb8;
	[tilespmem:$0x1C880] =	vst v63  }
0x48: {  	_ =	swait.ge [sflag:s17], $0x2800  }
0x49: {  	s25 =	smov.u32 s29;
	s24 =	sshra.s32 s28, $0x2;
	[sflag:s17] =	ssyncset.done $0x0  }
0x4a: {  	s25 =	sadd.s32 $0x80, s24;
	[sflag:s17] =	ssyncadd.s32 $0xFFFFD800  }
0x4b: {  	[tilespmem:s21], [sflag:$0x2] =	stream.indirect.gather [hbm4b:s1+s19], $0x80, s25, s19, $0xb8;
	[tilespmem:$0x1C880] =	vst v63  }
0x4c: {  	_ =	swait.ge [sflag:s22], $0x2800  }
0x4d: {  	[sflag:s22] =	ssyncset.done $0x0  }
0x4e: {  	s26 =	sadd.s32 $0x2000, s24;
	[sflag:s22] =	ssyncadd.s32 $0xFFFFD800  }
0x4f: {  	[spmem:s3] =	stream.indirect.scatter.add.f32 [tilespmem:s20], [sflag:$0x3], $0x80, s26, s19, $0xb8;
	[tilespmem:$0x1C880] =	vst v63  }
0x50: {  	_ =	swait.ge [sflag:s17], $0x2800  }
0x51: {  	[sflag:s17] =	ssyncset.done $0x0  }
0x52: {  	s28 =	sadd.s32 $0x100, s24;
	[sflag:s17] =	ssyncadd.s32 $0xFFFFD800  }
0x53: {  	[tilespmem:s20], [sflag:$0x1] =	stream.indirect.gather [hbm4b:s1+s19], $0x80, s28, s19, $0xb8;
	[tilespmem:$0x1C880] =	vst v63  }
0x54: {  	_ =	swait.ge [sflag:s23], $0x2800  }
0x55: {  	[sflag:s23] =	ssyncset.done $0x0  }
0x56: {  	s29 =	sadd.s32 $0x2080, s24;
	[sflag:s23] =	ssyncadd.s32 $0xFFFFD800  }
0x57: {  	[spmem:s3] =	stream.indirect.scatter.add.f32 [tilespmem:s21], [sflag:$0x3], $0x80, s29, s19, $0xb8;
	[tilespmem:$0x1C880] =	vst v63  }
0x58: {  	_ =	swait.ge [sflag:s17], $0x2800  }
0x59: {  	[sflag:s17] =	ssyncset.done $0x0  }
0x5a: {  	s25 =	simm.s32 $0x1F80;
	[sflag:s17] =	ssyncadd.s32 $0xFFFFD800  }
0x5b: {  	[tilespmem:s21], [sflag:$0x2] =	stream.indirect.gather [hbm4b:s1+s19], $0x80, s25, s19, $0xb8;
	[tilespmem:$0x1C880] =	vst v63  }
0x5c: {  	_ =	swait.ge [sflag:s22], $0x2800  }
0x5d: {  	[sflag:s22] =	ssyncset.done $0x0  }
0x5e: {  	s26 =	simm.s32 $0x3F00;
	[sflag:s22] =	ssyncadd.s32 $0xFFFFD800  }
0x5f: {  	[spmem:s3] =	stream.indirect.scatter.add.f32 [tilespmem:s20], [sflag:$0x3], $0x80, s26, s19, $0xb8;
	[tilespmem:$0x1C880] =	vst v63  }
0x60: {  	_ =	swait.ge [sflag:s17], $0x2800  }
0x61: {  	[sflag:s17] =	ssyncset.done $0x0  }
0x62: {  	[sflag:s17] =	ssyncadd.s32 $0xFFFFD800  }
0x63: {  	_ =	swait.ge [sflag:s23], $0x2800  }
0x64: {  	[sflag:s23] =	ssyncset.done $0x0  }
0x65: {  	s28 =	simm.s32 $0x3F80;
	[sflag:s23] =	ssyncadd.s32 $0xFFFFD800  }
0x66: {  	[spmem:s3] =	stream.indirect.scatter.add.f32 [tilespmem:s21], [sflag:$0x3], $0x80, s28, s19, $0xb8;
	[tilespmem:$0x1C880] =	vst v63  }
0x67: {  	_ =	swait.ge [sflag:s17], $0x2800  }
0x68: {  	[sflag:s17] =	ssyncset.done $0x0  }
0x69: {  	s29 =	simm.s32 $0x0;
	[sflag:s17] =	ssyncadd.s32 $0xFFFFD800  }
0x6a: {  	[tilespmem:s29], [sflag:$0x3] =	stream.linear.gather [hbm4b:s9+s29], $0x1E80, $0x38;
	[tilespmem:$0x1C880] =	vst v63  }
0x6b: {  	_ =	swait.ge [sflag:s17], $0x1E80  }
0x6c: {  	[sflag:s17] =	ssyncset.done $0x0  }
0x6d: {  	[sflag:s17] =	ssyncadd.s32 $0xFFFFE180  }
0x6e: {  	[tilespmem:s18], [sflag:$0x3] =	stream.linear.gather [hbm4b:s10+s29], $0x1E80, $0x38;
	[tilespmem:$0x1C880] =	vst v63  }
0x6f: {  	_ =	swait.ge [sflag:s17], $0x1E80  }
0x70: {  	[sflag:s17] =	ssyncset.done $0x0  }
0x71: {  	[sflag:s17] =	ssyncadd.s32 $0xFFFFE180  }
0x72: {  	[tilespmem:s20], [sflag:$0x1] =	stream.indirect.gather [hbm4b:s1+s19], $0x80, s29, s19, $0xb8;
	[tilespmem:$0x1C880] =	vst v63  }
0x73: {  	s25 =	simm.s32 $0x80  }
0x74: {  	[tilespmem:s21], [sflag:$0x2] =	stream.indirect.gather [hbm4b:s1+s19], $0x80, s25, s19, $0xb8;
	[tilespmem:$0x1C880] =	vst v63  }
0x75: {  	_ =	swait.ge [sflag:s22], $0x2800  }
0x76: {  	[sflag:s22] =	ssyncset.done $0x0  }
0x77: {  	s26 =	simm.s32 $0x2000;
	[sflag:s22] =	ssyncadd.s32 $0xFFFFD800  }
0x78: {  	[spmem:s3] =	stream.indirect.scatter.add.f32 [tilespmem:s20], [sflag:$0x3], $0x80, s26, s19, $0xb8;
	[tilespmem:$0x1C880] =	vst v63  }
0x79: {  	_ =	swait.ge [sflag:s17], $0x2800  }
0x7a: {  	[sflag:s17] =	ssyncset.done $0x0  }
0x7b: {  	s28 =	simm.s32 $0x100;
	[sflag:s17] =	ssyncadd.s32 $0xFFFFD800  }
0x7c: {  	[tilespmem:s20], [sflag:$0x1] =	stream.indirect.gather [hbm4b:s1+s19], $0x80, s28, s19, $0xb8;
	[tilespmem:$0x1C880] =	vst v63  }
0x7d: {  	_ =	swait.ge [sflag:s23], $0x2800  }
0x7e: {  	[sflag:s23] =	ssyncset.done $0x0  }
0x7f: {  	s29 =	simm.s32 $0x2080;
	[sflag:s23] =	ssyncadd.s32 $0xFFFFD800  }
0x80: {  	[spmem:s3] =	stream.indirect.scatter.add.f32 [tilespmem:s21], [sflag:$0x3], $0x80, s29, s19, $0xb8;
	[tilespmem:$0x1C880] =	vst v63  }
0x81: {  	_ =	swait.ge [sflag:s17], $0x2800  }
0x82: {  	s24 =	simm.s32 $0x100;
	s25 =	simm.s32 $0x800;
	[sflag:s17] =	ssyncset.done $0x0  }
.LBB2_4:
0x83: {  	s26 =	sadd.s32 $0x80, s24  }
0x84: {  	[sflag:s17] =	ssyncadd.s32 $0xFFFFD800;
	s28 =	smov.u32 s25;
	s29 =	sadd.s32 $0x400, s25  }
0x85: {  	[tilespmem:s21], [sflag:$0x2] =	stream.indirect.gather [hbm4b:s1+s19], $0x80, s26, s19, $0xb8;
	[tilespmem:$0x1C880] =	vst v63  }
0x86: {  	p1 =	sne.s32 s25, $0x7000;
	_ =	swait.ge [sflag:s22], $0x2800  }
0x87: {  	[sflag:s22] =	ssyncset.done $0x0  }
0x88: {  	s25 =	sadd.s32 $0x2000, s24;
	[sflag:s22] =	ssyncadd.s32 $0xFFFFD800  }
0x89: {  	[spmem:s3] =	stream.indirect.scatter.add.f32 [tilespmem:s20], [sflag:$0x3], $0x80, s25, s19, $0xb8;
	[tilespmem:$0x1C880] =	vst v63  }
0x8a: {  	_ =	swait.ge [sflag:s17], $0x2800  }
0x8b: {  	[sflag:s17] =	ssyncset.done $0x0  }
0x8c: {  	s25 =	sadd.s32 $0x100, s24;
	[sflag:s17] =	ssyncadd.s32 $0xFFFFD800  }
0x8d: {  	[tilespmem:s20], [sflag:$0x1] =	stream.indirect.gather [hbm4b:s1+s19], $0x80, s25, s19, $0xb8;
	[tilespmem:$0x1C880] =	vst v63  }
0x8e: {  	_ =	swait.ge [sflag:s23], $0x2800  }
.Ltmp1:
0x8f: {  	[sflag:s23] =	ssyncset.done $0x0;
	(pc) =	sbr.rel @p1 .LBB2_4-.Ltmp1, $4  }
0x90: {  	s24 =	sadd.s32 $0x2080, s24;
	[sflag:s23] =	ssyncadd.s32 $0xFFFFD800  }
0x91: {  	[spmem:s3] =	stream.indirect.scatter.add.f32 [tilespmem:s21], [sflag:$0x3], $0x80, s24, s19, $0xb8;
	[tilespmem:$0x1C880] =	vst v63  }
0x92: {  	_ =	swait.ge [sflag:s17], $0x2800  }
0x93: {  	s25 =	smov.u32 s29;
	s24 =	sshra.s32 s28, $0x2;
	[sflag:s17] =	ssyncset.done $0x0  }
0x94: {  	s25 =	sadd.s32 $0x80, s24;
	[sflag:s17] =	ssyncadd.s32 $0xFFFFD800  }
0x95: {  	[tilespmem:s21], [sflag:$0x2] =	stream.indirect.gather [hbm4b:s1+s19], $0x80, s25, s19, $0xb8;
	[tilespmem:$0x1C880] =	vst v63  }
0x96: {  	_ =	swait.ge [sflag:s22], $0x2800  }
0x97: {  	[sflag:s22] =	ssyncset.done $0x0  }
0x98: {  	s28 =	sadd.s32 $0x2000, s24;
	[sflag:s22] =	ssyncadd.s32 $0xFFFFD800  }
0x99: {  	[spmem:s3] =	stream.indirect.scatter.add.f32 [tilespmem:s20], [sflag:$0x3], $0x80, s28, s19, $0xb8;
	[tilespmem:$0x1C880] =	vst v63  }
0x9a: {  	_ =	swait.ge [sflag:s17], $0x2800  }
0x9b: {  	[sflag:s17] =	ssyncset.done $0x0  }
0x9c: {  	s29 =	sadd.s32 $0x100, s24;
	[sflag:s17] =	ssyncadd.s32 $0xFFFFD800  }
0x9d: {  	[tilespmem:s20], [sflag:$0x1] =	stream.indirect.gather [hbm4b:s1+s19], $0x80, s29, s19, $0xb8;
	[tilespmem:$0x1C880] =	vst v63  }
0x9e: {  	_ =	swait.ge [sflag:s23], $0x2800  }
0x9f: {  	[sflag:s23] =	ssyncset.done $0x0  }
0xa0: {  	s26 =	sadd.s32 $0x2080, s24;
	[sflag:s23] =	ssyncadd.s32 $0xFFFFD800  }
0xa1: {  	[spmem:s3] =	stream.indirect.scatter.add.f32 [tilespmem:s21], [sflag:$0x3], $0x80, s26, s19, $0xb8;
	[tilespmem:$0x1C880] =	vst v63  }
0xa2: {  	_ =	swait.ge [sflag:s17], $0x2800  }
0xa3: {  	[sflag:s17] =	ssyncset.done $0x0  }
0xa4: {  	s28 =	simm.s32 $0x1D80;
	[sflag:s17] =	ssyncadd.s32 $0xFFFFD800  }
0xa5: {  	[tilespmem:s21], [sflag:$0x2] =	stream.indirect.gather [hbm4b:s1+s19], $0x80, s28, s19, $0xb8;
	[tilespmem:$0x1C880] =	vst v63  }
0xa6: {  	_ =	swait.ge [sflag:s22], $0x2800  }
0xa7: {  	[sflag:s22] =	ssyncset.done $0x0  }
0xa8: {  	s29 =	simm.s32 $0x3D00;
	[sflag:s22] =	ssyncadd.s32 $0xFFFFD800  }
0xa9: {  	[spmem:s3] =	stream.indirect.scatter.add.f32 [tilespmem:s20], [sflag:$0x3], $0x80, s29, s19, $0xb8;
	[tilespmem:$0x1C880] =	vst v63  }
0xaa: {  	_ =	swait.ge [sflag:s17], $0x2800  }
0xab: {  	[sflag:s17] =	ssyncset.done $0x0  }
0xac: {  	[sflag:s17] =	ssyncadd.s32 $0xFFFFD800  }
0xad: {  	[tilespmem:s20], [sflag:$0x1] =	stream.indirect.gather [hbm4b:s1+s19], $0x80, s30, s19, $0xb8;
	[tilespmem:$0x1C880] =	vst v63  }
0xae: {  	_ =	swait.ge [sflag:s23], $0x2800  }
0xaf: {  	[sflag:s23] =	ssyncset.done $0x0  }
0xb0: {  	[sflag:s23] =	ssyncadd.s32 $0xFFFFD800  }
0xb1: {  	[spmem:s3] =	stream.indirect.scatter.add.f32 [tilespmem:s21], [sflag:$0x3], $0x80, s31, s19, $0xb8;
	[tilespmem:$0x1C880] =	vst v63  }
0xb2: {  	_ =	swait.ge [sflag:s17], $0x2800  }
0xb3: {  	[sflag:s17] =	ssyncset.done $0x0  }
0xb4: {  	[sflag:s17] =	ssyncadd.s32 $0xFFFFD800  }
0xb5: {  	_ =	swait.ge [sflag:s22], $0x2800  }
0xb6: {  	[sflag:s22] =	ssyncset.done $0x0  }
0xb7: {  	[sflag:s22] =	ssyncadd.s32 $0xFFFFD800  }
0xb8: {  	[spmem:s3] =	stream.indirect.scatter.add.f32 [tilespmem:s20], [sflag:$0x3], $0x80, s0, s19, $0xb8;
	[tilespmem:$0x1C880] =	vst v63  }
0xb9: {  	_ =	swait.ge [sflag:s17], $0x2800  }
0xba: {  	[sflag:s17] =	ssyncset.done $0x0  }
0xbb: {  	[sflag:s17] =	ssyncadd.s32 $0xFFFFD800  }
0xbc: {  	s24 =	simm.s32 @p0 $0x1FC3;
	[bflag:$0x0] =	sbarrier.arrive $0xFFFF  }
0xbd: {  	[hbm:s12], [sflag:s24] =	dma.local @p0 [spmem:s14], $0x1900  }
0xbe: {  	s24 =	simm.s32 @p0 $0x3  }
0xbf: {  	s2 =	sadd.s32 $0x1, s2;
	_ =	swait.ge @p0 [sflag:s24], $0x1900  }
0xc0: {  	p1 =	sne.s32 s2, s13;
	[sflag:s24] =	ssyncset.done @p0 $0x0  }
.Ltmp2:
0xc1: {  	[sflag:s24] =	ssyncadd.s32 @p0 $0xFFFFE700;
	s24 =	simm.s32 @!p0 $0x3;
	(pc) =	sbr.rel @p1 .LBB2_1-.Ltmp2, $4  }
0xc2: {  	[hbm:s11], [sflag:s15] =	dma.local @!p0 [spmem:s16], $0x2800  }
0xc3: {  	_ =	swait.ge @!p0 [sflag:s24], $0x2800  }
0xc4: {  	[sflag:s24] =	ssyncset.done @!p0 $0x0  }
0xc5: {  	[sflag:s24] =	ssyncadd.s32 @!p0 $0xFFFFD800  }
0xc6: {  	_ =	sfence.sel $0x180000  }
0xc7: {  	[bflag:$0x0] =	sbarrier.arrive $0xFFFF  }
0xc8: {  	_ =	strace $0x90000047  }
0xc9: {  	s0 =	stileid.u32;
	[bflag:$0x2] =	sbarrier.arrive $0xFFFF  }
0xca: {  	p0 =	sne.s32 s0, $0x0;
	s0 =	rddreg [dreg:$0x3]  }
0xcb: {  	s0 =	sadd.s32 @!p0 $0x100000, s0  }
0xcc: {  	[sflag:s0] =	ssyncadd.tile.s32 @!p0 $0x1;
	_ =	shalt  }
.Lfunc_end2:
_tile_overlayer_lowered:
.L_overlay_start_2:
0xcd: {  	(tag) =	ssettag $0x2  }
0xce: {  	s0 =	rddreg [dreg:$0x0];
	s2 =	stileid.u32  }
0xcf: {  	s1 =	rddreg [dreg:$0x1];
	p0 =	sne.s32 s2, $0x0  }
0xd0: {  	s3 =	rddreg [dreg:$0x2];
	[bflag:$0x3] =	sbarrier.arrive $0xFFFF;
	s2 =	simm.s32 @!p0 $0x1C03  }
0xd1: {  	[timem:s3], [sflag:s2] =	dma.local @!p0 [hbm:s0], s1  }
0xd2: {  	s0 =	simm.s32 @!p0 $0x3  }
0xd3: {  	_ =	swait.ge @!p0 [sflag:s0], s1  }
0xd4: {  	s1 =	ssub.s32 @!p0 $0x0, s1;
	[sflag:s0] =	ssyncset.done @!p0 $0x0  }
0xd5: {  	[sflag:s0] =	ssyncadd.s32 @!p0 s1  }
0xd6: {  	[bflag:$0x3] =	sbarrier.arrive $0xFFFF  }
0xd7: {  	_ =	shalt  }

// kernel: kernel.9.cloned.1.call-start
scs
__scs_entry_jumppad:
0x0: {  	(pc) =	sbr.rel $0x88, $3  }
0x1: {  	(tag) =	ssettag $0x0;
	lr =	simm.s32 $0x1  }
0x2: {  	[smem:$0x3F8F] =	sst lr;
	_ =	strace $0xD0000000  }
0x3: {  	_ = 	snop  }
0x4: {  	_ = 	snop  }
0x5: {  	_ = 	snop  }
0x6: {  	_ = 	snop  }
0x7: {  	_ = 	snop  }
__scs_overlays_trampoline_lowered:
0x8: {  	[smem:$0x3F9E] =	sst s0  }
0x9: {  	[smem:$0x3F9F] =	sst s1  }
0xa: {  	[smem:$0x3FA0] =	sst s2  }
0xb: {  	[smem:$0x3FA1] =	sst s3  }
0xc: {  	[smem:$0x3FA2] =	sst s4  }
0xd: {  	[smem:$0x3FA3] =	sst s5  }
0xe: {  	[smem:$0x3FA4] =	sst s6  }
0xf: {  	[smem:$0x3FA5] =	sst s7  }
0x10: {  	[smem:$0x3FA6] =	sst s8  }
0x11: {  	[smem:$0x3FA7] =	sst s9;
	s0 =	simm.s32 @!p0 $0x0  }
0x12: {  	s1 =	sld [smem:$0x3F8D];
	s0 =	simm.s32 @p0 $0x1  }
0x13: {  	[smem:$0x3FA8] =	sst s0;
	s0 =	simm.s32 @!p1 $0x0  }
0x14: {  	s2 =	sld [smem:$0x3F8C];
	s0 =	simm.s32 @p1 $0x1  }
0x15: {  	[smem:$0x3FA9] =	sst s0;
	s0 =	simm.s32 @!p2 $0x0  }
0x16: {  	s3 =	sld [smem:$0x3FDB];
	s0 =	simm.s32 @p2 $0x1  }
0x17: {  	s4 =	simm.s32 $0x1BF5;
	[smem:$0x3FAB] =	sst s0  }
0x18: {  	s0 =	sld [smem:$0x3F8E];
	_ =	swait.ge [sflag:s4], $0x0  }
0x19: {  	s7 =	sld [smem:$0x3F8F]  }
0x1a: {  	s8 =	sadd.s32 $0xFFFFE003, lr  }
0x1b: {  	s9 =	sadd.s32 $0xFFFFFEF7, lr;
	s5 =	simm.s32 $0xFFFFFFFF;
	p2 =	slt.u32 s8, $0xFFFFF086  }
0x1c: {  	p1 =	slt.u32 s9, $0xF7A;
	s5 =	simm.s32 @!p2 $0x0  }
0x1d: {  	s5 =	simm.s32 @p1 $0x1;
	p0 =	seq.s32 s7, s2  }
0x1e: {  	s7 =	smul.u32 @!p0 $0xF7A, s2;
	p2 =	seq.s32 @!p0 s5, $0x0  }
0x1f: {  	s9 =	smul.u32 $0xF7A, s1;
	s8 =	simm.s32 @!p0 $0x1BF5;
	p2 =	por !p2, p0  }
0x20: {  	[sflag:s8] =	ssyncset.s32 @!p0 $0xFFFFF086;
	s6 =	sadd.s32 @!p0 s3, s7;
	s7 =	simm.s32 @!p0 $0x108  }
0x21: {  	s3 =	sadd.s32 s3, s9;
	s6 =	sadd.s32 @!p0 $0x88, s6;
	s7 =	simm.s32 @p2 $0x1082  }
0x22: {  	[simem:s7], [sflag:s8] =	dma.local @!p0 [hbm:s6], $0xF7A  }
0x23: {  	s9 =	sor.u32 $0xD0000000, s2;
	s6 =	simm.s32 $0x108;
	_ =	swait.ge @!p0 [sflag:s8], $0x0  }
0x24: {  	s3 =	sadd.s32 $0x88, s3;
	s6 =	simm.s32 @!p1 $0x1082;
	[sflag:s4] =	ssyncset.s32 $0xFFFFF086  }
0x25: {  	[simem:s6], [sflag:s4] =	dma.local [hbm:s3], $0xF7A  }
0x26: {  	[smem:$0x3F8F] =	sst s1;
	(tag) =	ssettag s2;
	_ =	strace s9  }
0x27: {  	s1 =	sld [smem:$0x3F9F]  }
0x28: {  	s2 =	sld [smem:$0x3FA0]  }
0x29: {  	s4 =	sld [smem:$0x3FA2]  }
0x2a: {  	p0 =	seq.s32 s5, $0x0;
	s5 =	sld [smem:$0x3FA3]  }
0x2b: {  	s6 =	sld [smem:$0x3FA4]  }
0x2c: {  	s7 =	sld [smem:$0x3FA5]  }
0x2d: {  	s3 =	simm.s32 $0x108;
	s8 =	sld [smem:$0x3FA6]  }
0x2e: {  	s3 =	simm.s32 @!p0 $0x1082;
	s9 =	sld [smem:$0x3FA7]  }
0x2f: {  	lr =	sadd.s32 s0, s3;
	s0 =	sld [smem:$0x3F9E]  }
0x30: {  	s3 =	sld [smem:$0x3FA1]  }
0x31: {  	[smem:$0x3FAA] =	sst s10  }
0x32: {  	s10 =	sld [smem:$0x3FA8];
	_ =	sdelay $0x3  }
0x33: {  	p0 =	seq.s32 s10, $0x1;
	s10 =	sld [smem:$0x3FAA];
	_ =	sdelay $0x3  }
0x34: {  	[smem:$0x3FAA] =	sst s10  }
0x35: {  	s10 =	sld [smem:$0x3FA9];
	_ =	sdelay $0x3  }
0x36: {  	p1 =	seq.s32 s10, $0x1;
	s10 =	sld [smem:$0x3FAA];
	_ =	sdelay $0x3  }
0x37: {  	[smem:$0x3FAA] =	sst s10  }
0x38: {  	s10 =	sld [smem:$0x3FAB]  }
0x39: {  	_ = 	snop;
	(pc) =	sbr.ind lr, $3  }
0x3a: {  	_ = 	snop  }
0x3b: {  	_ = 	snop  }
0x3c: {  	p2 =	seq.s32 s10, $0x1;
	s10 =	sld [smem:$0x3FAA]  }
0x3d: {  	_ =	shalt  }
0x3e: {  	_ =	shalt  }
0x3f: {  	_ =	shalt  }
0x40: {  	_ =	shalt  }
0x41: {  	_ =	shalt  }
0x42: {  	_ =	shalt  }
0x43: {  	_ =	shalt  }
0x44: {  	_ =	shalt  }
0x45: {  	_ =	shalt  }
0x46: {  	_ =	shalt  }
0x47: {  	_ =	shalt  }
0x48: {  	_ =	shalt  }
0x49: {  	_ =	shalt  }
0x4a: {  	_ =	shalt  }
0x4b: {  	_ =	shalt  }
0x4c: {  	_ =	shalt  }
0x4d: {  	_ =	shalt  }
0x4e: {  	_ =	shalt  }
0x4f: {  	_ =	shalt  }
0x50: {  	_ =	shalt  }
0x51: {  	_ =	shalt  }
0x52: {  	_ =	shalt  }
0x53: {  	_ =	shalt  }
0x54: {  	_ =	shalt  }
0x55: {  	_ =	shalt  }
0x56: {  	_ =	shalt  }
0x57: {  	_ =	shalt  }
0x58: {  	_ =	shalt  }
0x59: {  	_ =	shalt  }
0x5a: {  	_ =	shalt  }
0x5b: {  	_ =	shalt  }
0x5c: {  	_ =	shalt  }
0x5d: {  	_ =	shalt  }
0x5e: {  	_ =	shalt  }
0x5f: {  	_ =	shalt  }
0x60: {  	_ =	shalt  }
0x61: {  	_ =	shalt  }
0x62: {  	_ =	shalt  }
0x63: {  	_ =	shalt  }
0x64: {  	_ =	shalt  }
0x65: {  	_ =	shalt  }
0x66: {  	_ =	shalt  }
0x67: {  	_ =	shalt  }
0x68: {  	_ =	shalt  }
0x69: {  	_ =	shalt  }
0x6a: {  	_ =	shalt  }
0x6b: {  	_ =	shalt  }
0x6c: {  	_ =	shalt  }
0x6d: {  	_ =	shalt  }
0x6e: {  	_ =	shalt  }
0x6f: {  	_ =	shalt  }
0x70: {  	_ =	shalt  }
0x71: {  	_ =	shalt  }
0x72: {  	_ =	shalt  }
0x73: {  	_ =	shalt  }
0x74: {  	_ =	shalt  }
0x75: {  	_ =	shalt  }
0x76: {  	_ =	shalt  }
0x77: {  	_ =	shalt  }
0x78: {  	_ =	shalt  }
0x79: {  	_ =	shalt  }
0x7a: {  	_ =	shalt  }
0x7b: {  	_ =	shalt  }
0x7c: {  	_ =	shalt  }
0x7d: {  	_ =	shalt  }
0x7e: {  	_ =	shalt  }
0x7f: {  	_ =	shalt  }
0x80: {  	_ =	shalt  }
0x81: {  	_ =	shalt  }
0x82: {  	_ =	shalt  }
0x83: {  	_ =	shalt  }
0x84: {  	_ =	shalt  }
0x85: {  	_ =	shalt  }
0x86: {  	_ =	shalt  }
0x87: {  	_ =	shalt  }
.Lfunc_end0:
.L_simem_size_0:
called_computation.1_lowered:
.L_overlay_start_0:
0x88: {  	s2 =	sld [smem:$0x3FD9]  }
0x89: {  	s3 =	sld [smem:$0x3FFE];
	_ =	sdelay $0x1  }
0x8a: {  	s1 =	srdreg.scid  }
0x8b: {  	s0 =	sand.u32 $0x1, s1  }
0x8c: {  	s16 =	sshll.u32 s0, $0xA;
	s2 =	sadd.s32 s3, s2  }
0x8d: {  	s2 =	sadd.s32 s2, s16  }
0x8e: {  	[smem:$0x3FB6] =	sst s2  }
0x8f: {  	_ = 	snop  }
0x90: {  	(tm) =	ssettm $0x1  }
0x91: {  	s17 =	sld [smem:$0x3FFB];
	_ =	sdelay $0x3  }
0x92: {  	_ =	strace s17  }
0x93: {  	s2 =	sld [smem:$0x3FFC];
	_ =	sdelay $0x3  }
0x94: {  	_ =	strace s2  }
0x95: {  	s2 =	sld [smem:$0x3FFD];
	_ =	sdelay $0x3  }
0x96: {  	_ =	strace s2  }
0x97: {  	_ =	strace $0x8FFFFFFF  }
0x98: {  	s18 =	sld [smem:$0x3FDB];
	_ =	sdelay $0x1  }
0x99: {  	s19 =	simm.s32 $_scs_section_size  }
0x9a: {  	s4 =	simm.s32 $_size__tile_overlayer_lowered;
	s5 =	simm.s32 $_tile_overlayer_lowered  }
0x9b: {  	s22 =	simm.s32 $0x1BFF;
	s21 =	sshll.u32 s5, $0x1;
	s2 =	sadd.s32 s19, s18  }
0x9c: {  	s6 =	simm.s32 $0x0;
	s20 =	sshll.u32 s4, $0x1;
	s4 =	sadd.s32 s21, s2  }
0x9d: {  	[timem:s6], [sflag:s22] =	dma.local [hbm:s4], s20  }
0x9e: {  	_ =	swait.ge [sflag:s22], s20  }
0x9f: {  	s3 =	ssub.s32 $0x0, s20;
	[sflag:s22] =	ssyncset.done $0x0  }
0xa0: {  	[sflag:s22] =	ssyncadd.s32 s3;
	_ =	sdelay $0x1  }
0xa1: {  	s23 =	simm.s32 $0x1B8B  }
0xa2: {  	_ =	swait.ge [sflag:s23], $0x1  }
0xa3: {  	[sflag:s23] =	ssyncset.done $0x0  }
0xa4: {  	s25 =	simm.s32 $0x1B8E;
	s24 =	sld [smem:$0x3FFE];
	[sflag:s23] =	ssyncadd.s32 $0xFFFFFFFF  }
0xa5: {  	s26 =	simm.s32 $execute0_lowered;
	[smem:$0x3FD2] =	sst s25  }
0xa6: {  	s4 =	sshll.u32 s26, $0x1;
	_ =	strace $0x80000049;
	[dreg:$0x1] =	wrdreg $0xFFFFFFFF  }
0xa7: {  	s28 =	simm.s32 $_size_execute0_lowered;
	s2 =	sadd.s32 s2, s4;
	[dreg:$0x0] =	wrdreg $0x0  }
0xa8: {  	s4 =	sshll.u32 s28, $0x1;
	[dreg:$0x2] =	wrdreg s2  }
0xa9: {  	[dreg:$0x3] =	wrdreg s4  }
0xaa: {  	[dreg:$0x4] =	wrdreg $0xC0  }
0xab: {  	_ =	task [dreg:s6], $0x5FFFF  }
0xac: {  	[dreg:$0x1] =	wrdreg $0xFFFFFFFF  }
0xad: {  	[dreg:$0x0] =	wrdreg $0x60  }
0xae: {  	[dreg:$0x2] =	wrdreg s24  }
0xaf: {  	[dreg:$0x3] =	wrdreg $0x90000  }
0xb0: {  	[dreg:$0x4] =	wrdreg $0x9  }
0xb1: {  	_ =	task.clear_ibuf [dreg:s6], $0x5FFFF;
	_ =	strace $0x90000049  }
0xb2: {  	s29 =	simm.s32 $0x9;
	_ =	strace $0x8000004B  }
0xb3: {  	_ =	swait.ge [sflag:s29], $0x1  }
0xb4: {  	[sflag:s29] =	ssyncadd.s32 $0xFFFFFFFF  }
0xb5: {  	_ =	strace $0x9000004B  }
0xb6: {  	_ =	sfence  }
0xb7: {  	s30 =	sld [smem:$0x0];
	_ =	sdelay $0x2  }
0xb8: {  	s31 =	sshll.u32 s1, $0xD;
	s1 =	sshrl.u32 s1, $0x2  }
0xb9: {  	s3 =	sand.u32 $0x4000, s31;
	s1 =	sadd.s32 s1, s30  }
0xba: {  	s0 =	sor.u32 s3, s0;
	s1 =	sshll.u32 s1, $0x11  }
0xbb: {  	s0 =	sor.u32 s1, s0  }
0xbc: {  	s0 =	sadd.s32 $0x8F2B, s0  }
0xbd: {  	[sflag:s0] =	ssyncadd.remote.s32 $0x1  }
0xbe: {  	_ =	sfence.sel $0xFFFF  }
0xbf: {  	[dreg:$0x0] =	wrdreg $0xFFFFFFFF;
	(pc) =	sbr.abs _section_cstart, $3  }
0xc0: {  	[dreg:$0x1] =	wrdreg $0xFFFFFFFF  }
0xc1: {  	_ =	task.clear_ibuf [dreg:s6], $0x2FFFF;
	_ =	strace $0x9FFFFFFF  }
0xc2: {  	(tm) =	ssettm $0x7FFFFFFF  }
0xc3: {  	_ =	shalt  }
tec
execute0_lowered:
.L_overlay_start_1:
0x0: {  	(tag) =	ssettag $0x1  }
0x1: {  	s0 =	rddreg [dreg:$0x0]  }
0x2: {  	s1 =	rddreg [dreg:$0x1]  }
0x3: {  	s3 =	simm.s32 $0x0;
	s15 =	stileid.u32;
	s2 =	srdreg.scid  }
0x4: {  	s17 =	simm.s32 $0x3;
	s18 =	simm.s32 $0x2000;
	s19 =	simm.s32 $0x50  }
0x5: {  	s20 =	simm.s32 $0x4000;
	s21 =	simm.s32 $0x6800;
	s22 =	simm.s32 $0x1  }
0x6: {  	s23 =	simm.s32 $0x2;
	s30 =	simm.s32 $0x1E00;
	s31 =	simm.s32 $0x3D80  }
0x7: {  	[smem:$0x7FF] =	sst s3;
	s4 =	sadd.s32 $0x49C00, s0;
	s5 =	smul.u32 $0x2800, s15  }
0x8: {  	s2 =	sand.u32 $0x1, s2;
	s9 =	sadd.s32 $0x2A00, s0;
	s7 =	smul.u32 $0x50000, s15  }
0x9: {  	s10 =	sadd.s32 $0x12A00, s0;
	s11 =	sadd.s32 $0x70E00, s0;
	s14 =	sadd.s32 $0x12C000, s1  }
0xa: {  	s25 =	sshll.u32 s15, $0xC;
	s12 =	smul.u32 $0x14000, s15;
	p0 =	seq.s32 s15, $0xF  }
0xb: {  	_ =	strace $0x8000004A;
	s6 =	ssub.s32 $0x2, s2;
	s26 =	sshll.u32 s2, $0xB  }
0xc: {  	s2 =	smul.u32 $0x138800, s2;
	s14 =	sshrl.u32 @p0 s14, $0x3;
	s5 =	sadd.s32 s5, s0  }
0xd: {  	s8 =	sshrl.u32 s6, $0x1;
	s24 =	sshrl.u32 s7, $0x2;
	s28 =	sor.u32 s26, s25  }
0xe: {  	s13 =	ssub.s32 s6, s8;
	s16 =	sadd.s32 s24, s1;
	s5 =	sadd.s32 $0x22A00, s5  }
0xf: {  	s6 =	sadd.s32 $0x48200, s0;
	s7 =	sadd.s32 s9, s28;
	s8 =	sadd.s32 s10, s28  }
0x10: {  	s0 =	sor.u32 $0x400, s28;
	s12 =	sadd.s32 s12, s2;
	s2 =	sshrl.u32 s2, $0x3  }
0x11: {  	s9 =	sadd.s32 s9, s0;
	s10 =	sadd.s32 s10, s0;
	s29 =	sshrl.u32 s12, $0x3  }
0x12: {  	s2 =	sadd.s32 s11, s2;
	s13 =	smax.u32 s13, $0x1;
	s0 =	sshll.u32 @!p0 s15, $0x6  }
0x13: {  	s16 =	sshrl.u32 @!p0 s16, $0x3;
	s11 =	sadd.s32 s11, s29;
	s12 =	sadd.s32 $0x25800, s2  }
0x14: {  	s15 =	sor.u32 @!p0 $0x1C03, s0;
	s0 =	simm.s32 $0x3E00;
	s2 =	simm.s32 $0x0  }
.LBB2_1:
0x15: {  	s24 =	simm.s32 @p0 $0x1FC3  }
0x16: {  	[spmem:s14], [sflag:s24] =	dma.local @p0 [hbm:s6], $0x1900  }
0x17: {  	s24 =	simm.s32 @p0 $0x3  }
0x18: {  	_ =	swait.ge @p0 [sflag:s24], $0x1900  }
0x19: {  	[sflag:s24] =	ssyncset.done @p0 $0x0  }
0x1a: {  	[sflag:s24] =	ssyncadd.s32 @p0 $0xFFFFE700;
	s24 =	simm.s32 @!p0 $0x3  }
0x1b: {  	[spmem:s16], [sflag:s15] =	dma.local @!p0 [hbm:s5], $0x2800  }
0x1c: {  	_ =	swait.ge @!p0 [sflag:s24], $0x2800  }
0x1d: {  	[sflag:s24] =	ssyncset.done @!p0 $0x0  }
0x1e: {  	[sflag:s24] =	ssyncadd.s32 @!p0 $0xFFFFD800  }
0x1f: {  	[bflag:$0x0] =	sbarrier.arrive $0xFFFF  }
0x20: {  	[tilespmem:s3], [sflag:$0x3] =	stream.linear.gather [hbm4b:s7+s3], $0x2000, $0x38;
	[tilespmem:$0x1C880] =	vst v63  }
0x21: {  	_ =	swait.ge [sflag:s17], $0x2000  }
0x22: {  	[sflag:s17] =	ssyncset.done $0x0  }
0x23: {  	[sflag:s17] =	ssyncadd.s32 $0xFFFFE000  }
0x24: {  	[tilespmem:s18], [sflag:$0x3] =	stream.linear.gather [hbm4b:s8+s3], $0x2000, $0x38;
	[tilespmem:$0x1C880] =	vst v63  }
0x25: {  	_ =	swait.ge [sflag:s17], $0x2000  }
0x26: {  	[sflag:s17] =	ssyncset.done $0x0  }
0x27: {  	[sflag:s17] =	ssyncadd.s32 $0xFFFFE000  }
0x28: {  	[tilespmem:s20], [sflag:$0x1] =	stream.indirect.gather [hbm4b:s4+s19], $0x80, s3, s19, $0xb8;
	[tilespmem:$0x1C880] =	vst v63  }
0x29: {  	s25 =	simm.s32 $0x80  }
0x2a: {  	[tilespmem:s21], [sflag:$0x2] =	stream.indirect.gather [hbm4b:s4+s19], $0x80, s25, s19, $0xb8;
	[tilespmem:$0x1C880] =	vst v63  }
0x2b: {  	_ =	swait.ge [sflag:s22], $0x2800  }
0x2c: {  	[sflag:s22] =	ssyncset.done $0x0  }
0x2d: {  	s26 =	simm.s32 $0x2000;
	[sflag:s22] =	ssyncadd.s32 $0xFFFFD800  }
0x2e: {  	[spmem:s1] =	stream.indirect.scatter.add.f32 [tilespmem:s20], [sflag:$0x3], $0x80, s26, s19, $0xb8;
	[tilespmem:$0x1C880] =	vst v63  }
0x2f: {  	_ =	swait.ge [sflag:s17], $0x2800  }
0x30: {  	[sflag:s17] =	ssyncset.done $0x0  }
0x31: {  	s28 =	simm.s32 $0x100;
	[sflag:s17] =	ssyncadd.s32 $0xFFFFD800  }
0x32: {  	[tilespmem:s20], [sflag:$0x1] =	stream.indirect.gather [hbm4b:s4+s19], $0x80, s28, s19, $0xb8;
	[tilespmem:$0x1C880] =	vst v63  }
0x33: {  	_ =	swait.ge [sflag:s23], $0x2800  }
0x34: {  	[sflag:s23] =	ssyncset.done $0x0  }
0x35: {  	s29 =	simm.s32 $0x2080;
	[sflag:s23] =	ssyncadd.s32 $0xFFFFD800  }
0x36: {  	[spmem:s1] =	stream.indirect.scatter.add.f32 [tilespmem:s21], [sflag:$0x3], $0x80, s29, s19, $0xb8;
	[tilespmem:$0x1C880] =	vst v63  }
0x37: {  	_ =	swait.ge [sflag:s17], $0x2800  }
0x38: {  	s24 =	simm.s32 $0x100;
	s25 =	simm.s32 $0x800;
	[sflag:s17] =	ssyncset.done $0x0  }
.LBB2_2:
0x39: {  	s26 =	sadd.s32 $0x80, s24  }
0x3a: {  	[sflag:s17] =	ssyncadd.s32 $0xFFFFD800;
	s28 =	smov.u32 s25;
	s29 =	sadd.s32 $0x400, s25  }
0x3b: {  	[tilespmem:s21], [sflag:$0x2] =	stream.indirect.gather [hbm4b:s4+s19], $0x80, s26, s19, $0xb8;
	[tilespmem:$0x1C880] =	vst v63  }
0x3c: {  	p1 =	sne.s32 s25, $0x7800;
	_ =	swait.ge [sflag:s22], $0x2800  }
0x3d: {  	[sflag:s22] =	ssyncset.done $0x0  }
0x3e: {  	s25 =	sadd.s32 $0x2000, s24;
	[sflag:s22] =	ssyncadd.s32 $0xFFFFD800  }
0x3f: {  	[spmem:s1] =	stream.indirect.scatter.add.f32 [tilespmem:s20], [sflag:$0x3], $0x80, s25, s19, $0xb8;
	[tilespmem:$0x1C880] =	vst v63  }
0x40: {  	_ =	swait.ge [sflag:s17], $0x2800  }
0x41: {  	[sflag:s17] =	ssyncset.done $0x0  }
0x42: {  	s25 =	sadd.s32 $0x100, s24;
	[sflag:s17] =	ssyncadd.s32 $0xFFFFD800  }
0x43: {  	[tilespmem:s20], [sflag:$0x1] =	stream.indirect.gather [hbm4b:s4+s19], $0x80, s25, s19, $0xb8;
	[tilespmem:$0x1C880] =	vst v63  }
0x44: {  	_ =	swait.ge [sflag:s23], $0x2800  }
.Ltmp0:
0x45: {  	[sflag:s23] =	ssyncset.done $0x0;
	(pc) =	sbr.rel @p1 .LBB2_2-.Ltmp0, $4  }
0x46: {  	s24 =	sadd.s32 $0x2080, s24;
	[sflag:s23] =	ssyncadd.s32 $0xFFFFD800  }
0x47: {  	[spmem:s1] =	stream.indirect.scatter.add.f32 [tilespmem:s21], [sflag:$0x3], $0x80, s24, s19, $0xb8;
	[tilespmem:$0x1C880] =	vst v63  }
0x48: {  	_ =	swait.ge [sflag:s17], $0x2800  }
0x49: {  	s25 =	smov.u32 s29;
	s24 =	sshra.s32 s28, $0x2;
	[sflag:s17] =	ssyncset.done $0x0  }
0x4a: {  	s25 =	sadd.s32 $0x80, s24;
	[sflag:s17] =	ssyncadd.s32 $0xFFFFD800  }
0x4b: {  	[tilespmem:s21], [sflag:$0x2] =	stream.indirect.gather [hbm4b:s4+s19], $0x80, s25, s19, $0xb8;
	[tilespmem:$0x1C880] =	vst v63  }
0x4c: {  	_ =	swait.ge [sflag:s22], $0x2800  }
0x4d: {  	[sflag:s22] =	ssyncset.done $0x0  }
0x4e: {  	s26 =	sadd.s32 $0x2000, s24;
	[sflag:s22] =	ssyncadd.s32 $0xFFFFD800  }
0x4f: {  	[spmem:s1] =	stream.indirect.scatter.add.f32 [tilespmem:s20], [sflag:$0x3], $0x80, s26, s19, $0xb8;
	[tilespmem:$0x1C880] =	vst v63  }
0x50: {  	_ =	swait.ge [sflag:s17], $0x2800  }
0x51: {  	[sflag:s17] =	ssyncset.done $0x0  }
0x52: {  	s28 =	sadd.s32 $0x100, s24;
	[sflag:s17] =	ssyncadd.s32 $0xFFFFD800  }
0x53: {  	[tilespmem:s20], [sflag:$0x1] =	stream.indirect.gather [hbm4b:s4+s19], $0x80, s28, s19, $0xb8;
	[tilespmem:$0x1C880] =	vst v63  }
0x54: {  	_ =	swait.ge [sflag:s23], $0x2800  }
0x55: {  	[sflag:s23] =	ssyncset.done $0x0  }
0x56: {  	s29 =	sadd.s32 $0x2080, s24;
	[sflag:s23] =	ssyncadd.s32 $0xFFFFD800  }
0x57: {  	[spmem:s1] =	stream.indirect.scatter.add.f32 [tilespmem:s21], [sflag:$0x3], $0x80, s29, s19, $0xb8;
	[tilespmem:$0x1C880] =	vst v63  }
0x58: {  	_ =	swait.ge [sflag:s17], $0x2800  }
0x59: {  	[sflag:s17] =	ssyncset.done $0x0  }
0x5a: {  	s25 =	simm.s32 $0x1F80;
	[sflag:s17] =	ssyncadd.s32 $0xFFFFD800  }
0x5b: {  	[tilespmem:s21], [sflag:$0x2] =	stream.indirect.gather [hbm4b:s4+s19], $0x80, s25, s19, $0xb8;
	[tilespmem:$0x1C880] =	vst v63  }
0x5c: {  	_ =	swait.ge [sflag:s22], $0x2800  }
0x5d: {  	[sflag:s22] =	ssyncset.done $0x0  }
0x5e: {  	s26 =	simm.s32 $0x3F00;
	[sflag:s22] =	ssyncadd.s32 $0xFFFFD800  }
0x5f: {  	[spmem:s1] =	stream.indirect.scatter.add.f32 [tilespmem:s20], [sflag:$0x3], $0x80, s26, s19, $0xb8;
	[tilespmem:$0x1C880] =	vst v63  }
0x60: {  	_ =	swait.ge [sflag:s17], $0x2800  }
0x61: {  	[sflag:s17] =	ssyncset.done $0x0  }
0x62: {  	[sflag:s17] =	ssyncadd.s32 $0xFFFFD800  }
0x63: {  	_ =	swait.ge [sflag:s23], $0x2800  }
0x64: {  	[sflag:s23] =	ssyncset.done $0x0  }
0x65: {  	s28 =	simm.s32 $0x3F80;
	[sflag:s23] =	ssyncadd.s32 $0xFFFFD800  }
0x66: {  	[spmem:s1] =	stream.indirect.scatter.add.f32 [tilespmem:s21], [sflag:$0x3], $0x80, s28, s19, $0xb8;
	[tilespmem:$0x1C880] =	vst v63  }
0x67: {  	_ =	swait.ge [sflag:s17], $0x2800  }
0x68: {  	[sflag:s17] =	ssyncset.done $0x0  }
0x69: {  	s29 =	simm.s32 $0x0;
	[sflag:s17] =	ssyncadd.s32 $0xFFFFD800  }
0x6a: {  	[tilespmem:s29], [sflag:$0x3] =	stream.linear.gather [hbm4b:s9+s29], $0x1E80, $0x38;
	[tilespmem:$0x1C880] =	vst v63  }
0x6b: {  	_ =	swait.ge [sflag:s17], $0x1E80  }
0x6c: {  	[sflag:s17] =	ssyncset.done $0x0  }
0x6d: {  	[sflag:s17] =	ssyncadd.s32 $0xFFFFE180  }
0x6e: {  	[tilespmem:s18], [sflag:$0x3] =	stream.linear.gather [hbm4b:s10+s29], $0x1E80, $0x38;
	[tilespmem:$0x1C880] =	vst v63  }
0x6f: {  	_ =	swait.ge [sflag:s17], $0x1E80  }
0x70: {  	[sflag:s17] =	ssyncset.done $0x0  }
0x71: {  	[sflag:s17] =	ssyncadd.s32 $0xFFFFE180  }
0x72: {  	[tilespmem:s20], [sflag:$0x1] =	stream.indirect.gather [hbm4b:s4+s19], $0x80, s29, s19, $0xb8;
	[tilespmem:$0x1C880] =	vst v63  }
0x73: {  	s25 =	simm.s32 $0x80  }
0x74: {  	[tilespmem:s21], [sflag:$0x2] =	stream.indirect.gather [hbm4b:s4+s19], $0x80, s25, s19, $0xb8;
	[tilespmem:$0x1C880] =	vst v63  }
0x75: {  	_ =	swait.ge [sflag:s22], $0x2800  }
0x76: {  	[sflag:s22] =	ssyncset.done $0x0  }
0x77: {  	s26 =	simm.s32 $0x2000;
	[sflag:s22] =	ssyncadd.s32 $0xFFFFD800  }
0x78: {  	[spmem:s1] =	stream.indirect.scatter.add.f32 [tilespmem:s20], [sflag:$0x3], $0x80, s26, s19, $0xb8;
	[tilespmem:$0x1C880] =	vst v63  }
0x79: {  	_ =	swait.ge [sflag:s17], $0x2800  }
0x7a: {  	[sflag:s17] =	ssyncset.done $0x0  }
0x7b: {  	s28 =	simm.s32 $0x100;
	[sflag:s17] =	ssyncadd.s32 $0xFFFFD800  }
0x7c: {  	[tilespmem:s20], [sflag:$0x1] =	stream.indirect.gather [hbm4b:s4+s19], $0x80, s28, s19, $0xb8;
	[tilespmem:$0x1C880] =	vst v63  }
0x7d: {  	_ =	swait.ge [sflag:s23], $0x2800  }
0x7e: {  	[sflag:s23] =	ssyncset.done $0x0  }
0x7f: {  	s29 =	simm.s32 $0x2080;
	[sflag:s23] =	ssyncadd.s32 $0xFFFFD800  }
0x80: {  	[spmem:s1] =	stream.indirect.scatter.add.f32 [tilespmem:s21], [sflag:$0x3], $0x80, s29, s19, $0xb8;
	[tilespmem:$0x1C880] =	vst v63  }
0x81: {  	_ =	swait.ge [sflag:s17], $0x2800  }
0x82: {  	s24 =	simm.s32 $0x100;
	s25 =	simm.s32 $0x800;
	[sflag:s17] =	ssyncset.done $0x0  }
.LBB2_4:
0x83: {  	s26 =	sadd.s32 $0x80, s24  }
0x84: {  	[sflag:s17] =	ssyncadd.s32 $0xFFFFD800;
	s28 =	smov.u32 s25;
	s29 =	sadd.s32 $0x400, s25  }
0x85: {  	[tilespmem:s21], [sflag:$0x2] =	stream.indirect.gather [hbm4b:s4+s19], $0x80, s26, s19, $0xb8;
	[tilespmem:$0x1C880] =	vst v63  }
0x86: {  	p1 =	sne.s32 s25, $0x7000;
	_ =	swait.ge [sflag:s22], $0x2800  }
0x87: {  	[sflag:s22] =	ssyncset.done $0x0  }
0x88: {  	s25 =	sadd.s32 $0x2000, s24;
	[sflag:s22] =	ssyncadd.s32 $0xFFFFD800  }
0x89: {  	[spmem:s1] =	stream.indirect.scatter.add.f32 [tilespmem:s20], [sflag:$0x3], $0x80, s25, s19, $0xb8;
	[tilespmem:$0x1C880] =	vst v63  }
0x8a: {  	_ =	swait.ge [sflag:s17], $0x2800  }
0x8b: {  	[sflag:s17] =	ssyncset.done $0x0  }
0x8c: {  	s25 =	sadd.s32 $0x100, s24;
	[sflag:s17] =	ssyncadd.s32 $0xFFFFD800  }
0x8d: {  	[tilespmem:s20], [sflag:$0x1] =	stream.indirect.gather [hbm4b:s4+s19], $0x80, s25, s19, $0xb8;
	[tilespmem:$0x1C880] =	vst v63  }
0x8e: {  	_ =	swait.ge [sflag:s23], $0x2800  }
.Ltmp1:
0x8f: {  	[sflag:s23] =	ssyncset.done $0x0;
	(pc) =	sbr.rel @p1 .LBB2_4-.Ltmp1, $4  }
0x90: {  	s24 =	sadd.s32 $0x2080, s24;
	[sflag:s23] =	ssyncadd.s32 $0xFFFFD800  }
0x91: {  	[spmem:s1] =	stream.indirect.scatter.add.f32 [tilespmem:s21], [sflag:$0x3], $0x80, s24, s19, $0xb8;
	[tilespmem:$0x1C880] =	vst v63  }
0x92: {  	_ =	swait.ge [sflag:s17], $0x2800  }
0x93: {  	s25 =	smov.u32 s29;
	s24 =	sshra.s32 s28, $0x2;
	[sflag:s17] =	ssyncset.done $0x0  }
0x94: {  	s25 =	sadd.s32 $0x80, s24;
	[sflag:s17] =	ssyncadd.s32 $0xFFFFD800  }
0x95: {  	[tilespmem:s21], [sflag:$0x2] =	stream.indirect.gather [hbm4b:s4+s19], $0x80, s25, s19, $0xb8;
	[tilespmem:$0x1C880] =	vst v63  }
0x96: {  	_ =	swait.ge [sflag:s22], $0x2800  }
0x97: {  	[sflag:s22] =	ssyncset.done $0x0  }
0x98: {  	s28 =	sadd.s32 $0x2000, s24;
	[sflag:s22] =	ssyncadd.s32 $0xFFFFD800  }
0x99: {  	[spmem:s1] =	stream.indirect.scatter.add.f32 [tilespmem:s20], [sflag:$0x3], $0x80, s28, s19, $0xb8;
	[tilespmem:$0x1C880] =	vst v63  }
0x9a: {  	_ =	swait.ge [sflag:s17], $0x2800  }
0x9b: {  	[sflag:s17] =	ssyncset.done $0x0  }
0x9c: {  	s29 =	sadd.s32 $0x100, s24;
	[sflag:s17] =	ssyncadd.s32 $0xFFFFD800  }
0x9d: {  	[tilespmem:s20], [sflag:$0x1] =	stream.indirect.gather [hbm4b:s4+s19], $0x80, s29, s19, $0xb8;
	[tilespmem:$0x1C880] =	vst v63  }
0x9e: {  	_ =	swait.ge [sflag:s23], $0x2800  }
0x9f: {  	[sflag:s23] =	ssyncset.done $0x0  }
0xa0: {  	s26 =	sadd.s32 $0x2080, s24;
	[sflag:s23] =	ssyncadd.s32 $0xFFFFD800  }
0xa1: {  	[spmem:s1] =	stream.indirect.scatter.add.f32 [tilespmem:s21], [sflag:$0x3], $0x80, s26, s19, $0xb8;
	[tilespmem:$0x1C880] =	vst v63  }
0xa2: {  	_ =	swait.ge [sflag:s17], $0x2800  }
0xa3: {  	[sflag:s17] =	ssyncset.done $0x0  }
0xa4: {  	s28 =	simm.s32 $0x1D80;
	[sflag:s17] =	ssyncadd.s32 $0xFFFFD800  }
0xa5: {  	[tilespmem:s21], [sflag:$0x2] =	stream.indirect.gather [hbm4b:s4+s19], $0x80, s28, s19, $0xb8;
	[tilespmem:$0x1C880] =	vst v63  }
0xa6: {  	_ =	swait.ge [sflag:s22], $0x2800  }
0xa7: {  	[sflag:s22] =	ssyncset.done $0x0  }
0xa8: {  	s29 =	simm.s32 $0x3D00;
	[sflag:s22] =	ssyncadd.s32 $0xFFFFD800  }
0xa9: {  	[spmem:s1] =	stream.indirect.scatter.add.f32 [tilespmem:s20], [sflag:$0x3], $0x80, s29, s19, $0xb8;
	[tilespmem:$0x1C880] =	vst v63  }
0xaa: {  	_ =	swait.ge [sflag:s17], $0x2800  }
0xab: {  	[sflag:s17] =	ssyncset.done $0x0  }
0xac: {  	[sflag:s17] =	ssyncadd.s32 $0xFFFFD800  }
0xad: {  	[tilespmem:s20], [sflag:$0x1] =	stream.indirect.gather [hbm4b:s4+s19], $0x80, s30, s19, $0xb8;
	[tilespmem:$0x1C880] =	vst v63  }
0xae: {  	_ =	swait.ge [sflag:s23], $0x2800  }
0xaf: {  	[sflag:s23] =	ssyncset.done $0x0  }
0xb0: {  	[sflag:s23] =	ssyncadd.s32 $0xFFFFD800  }
0xb1: {  	[spmem:s1] =	stream.indirect.scatter.add.f32 [tilespmem:s21], [sflag:$0x3], $0x80, s31, s19, $0xb8;
	[tilespmem:$0x1C880] =	vst v63  }
0xb2: {  	_ =	swait.ge [sflag:s17], $0x2800  }
0xb3: {  	[sflag:s17] =	ssyncset.done $0x0  }
0xb4: {  	[sflag:s17] =	ssyncadd.s32 $0xFFFFD800  }
0xb5: {  	_ =	swait.ge [sflag:s22], $0x2800  }
0xb6: {  	[sflag:s22] =	ssyncset.done $0x0  }
0xb7: {  	[sflag:s22] =	ssyncadd.s32 $0xFFFFD800  }
0xb8: {  	[spmem:s1] =	stream.indirect.scatter.add.f32 [tilespmem:s20], [sflag:$0x3], $0x80, s0, s19, $0xb8;
	[tilespmem:$0x1C880] =	vst v63  }
0xb9: {  	_ =	swait.ge [sflag:s17], $0x2800  }
0xba: {  	[sflag:s17] =	ssyncset.done $0x0  }
0xbb: {  	[sflag:s17] =	ssyncadd.s32 $0xFFFFD800  }
0xbc: {  	s24 =	simm.s32 @p0 $0x1FC3;
	[bflag:$0x0] =	sbarrier.arrive $0xFFFF  }
0xbd: {  	[hbm:s12], [sflag:s24] =	dma.local @p0 [spmem:s14], $0x1900  }
0xbe: {  	s24 =	simm.s32 @p0 $0x3  }
0xbf: {  	s2 =	sadd.s32 $0x1, s2;
	_ =	swait.ge @p0 [sflag:s24], $0x1900  }
0xc0: {  	p1 =	sne.s32 s2, s13;
	[sflag:s24] =	ssyncset.done @p0 $0x0  }
.Ltmp2:
0xc1: {  	[sflag:s24] =	ssyncadd.s32 @p0 $0xFFFFE700;
	s24 =	simm.s32 @!p0 $0x3;
	(pc) =	sbr.rel @p1 .LBB2_1-.Ltmp2, $4  }
0xc2: {  	[hbm:s11], [sflag:s15] =	dma.local @!p0 [spmem:s16], $0x2800  }
0xc3: {  	_ =	swait.ge @!p0 [sflag:s24], $0x2800  }
0xc4: {  	[sflag:s24] =	ssyncset.done @!p0 $0x0  }
0xc5: {  	[sflag:s24] =	ssyncadd.s32 @!p0 $0xFFFFD800  }
0xc6: {  	_ =	sfence.sel $0x180000  }
0xc7: {  	[bflag:$0x0] =	sbarrier.arrive $0xFFFF  }
0xc8: {  	_ =	strace $0x9000004A  }
0xc9: {  	s0 =	stileid.u32;
	[bflag:$0x2] =	sbarrier.arrive $0xFFFF  }
0xca: {  	p0 =	sne.s32 s0, $0x0;
	s0 =	rddreg [dreg:$0x2]  }
0xcb: {  	s0 =	sadd.s32 @!p0 $0x100000, s0  }
0xcc: {  	[sflag:s0] =	ssyncadd.tile.s32 @!p0 $0x1;
	_ =	shalt  }
.Lfunc_end2:
_tile_overlayer_lowered:
.L_overlay_start_2:
0xcd: {  	(tag) =	ssettag $0x2  }
0xce: {  	s0 =	rddreg [dreg:$0x0];
	s2 =	stileid.u32  }
0xcf: {  	s1 =	rddreg [dreg:$0x1];
	p0 =	sne.s32 s2, $0x0  }
0xd0: {  	s3 =	rddreg [dreg:$0x2];
	[bflag:$0x3] =	sbarrier.arrive $0xFFFF;
	s2 =	simm.s32 @!p0 $0x1C03  }
0xd1: {  	[timem:s3], [sflag:s2] =	dma.local @!p0 [hbm:s0], s1  }
0xd2: {  	s0 =	simm.s32 @!p0 $0x3  }
0xd3: {  	_ =	swait.ge @!p0 [sflag:s0], s1  }
0xd4: {  	s1 =	ssub.s32 @!p0 $0x0, s1;
	[sflag:s0] =	ssyncset.done @!p0 $0x0  }
0xd5: {  	[sflag:s0] =	ssyncadd.s32 @!p0 s1  }
0xd6: {  	[bflag:$0x3] =	sbarrier.arrive $0xFFFF  }
0xd7: {  	_ =	shalt  }

</sc_bundles>
